<compile_context>
chip_gen: v7x
topology: tpu7x:2x2x1
jax: 0.10.2.dev20260603
libtpu: 0.0.44.dev20260713+nightly
codegen_flags: <defaults>
</compile_context>

<pallas_src>
import jax
import jax.numpy as jnp
from jax import lax
from jax.experimental import pallas as pl
from jax.experimental.pallas import tpu as pltpu
from jax.experimental.pallas import tpu_sc as plsc
from jax._src.pallas import core as _pallas_core
from jax._src.pallas.mosaic import core as _tpu_core

_N, _C = 65536, 256

_NW = 32
_TEC_ROWS = 40960
_TEC_PER_W = _TEC_ROWS // _NW
_TR = 120

_NSCS = 2
_SCS_ROWS = _N - _TEC_ROWS
_SCS_PER_W = _SCS_ROWS // _NSCS
_SR = 1024


def _chunk_list(total, step):
    return [(o, min(step, total - o)) for o in range(0, total, step)]

_TCH = _chunk_list(_TEC_PER_W, _TR)
_SCH = _chunk_list(_SCS_PER_W, _SR)


def _ring(x_hbm, out_hbm, base, chunks, bufs, lds, sts, patch_wid=None):
    nb = len(bufs)
    """Depth-2 load/store ring copying rows [base, base+sum(chunks)) of x
    to both output halves, staging through bufs."""

    def ld_copy(idx):
        off, ln = chunks[idx]
        b = idx % nb
        return pltpu.make_async_copy(
            x_hbm.at[pl.ds(base + off, ln)],
            bufs[b].at[pl.ds(0, ln)], lds[b])

    def st_copies(idx):
        off, ln = chunks[idx]
        b = idx % nb
        return (
            pltpu.make_async_copy(
                bufs[b].at[pl.ds(0, ln)],
                out_hbm.at[pl.ds(base + off, ln)], sts[b]),
            pltpu.make_async_copy(
                bufs[b].at[pl.ds(0, ln)],
                out_hbm.at[pl.ds(_N + base + off, ln)], sts[b]),
        )

    for i in range(min(nb, len(chunks))):
        ld_copy(i).start()

    for idx in range(len(chunks)):
        ld_copy(idx).wait()

        if idx == 0 and patch_wid is not None:
            @pl.when(patch_wid == 0)
            def _patch():
                v = bufs[0][0, pl.ds(0, 16)]
                lane = lax.iota(jnp.int32, 16)
                bufs[0][0, pl.ds(0, 16)] = jnp.where(
                    lane == 0, jnp.float32(100.0), v)

        s1, s2 = st_copies(idx)
        s1.start()
        s2.start()

        if idx + nb < len(chunks):
            s1.wait()
            s2.wait()
            ld_copy(idx + nb).start()

    for idx in range(max(0, len(chunks) - nb), len(chunks)):
        s1, s2 = st_copies(idx)
        s1.wait()
        s2.wait()


def _tec_body(x_hbm, out_hbm, tb0, tb1, tb2, sb0, sb1):
    wid = lax.axis_index("s") * 2 + lax.axis_index("c")
    base = wid * _TEC_PER_W

    def scoped(ld0, ld1, ld2, st0, st1, st2):
        _ring(x_hbm, out_hbm, base, _TCH, (tb0, tb1, tb2),
              (ld0, ld1, ld2), (st0, st1, st2), patch_wid=wid)

    pl.run_scoped(
        scoped,
        pltpu.SemaphoreType.DMA,
        pltpu.SemaphoreType.DMA,
        pltpu.SemaphoreType.DMA,
        pltpu.SemaphoreType.DMA,
        pltpu.SemaphoreType.DMA,
        pltpu.SemaphoreType.DMA,
    )


def _scs_body(x_hbm, out_hbm, tb0, tb1, tb2, sb0, sb1):
    cid = lax.axis_index("c")
    base = _TEC_ROWS + cid * _SCS_PER_W

    def scoped(ld0, ld1, st0, st1):
        _ring(x_hbm, out_hbm, base, _SCH, (sb0, sb1), (ld0, ld1),
              (st0, st1))

    pl.run_scoped(
        scoped,
        pltpu.SemaphoreType.DMA,
        pltpu.SemaphoreType.DMA,
        pltpu.SemaphoreType.DMA,
        pltpu.SemaphoreType.DMA,
    )


def kernel(x):
    v_mesh = plsc.VectorSubcoreMesh(core_axis_name="c",
                                    subcore_axis_name="s")
    s_mesh = plsc.ScalarSubcoreMesh(axis_name="c", num_cores=_NSCS)
    tec_vmem = _pallas_core.CoreMemorySpace(
        _tpu_core.MemorySpace.VMEM, v_mesh)
    f = pl.kernel(
        body=[_tec_body, _scs_body],
        mesh=[v_mesh, s_mesh],
        out_type=jax.ShapeDtypeStruct((2 * _N, _C), jnp.float32),
        scratch_types=[
            tec_vmem((_TR, _C), jnp.float32),
            tec_vmem((_TR, _C), jnp.float32),
            tec_vmem((_TR, _C), jnp.float32),
            pltpu.VMEM_SHARED((_SR, _C), jnp.float32),
            pltpu.VMEM_SHARED((_SR, _C), jnp.float32),
        ],
    )
    return f(x)

# --- scband reference (transcript-rebuilt; emitter-appended) ---
"""Pipeline reference for scband-my-model-61933428416404 (READ-ONLY COPY).

The authoritative reference and input builder live on the scoring server;
editing this copy changes nothing except your own understanding.
"""

import jax, jax.numpy as jnp
import numpy as np

def setup_inputs(seed: int = 0) -> dict:
    key = jax.random.key(seed)
    x = jax.random.normal(key, (65536, 256), dtype=jnp.float32)
    return {"x": x}

def reference(x):
    # faithful translation of: x[0, 0] = 100; y = torch.cat([x, x], dim=0)
    x = x.at[0, 0].set(100.0)
    y = jnp.concatenate([x, x], axis=0)
    return y

if __name__ == "__main__":
    import jax
    _d = setup_inputs()
    print(jax.jit(kernel)(*tuple(_d.values())))

</pallas_src>

<mosaic_0001>
#map = affine_map<(d0, d1) -> (0, 0)>
#map1 = affine_map<(d0) -> (0, 0)>
module attributes {stable_mosaic.version = 14 : i64} {
  func.func @_tec_body(%arg0: i32, %arg1: i32, %arg2: memref<65536x256xf32, #tpu.memory_space<hbm>>, %arg3: memref<131072x256xf32, #tpu.memory_space<hbm>>, %arg4: memref<120x256xf32, #tpu.memory_space<vmem>>, %arg5: memref<120x256xf32, #tpu.memory_space<vmem>>, %arg6: memref<120x256xf32, #tpu.memory_space<vmem>>, %arg7: memref<1024x256xf32, #tpu.memory_space<vmem_shared>>, %arg8: memref<1024x256xf32, #tpu.memory_space<vmem_shared>>) attributes {dimension_semantics = [#tpu.dimension_semantics<core_parallel>, #tpu.dimension_semantics<subcore_parallel>], iteration_bounds = array<i64: 2, 16>, scalar_prefetch = 0 : i64, scratch_operands = 5 : i64, tpu.core_type = #tpu.core_type<sc_vector_subcore>, window_params = [{transform_indices = #map}, {transform_indices = #map}]} {
    %mul3A = arith.constant 2 : i32
    %mul3A_0 = arith.muli %arg1, %mul3A : i32
    %add3A = arith.addi %mul3A_0, %arg0 : i32
    %mul3A_1 = arith.constant 1280 : i32
    %mul3A_2 = arith.muli %add3A, %mul3A_1 : i32
    "tpu.region"() ({
      %run_scoped3A = tpu.sem_alloc : memref<!tpu.dma_semaphore, #tpu.memory_space<semaphore_mem>>
      %run_scoped3A_3 = tpu.sem_alloc : memref<!tpu.dma_semaphore, #tpu.memory_space<semaphore_mem>>
      %run_scoped3A_4 = tpu.sem_alloc : memref<!tpu.dma_semaphore, #tpu.memory_space<semaphore_mem>>
      %run_scoped3A_5 = tpu.sem_alloc : memref<!tpu.dma_semaphore, #tpu.memory_space<semaphore_mem>>
      %run_scoped3A_6 = tpu.sem_alloc : memref<!tpu.dma_semaphore, #tpu.memory_space<semaphore_mem>>
      %run_scoped3A_7 = tpu.sem_alloc : memref<!tpu.dma_semaphore, #tpu.memory_space<semaphore_mem>>
      %add3A_8 = arith.constant 0 : i32
      %add3A_9 = arith.addi %mul3A_2, %add3A_8 : i32
      %dma_start3A = arith.constant 0 : i32
      %dma_start3A_10 = arith.constant 0 : i32
      %dma_start3A_11 = tpu.memref_slice %arg4[%dma_start3A, %dma_start3A_10] : memref<120x256xf32, #tpu.memory_space<vmem>> -> memref<120x256xf32, #tpu.memory_space<vmem>>
      %dma_start3A_12 = arith.constant 0 : i32
      %dma_start3A_13 = tpu.memref_slice %arg2[%add3A_9, %dma_start3A_12] : memref<65536x256xf32, #tpu.memory_space<hbm>> -> memref<120x256xf32, #tpu.memory_space<hbm>>
      %dma_start3A_14 = arith.constant 0 : i32
      %dma_start3A_15 = arith.constant 0 : i32
      %dma_start3A_16 = tpu.memref_slice %arg4[%dma_start3A_14, %dma_start3A_15] : memref<120x256xf32, #tpu.memory_space<vmem>> -> memref<120x256xf32, #tpu.memory_space<vmem>>
      %dma_start3A_17 = arith.constant 0 : i32
      %dma_start3A_18 = tpu.memref_slice %arg2[%add3A_9, %dma_start3A_17] : memref<65536x256xf32, #tpu.memory_space<hbm>> -> memref<120x256xf32, #tpu.memory_space<hbm>>
      tpu.enqueue_dma source(%dma_start3A_18 : memref<120x256xf32, #tpu.memory_space<hbm>>) target(%dma_start3A_16 : memref<120x256xf32, #tpu.memory_space<vmem>>) target_semaphore(%run_scoped3A : memref<!tpu.dma_semaphore, #tpu.memory_space<semaphore_mem>>)
      %add3A_19 = arith.constant 120 : i32
      %add3A_20 = arith.addi %mul3A_2, %add3A_19 : i32
      %dma_start3A_21 = arith.constant 0 : i32
      %dma_start3A_22 = arith.constant 0 : i32
      %dma_start3A_23 = tpu.memref_slice %arg5[%dma_start3A_21, %dma_start3A_22] : memref<120x256xf32, #tpu.memory_space<vmem>> -> memref<120x256xf32, #tpu.memory_space<vmem>>
      %dma_start3A_24 = arith.constant 0 : i32
      %dma_start3A_25 = tpu.memref_slice %arg2[%add3A_20, %dma_start3A_24] : memref<65536x256xf32, #tpu.memory_space<hbm>> -> memref<120x256xf32, #tpu.memory_space<hbm>>
      %dma_start3A_26 = arith.constant 0 : i32
      %dma_start3A_27 = arith.constant 0 : i32
      %dma_start3A_28 = tpu.memref_slice %arg5[%dma_start3A_26, %dma_start3A_27] : memref<120x256xf32, #tpu.memory_space<vmem>> -> memref<120x256xf32, #tpu.memory_space<vmem>>
      %dma_start3A_29 = arith.constant 0 : i32
      %dma_start3A_30 = tpu.memref_slice %arg2[%add3A_20, %dma_start3A_29] : memref<65536x256xf32, #tpu.memory_space<hbm>> -> memref<120x256xf32, #tpu.memory_space<hbm>>
      tpu.enqueue_dma source(%dma_start3A_30 : memref<120x256xf32, #tpu.memory_space<hbm>>) target(%dma_start3A_28 : memref<120x256xf32, #tpu.memory_space<vmem>>) target_semaphore(%run_scoped3A_3 : memref<!tpu.dma_semaphore, #tpu.memory_space<semaphore_mem>>)
      %add3A_31 = arith.constant 240 : i32
      %add3A_32 = arith.addi %mul3A_2, %add3A_31 : i32
      %dma_start3A_33 = arith.constant 0 : i32
      %dma_start3A_34 = arith.constant 0 : i32
      %dma_start3A_35 = tpu.memref_slice %arg6[%dma_start3A_33, %dma_start3A_34] : memref<120x256xf32, #tpu.memory_space<vmem>> -> memref<120x256xf32, #tpu.memory_space<vmem>>
      %dma_start3A_36 = arith.constant 0 : i32
      %dma_start3A_37 = tpu.memref_slice %arg2[%add3A_32, %dma_start3A_36] : memref<65536x256xf32, #tpu.memory_space<hbm>> -> memref<120x256xf32, #tpu.memory_space<hbm>>
      %dma_start3A_38 = arith.constant 0 : i32
      %dma_start3A_39 = arith.constant 0 : i32
      %dma_start3A_40 = tpu.memref_slice %arg6[%dma_start3A_38, %dma_start3A_39] : memref<120x256xf32, #tpu.memory_space<vmem>> -> memref<120x256xf32, #tpu.memory_space<vmem>>
      %dma_start3A_41 = arith.constant 0 : i32
      %dma_start3A_42 = tpu.memref_slice %arg2[%add3A_32, %dma_start3A_41] : memref<65536x256xf32, #tpu.memory_space<hbm>> -> memref<120x256xf32, #tpu.memory_space<hbm>>
      tpu.enqueue_dma source(%dma_start3A_42 : memref<120x256xf32, #tpu.memory_space<hbm>>) target(%dma_start3A_40 : memref<120x256xf32, #tpu.memory_space<vmem>>) target_semaphore(%run_scoped3A_4 : memref<!tpu.dma_semaphore, #tpu.memory_space<semaphore_mem>>)
      %add3A_43 = arith.constant 0 : i32
      %add3A_44 = arith.addi %mul3A_2, %add3A_43 : i32
      %dma_wait3A = arith.constant 0 : i32
      %dma_wait3A_45 = arith.constant 0 : i32
      %dma_wait3A_46 = tpu.memref_slice %arg4[%dma_wait3A, %dma_wait3A_45] : memref<120x256xf32, #tpu.memory_space<vmem>> -> memref<120x256xf32, #tpu.memory_space<vmem>>
      %dma_wait3A_47 = arith.constant 0 : i32
      %dma_wait3A_48 = tpu.memref_slice %arg2[%add3A_44, %dma_wait3A_47] : memref<65536x256xf32, #tpu.memory_space<hbm>> -> memref<120x256xf32, #tpu.memory_space<hbm>>
      %dma_wait3A_49 = arith.constant 0 : i32
      %dma_wait3A_50 = arith.constant 0 : i32
      %dma_wait3A_51 = tpu.memref_slice %arg4[%dma_wait3A_49, %dma_wait3A_50] : memref<120x256xf32, #tpu.memory_space<vmem>> -> memref<120x256xf32, #tpu.memory_space<vmem>>
      %dma_wait3A_52 = arith.constant 0 : i32
      %dma_wait3A_53 = tpu.memref_slice %arg2[%add3A_44, %dma_wait3A_52] : memref<65536x256xf32, #tpu.memory_space<hbm>> -> memref<120x256xf32, #tpu.memory_space<hbm>>
      tpu.wait_dma2 semaphore(%run_scoped3A : memref<!tpu.dma_semaphore, #tpu.memory_space<semaphore_mem>>) src(%dma_wait3A_53 : memref<120x256xf32, #tpu.memory_space<hbm>>) dst(%dma_wait3A_51 : memref<120x256xf32, #tpu.memory_space<vmem>>)
      %eq3A = arith.constant 0 : i32
      %eq3A_54 = arith.cmpi eq, %add3A, %eq3A : i32
      %convert_element_type3A = arith.extui %eq3A_54 : i1 to i32
      %cond3A = arith.constant 0 : i32
      %cond3A_55 = arith.cmpi ne, %convert_element_type3A, %cond3A : i32
      scf.if %cond3A_55 {
        %get3A = arith.constant 0 : i32
        %get3A_796 = arith.index_cast %get3A : i32 to index
        %get3A_797 = arith.constant 0 : index
        %get3A_798 = tpu.vector_load %arg4[%get3A_796, %get3A_797] {strides = array<i32>} : memref<120x256xf32, #tpu.memory_space<vmem>>, vector<1x16xf32>,
        %get3A_799 = vector.shape_cast %get3A_798 : vector<1x16xf32> to vector<16xf32>
        %iota3A = tpu.iota {dimensions = array<i32: 0>} : vector<16xi32>
        %eq3A_800 = arith.constant 0 : i32
        %eq3A_801 = vector.broadcast %eq3A_800 : i32 to vector<16xi32>
        %eq3A_802 = arith.cmpi eq, %iota3A, %eq3A_801 : vector<16xi32>
        %jit3A = arith.constant 1.000000e+02 : f32
        %broadcast_in_dim3A = vector.broadcast %jit3A : f32 to vector<16xf32>
        %select_n3A = arith.select %eq3A_802, %broadcast_in_dim3A, %get3A_799 : vector<16xi1>, vector<16xf32>
        %swap3A = arith.constant 0 : i32
        %swap3A_803 = arith.index_cast %swap3A : i32 to index
        %swap3A_804 = arith.constant 0 : index
        %swap3A_805 = tpu.vector_load %arg4[%swap3A_803, %swap3A_804] {strides = array<i32>} : memref<120x256xf32, #tpu.memory_space<vmem>>, vector<1x16xf32>,
        %swap3A_806 = vector.shape_cast %swap3A_805 : vector<1x16xf32> to vector<16xf32>
        %swap3A_807 = vector.shape_cast %select_n3A : vector<16xf32> to vector<1x16xf32>
        tpu.vector_store %arg4[%swap3A_803, %swap3A_804], %swap3A_807 {strides = array<i32>} : memref<120x256xf32, #tpu.memory_space<vmem>>, vector<1x16xf32>,
      } else {
      }
      %add3A_56 = arith.constant 0 : i32
      %add3A_57 = arith.addi %mul3A_2, %add3A_56 : i32
      %add3A_58 = arith.constant 65536 : i32
      %add3A_59 = arith.addi %add3A_58, %mul3A_2 : i32
      %add3A_60 = arith.constant 0 : i32
      %add3A_61 = arith.addi %add3A_59, %add3A_60 : i32
      %dma_start3A_62 = arith.constant 0 : i32
      %dma_start3A_63 = arith.constant 0 : i32
      %dma_start3A_64 = tpu.memref_slice %arg4[%dma_start3A_62, %dma_start3A_63] : memref<120x256xf32, #tpu.memory_space<vmem>> -> memref<120x256xf32, #tpu.memory_space<vmem>>
      %dma_start3A_65 = arith.constant 0 : i32
      %dma_start3A_66 = tpu.memref_slice %arg3[%add3A_57, %dma_start3A_65] : memref<131072x256xf32, #tpu.memory_space<hbm>> -> memref<120x256xf32, #tpu.memory_space<hbm>>
      %dma_start3A_67 = arith.constant 0 : i32
      %dma_start3A_68 = tpu.memref_slice %arg3[%add3A_57, %dma_start3A_67] : memref<131072x256xf32, #tpu.memory_space<hbm>> -> memref<120x256xf32, #tpu.memory_space<hbm>>
      %dma_start3A_69 = arith.constant 0 : i32
      %dma_start3A_70 = arith.constant 0 : i32
      %dma_start3A_71 = tpu.memref_slice %arg4[%dma_start3A_69, %dma_start3A_70] : memref<120x256xf32, #tpu.memory_space<vmem>> -> memref<120x256xf32, #tpu.memory_space<vmem>>
      tpu.enqueue_dma source(%dma_start3A_71 : memref<120x256xf32, #tpu.memory_space<vmem>>) target(%dma_start3A_68 : memref<120x256xf32, #tpu.memory_space<hbm>>) target_semaphore(%run_scoped3A_5 : memref<!tpu.dma_semaphore, #tpu.memory_space<semaphore_mem>>)
      %dma_start3A_72 = arith.constant 0 : i32
      %dma_start3A_73 = arith.constant 0 : i32
      %dma_start3A_74 = tpu.memref_slice %arg4[%dma_start3A_72, %dma_start3A_73] : memref<120x256xf32, #tpu.memory_space<vmem>> -> memref<120x256xf32, #tpu.memory_space<vmem>>
      %dma_start3A_75 = arith.constant 0 : i32
      %dma_start3A_76 = tpu.memref_slice %arg3[%add3A_61, %dma_start3A_75] : memref<131072x256xf32, #tpu.memory_space<hbm>> -> memref<120x256xf32, #tpu.memory_space<hbm>>
      %dma_start3A_77 = arith.constant 0 : i32
      %dma_start3A_78 = tpu.memref_slice %arg3[%add3A_61, %dma_start3A_77] : memref<131072x256xf32, #tpu.memory_space<hbm>> -> memref<120x256xf32, #tpu.memory_space<hbm>>
      %dma_start3A_79 = arith.constant 0 : i32
      %dma_start3A_80 = arith.constant 0 : i32
      %dma_start3A_81 = tpu.memref_slice %arg4[%dma_start3A_79, %dma_start3A_80] : memref<120x256xf32, #tpu.memory_space<vmem>> -> memref<120x256xf32, #tpu.memory_space<vmem>>
      tpu.enqueue_dma source(%dma_start3A_81 : memref<120x256xf32, #tpu.memory_space<vmem>>) target(%dma_start3A_78 : memref<120x256xf32, #tpu.memory_space<hbm>>) target_semaphore(%run_scoped3A_5 : memref<!tpu.dma_semaphore, #tpu.memory_space<semaphore_mem>>)
      %dma_wait3A_82 = arith.constant 0 : i32
      %dma_wait3A_83 = arith.constant 0 : i32
      %dma_wait3A_84 = tpu.memref_slice %arg4[%dma_wait3A_82, %dma_wait3A_83] : memref<120x256xf32, #tpu.memory_space<vmem>> -> memref<120x256xf32, #tpu.memory_space<vmem>>
      %dma_wait3A_85 = arith.constant 0 : i32
      %dma_wait3A_86 = tpu.memref_slice %arg3[%add3A_57, %dma_wait3A_85] : memref<131072x256xf32, #tpu.memory_space<hbm>> -> memref<120x256xf32, #tpu.memory_space<hbm>>
      %dma_wait3A_87 = arith.constant 0 : i32
      %dma_wait3A_88 = tpu.memref_slice %arg3[%add3A_57, %dma_wait3A_87] : memref<131072x256xf32, #tpu.memory_space<hbm>> -> memref<120x256xf32, #tpu.memory_space<hbm>>
      %dma_wait3A_89 = arith.constant 0 : i32
      %dma_wait3A_90 = arith.constant 0 : i32
      %dma_wait3A_91 = tpu.memref_slice %arg4[%dma_wait3A_89, %dma_wait3A_90] : memref<120x256xf32, #tpu.memory_space<vmem>> -> memref<120x256xf32, #tpu.memory_space<vmem>>
      tpu.wait_dma2 semaphore(%run_scoped3A_5 : memref<!tpu.dma_semaphore, #tpu.memory_space<semaphore_mem>>) src(%dma_wait3A_91 : memref<120x256xf32, #tpu.memory_space<vmem>>) dst(%dma_wait3A_88 : memref<120x256xf32, #tpu.memory_space<hbm>>)
      %dma_wait3A_92 = arith.constant 0 : i32
      %dma_wait3A_93 = arith.constant 0 : i32
      %dma_wait3A_94 = tpu.memref_slice %arg4[%dma_wait3A_92, %dma_wait3A_93] : memref<120x256xf32, #tpu.memory_space<vmem>> -> memref<120x256xf32, #tpu.memory_space<vmem>>
      %dma_wait3A_95 = arith.constant 0 : i32
      %dma_wait3A_96 = tpu.memref_slice %arg3[%add3A_61, %dma_wait3A_95] : memref<131072x256xf32, #tpu.memory_space<hbm>> -> memref<120x256xf32, #tpu.memory_space<hbm>>
      %dma_wait3A_97 = arith.constant 0 : i32
      %dma_wait3A_98 = tpu.memref_slice %arg3[%add3A_61, %dma_wait3A_97] : memref<131072x256xf32, #tpu.memory_space<hbm>> -> memref<120x256xf32, #tpu.memory_space<hbm>>
      %dma_wait3A_99 = arith.constant 0 : i32
      %dma_wait3A_100 = arith.constant 0 : i32
      %dma_wait3A_101 = tpu.memref_slice %arg4[%dma_wait3A_99, %dma_wait3A_100] : memref<120x256xf32, #tpu.memory_space<vmem>> -> memref<120x256xf32, #tpu.memory_space<vmem>>
      tpu.wait_dma2 semaphore(%run_scoped3A_5 : memref<!tpu.dma_semaphore, #tpu.memory_space<semaphore_mem>>) src(%dma_wait3A_101 : memref<120x256xf32, #tpu.memory_space<vmem>>) dst(%dma_wait3A_98 : memref<120x256xf32, #tpu.memory_space<hbm>>)
      %add3A_102 = arith.constant 360 : i32
      %add3A_103 = arith.addi %mul3A_2, %add3A_102 : i32
      %dma_start3A_104 = arith.constant 0 : i32
      %dma_start3A_105 = arith.constant 0 : i32
      %dma_start3A_106 = tpu.memref_slice %arg4[%dma_start3A_104, %dma_start3A_105] : memref<120x256xf32, #tpu.memory_space<vmem>> -> memref<120x256xf32, #tpu.memory_space<vmem>>
      %dma_start3A_107 = arith.constant 0 : i32
      %dma_start3A_108 = tpu.memref_slice %arg2[%add3A_103, %dma_start3A_107] : memref<65536x256xf32, #tpu.memory_space<hbm>> -> memref<120x256xf32, #tpu.memory_space<hbm>>
      %dma_start3A_109 = arith.constant 0 : i32
      %dma_start3A_110 = arith.constant 0 : i32
      %dma_start3A_111 = tpu.memref_slice %arg4[%dma_start3A_109, %dma_start3A_110] : memref<120x256xf32, #tpu.memory_space<vmem>> -> memref<120x256xf32, #tpu.memory_space<vmem>>
      %dma_start3A_112 = arith.constant 0 : i32
      %dma_start3A_113 = tpu.memref_slice %arg2[%add3A_103, %dma_start3A_112] : memref<65536x256xf32, #tpu.memory_space<hbm>> -> memref<120x256xf32, #tpu.memory_space<hbm>>
      tpu.enqueue_dma source(%dma_start3A_113 : memref<120x256xf32, #tpu.memory_space<hbm>>) target(%dma_start3A_111 : memref<120x256xf32, #tpu.memory_space<vmem>>) target_semaphore(%run_scoped3A : memref<!tpu.dma_semaphore, #tpu.memory_space<semaphore_mem>>)
      %add3A_114 = arith.constant 120 : i32
      %add3A_115 = arith.addi %mul3A_2, %add3A_114 : i32
      %dma_wait3A_116 = arith.constant 0 : i32
      %dma_wait3A_117 = arith.constant 0 : i32
      %dma_wait3A_118 = tpu.memref_slice %arg5[%dma_wait3A_116, %dma_wait3A_117] : memref<120x256xf32, #tpu.memory_space<vmem>> -> memref<120x256xf32, #tpu.memory_space<vmem>>
      %dma_wait3A_119 = arith.constant 0 : i32
      %dma_wait3A_120 = tpu.memref_slice %arg2[%add3A_115, %dma_wait3A_119] : memref<65536x256xf32, #tpu.memory_space<hbm>> -> memref<120x256xf32, #tpu.memory_space<hbm>>
      %dma_wait3A_121 = arith.constant 0 : i32
      %dma_wait3A_122 = arith.constant 0 : i32
      %dma_wait3A_123 = tpu.memref_slice %arg5[%dma_wait3A_121, %dma_wait3A_122] : memref<120x256xf32, #tpu.memory_space<vmem>> -> memref<120x256xf32, #tpu.memory_space<vmem>>
      %dma_wait3A_124 = arith.constant 0 : i32
      %dma_wait3A_125 = tpu.memref_slice %arg2[%add3A_115, %dma_wait3A_124] : memref<65536x256xf32, #tpu.memory_space<hbm>> -> memref<120x256xf32, #tpu.memory_space<hbm>>
      tpu.wait_dma2 semaphore(%run_scoped3A_3 : memref<!tpu.dma_semaphore, #tpu.memory_space<semaphore_mem>>) src(%dma_wait3A_125 : memref<120x256xf32, #tpu.memory_space<hbm>>) dst(%dma_wait3A_123 : memref<120x256xf32, #tpu.memory_space<vmem>>)
      %add3A_126 = arith.constant 120 : i32
      %add3A_127 = arith.addi %mul3A_2, %add3A_126 : i32
      %add3A_128 = arith.constant 65536 : i32
      %add3A_129 = arith.addi %add3A_128, %mul3A_2 : i32
      %add3A_130 = arith.constant 120 : i32
      %add3A_131 = arith.addi %add3A_129, %add3A_130 : i32
      %dma_start3A_132 = arith.constant 0 : i32
      %dma_start3A_133 = arith.constant 0 : i32
      %dma_start3A_134 = tpu.memref_slice %arg5[%dma_start3A_132, %dma_start3A_133] : memref<120x256xf32, #tpu.memory_space<vmem>> -> memref<120x256xf32, #tpu.memory_space<vmem>>
      %dma_start3A_135 = arith.constant 0 : i32
      %dma_start3A_136 = tpu.memref_slice %arg3[%add3A_127, %dma_start3A_135] : memref<131072x256xf32, #tpu.memory_space<hbm>> -> memref<120x256xf32, #tpu.memory_space<hbm>>
      %dma_start3A_137 = arith.constant 0 : i32
      %dma_start3A_138 = tpu.memref_slice %arg3[%add3A_127, %dma_start3A_137] : memref<131072x256xf32, #tpu.memory_space<hbm>> -> memref<120x256xf32, #tpu.memory_space<hbm>>
      %dma_start3A_139 = arith.constant 0 : i32
      %dma_start3A_140 = arith.constant 0 : i32
      %dma_start3A_141 = tpu.memref_slice %arg5[%dma_start3A_139, %dma_start3A_140] : memref<120x256xf32, #tpu.memory_space<vmem>> -> memref<120x256xf32, #tpu.memory_space<vmem>>
      tpu.enqueue_dma source(%dma_start3A_141 : memref<120x256xf32, #tpu.memory_space<vmem>>) target(%dma_start3A_138 : memref<120x256xf32, #tpu.memory_space<hbm>>) target_semaphore(%run_scoped3A_6 : memref<!tpu.dma_semaphore, #tpu.memory_space<semaphore_mem>>)
      %dma_start3A_142 = arith.constant 0 : i32
      %dma_start3A_143 = arith.constant 0 : i32
      %dma_start3A_144 = tpu.memref_slice %arg5[%dma_start3A_142, %dma_start3A_143] : memref<120x256xf32, #tpu.memory_space<vmem>> -> memref<120x256xf32, #tpu.memory_space<vmem>>
      %dma_start3A_145 = arith.constant 0 : i32
      %dma_start3A_146 = tpu.memref_slice %arg3[%add3A_131, %dma_start3A_145] : memref<131072x256xf32, #tpu.memory_space<hbm>> -> memref<120x256xf32, #tpu.memory_space<hbm>>
      %dma_start3A_147 = arith.constant 0 : i32
      %dma_start3A_148 = tpu.memref_slice %arg3[%add3A_131, %dma_start3A_147] : memref<131072x256xf32, #tpu.memory_space<hbm>> -> memref<120x256xf32, #tpu.memory_space<hbm>>
      %dma_start3A_149 = arith.constant 0 : i32
      %dma_start3A_150 = arith.constant 0 : i32
      %dma_start3A_151 = tpu.memref_slice %arg5[%dma_start3A_149, %dma_start3A_150] : memref<120x256xf32, #tpu.memory_space<vmem>> -> memref<120x256xf32, #tpu.memory_space<vmem>>
      tpu.enqueue_dma source(%dma_start3A_151 : memref<120x256xf32, #tpu.memory_space<vmem>>) target(%dma_start3A_148 : memref<120x256xf32, #tpu.memory_space<hbm>>) target_semaphore(%run_scoped3A_6 : memref<!tpu.dma_semaphore, #tpu.memory_space<semaphore_mem>>)
      %dma_wait3A_152 = arith.constant 0 : i32
      %dma_wait3A_153 = arith.constant 0 : i32
      %dma_wait3A_154 = tpu.memref_slice %arg5[%dma_wait3A_152, %dma_wait3A_153] : memref<120x256xf32, #tpu.memory_space<vmem>> -> memref<120x256xf32, #tpu.memory_space<vmem>>
      %dma_wait3A_155 = arith.constant 0 : i32
      %dma_wait3A_156 = tpu.memref_slice %arg3[%add3A_127, %dma_wait3A_155] : memref<131072x256xf32, #tpu.memory_space<hbm>> -> memref<120x256xf32, #tpu.memory_space<hbm>>
      %dma_wait3A_157 = arith.constant 0 : i32
      %dma_wait3A_158 = tpu.memref_slice %arg3[%add3A_127, %dma_wait3A_157] : memref<131072x256xf32, #tpu.memory_space<hbm>> -> memref<120x256xf32, #tpu.memory_space<hbm>>
      %dma_wait3A_159 = arith.constant 0 : i32
      %dma_wait3A_160 = arith.constant 0 : i32
      %dma_wait3A_161 = tpu.memref_slice %arg5[%dma_wait3A_159, %dma_wait3A_160] : memref<120x256xf32, #tpu.memory_space<vmem>> -> memref<120x256xf32, #tpu.memory_space<vmem>>
      tpu.wait_dma2 semaphore(%run_scoped3A_6 : memref<!tpu.dma_semaphore, #tpu.memory_space<semaphore_mem>>) src(%dma_wait3A_161 : memref<120x256xf32, #tpu.memory_space<vmem>>) dst(%dma_wait3A_158 : memref<120x256xf32, #tpu.memory_space<hbm>>)
      %dma_wait3A_162 = arith.constant 0 : i32
      %dma_wait3A_163 = arith.constant 0 : i32
      %dma_wait3A_164 = tpu.memref_slice %arg5[%dma_wait3A_162, %dma_wait3A_163] : memref<120x256xf32, #tpu.memory_space<vmem>> -> memref<120x256xf32, #tpu.memory_space<vmem>>
      %dma_wait3A_165 = arith.constant 0 : i32
      %dma_wait3A_166 = tpu.memref_slice %arg3[%add3A_131, %dma_wait3A_165] : memref<131072x256xf32, #tpu.memory_space<hbm>> -> memref<120x256xf32, #tpu.memory_space<hbm>>
      %dma_wait3A_167 = arith.constant 0 : i32
      %dma_wait3A_168 = tpu.memref_slice %arg3[%add3A_131, %dma_wait3A_167] : memref<131072x256xf32, #tpu.memory_space<hbm>> -> memref<120x256xf32, #tpu.memory_space<hbm>>
      %dma_wait3A_169 = arith.constant 0 : i32
      %dma_wait3A_170 = arith.constant 0 : i32
      %dma_wait3A_171 = tpu.memref_slice %arg5[%dma_wait3A_169, %dma_wait3A_170] : memref<120x256xf32, #tpu.memory_space<vmem>> -> memref<120x256xf32, #tpu.memory_space<vmem>>
      tpu.wait_dma2 semaphore(%run_scoped3A_6 : memref<!tpu.dma_semaphore, #tpu.memory_space<semaphore_mem>>) src(%dma_wait3A_171 : memref<120x256xf32, #tpu.memory_space<vmem>>) dst(%dma_wait3A_168 : memref<120x256xf32, #tpu.memory_space<hbm>>)
      %add3A_172 = arith.constant 480 : i32
      %add3A_173 = arith.addi %mul3A_2, %add3A_172 : i32
      %dma_start3A_174 = arith.constant 0 : i32
      %dma_start3A_175 = arith.constant 0 : i32
      %dma_start3A_176 = tpu.memref_slice %arg5[%dma_start3A_174, %dma_start3A_175] : memref<120x256xf32, #tpu.memory_space<vmem>> -> memref<120x256xf32, #tpu.memory_space<vmem>>
      %dma_start3A_177 = arith.constant 0 : i32
      %dma_start3A_178 = tpu.memref_slice %arg2[%add3A_173, %dma_start3A_177] : memref<65536x256xf32, #tpu.memory_space<hbm>> -> memref<120x256xf32, #tpu.memory_space<hbm>>
      %dma_start3A_179 = arith.constant 0 : i32
      %dma_start3A_180 = arith.constant 0 : i32
      %dma_start3A_181 = tpu.memref_slice %arg5[%dma_start3A_179, %dma_start3A_180] : memref<120x256xf32, #tpu.memory_space<vmem>> -> memref<120x256xf32, #tpu.memory_space<vmem>>
      %dma_start3A_182 = arith.constant 0 : i32
      %dma_start3A_183 = tpu.memref_slice %arg2[%add3A_173, %dma_start3A_182] : memref<65536x256xf32, #tpu.memory_space<hbm>> -> memref<120x256xf32, #tpu.memory_space<hbm>>
      tpu.enqueue_dma source(%dma_start3A_183 : memref<120x256xf32, #tpu.memory_space<hbm>>) target(%dma_start3A_181 : memref<120x256xf32, #tpu.memory_space<vmem>>) target_semaphore(%run_scoped3A_3 : memref<!tpu.dma_semaphore, #tpu.memory_space<semaphore_mem>>)
      %add3A_184 = arith.constant 240 : i32
      %add3A_185 = arith.addi %mul3A_2, %add3A_184 : i32
      %dma_wait3A_186 = arith.constant 0 : i32
      %dma_wait3A_187 = arith.constant 0 : i32
      %dma_wait3A_188 = tpu.memref_slice %arg6[%dma_wait3A_186, %dma_wait3A_187] : memref<120x256xf32, #tpu.memory_space<vmem>> -> memref<120x256xf32, #tpu.memory_space<vmem>>
      %dma_wait3A_189 = arith.constant 0 : i32
      %dma_wait3A_190 = tpu.memref_slice %arg2[%add3A_185, %dma_wait3A_189] : memref<65536x256xf32, #tpu.memory_space<hbm>> -> memref<120x256xf32, #tpu.memory_space<hbm>>
      %dma_wait3A_191 = arith.constant 0 : i32
      %dma_wait3A_192 = arith.constant 0 : i32
      %dma_wait3A_193 = tpu.memref_slice %arg6[%dma_wait3A_191, %dma_wait3A_192] : memref<120x256xf32, #tpu.memory_space<vmem>> -> memref<120x256xf32, #tpu.memory_space<vmem>>
      %dma_wait3A_194 = arith.constant 0 : i32
      %dma_wait3A_195 = tpu.memref_slice %arg2[%add3A_185, %dma_wait3A_194] : memref<65536x256xf32, #tpu.memory_space<hbm>> -> memref<120x256xf32, #tpu.memory_space<hbm>>
      tpu.wait_dma2 semaphore(%run_scoped3A_4 : memref<!tpu.dma_semaphore, #tpu.memory_space<semaphore_mem>>) src(%dma_wait3A_195 : memref<120x256xf32, #tpu.memory_space<hbm>>) dst(%dma_wait3A_193 : memref<120x256xf32, #tpu.memory_space<vmem>>)
      %add3A_196 = arith.constant 240 : i32
      %add3A_197 = arith.addi %mul3A_2, %add3A_196 : i32
      %add3A_198 = arith.constant 65536 : i32
      %add3A_199 = arith.addi %add3A_198, %mul3A_2 : i32
      %add3A_200 = arith.constant 240 : i32
      %add3A_201 = arith.addi %add3A_199, %add3A_200 : i32
      %dma_start3A_202 = arith.constant 0 : i32
      %dma_start3A_203 = arith.constant 0 : i32
      %dma_start3A_204 = tpu.memref_slice %arg6[%dma_start3A_202, %dma_start3A_203] : memref<120x256xf32, #tpu.memory_space<vmem>> -> memref<120x256xf32, #tpu.memory_space<vmem>>
      %dma_start3A_205 = arith.constant 0 : i32
      %dma_start3A_206 = tpu.memref_slice %arg3[%add3A_197, %dma_start3A_205] : memref<131072x256xf32, #tpu.memory_space<hbm>> -> memref<120x256xf32, #tpu.memory_space<hbm>>
      %dma_start3A_207 = arith.constant 0 : i32
      %dma_start3A_208 = tpu.memref_slice %arg3[%add3A_197, %dma_start3A_207] : memref<131072x256xf32, #tpu.memory_space<hbm>> -> memref<120x256xf32, #tpu.memory_space<hbm>>
      %dma_start3A_209 = arith.constant 0 : i32
      %dma_start3A_210 = arith.constant 0 : i32
      %dma_start3A_211 = tpu.memref_slice %arg6[%dma_start3A_209, %dma_start3A_210] : memref<120x256xf32, #tpu.memory_space<vmem>> -> memref<120x256xf32, #tpu.memory_space<vmem>>
      tpu.enqueue_dma source(%dma_start3A_211 : memref<120x256xf32, #tpu.memory_space<vmem>>) target(%dma_start3A_208 : memref<120x256xf32, #tpu.memory_space<hbm>>) target_semaphore(%run_scoped3A_7 : memref<!tpu.dma_semaphore, #tpu.memory_space<semaphore_mem>>)
      %dma_start3A_212 = arith.constant 0 : i32
      %dma_start3A_213 = arith.constant 0 : i32
      %dma_start3A_214 = tpu.memref_slice %arg6[%dma_start3A_212, %dma_start3A_213] : memref<120x256xf32, #tpu.memory_space<vmem>> -> memref<120x256xf32, #tpu.memory_space<vmem>>
      %dma_start3A_215 = arith.constant 0 : i32
      %dma_start3A_216 = tpu.memref_slice %arg3[%add3A_201, %dma_start3A_215] : memref<131072x256xf32, #tpu.memory_space<hbm>> -> memref<120x256xf32, #tpu.memory_space<hbm>>
      %dma_start3A_217 = arith.constant 0 : i32
      %dma_start3A_218 = tpu.memref_slice %arg3[%add3A_201, %dma_start3A_217] : memref<131072x256xf32, #tpu.memory_space<hbm>> -> memref<120x256xf32, #tpu.memory_space<hbm>>
      %dma_start3A_219 = arith.constant 0 : i32
      %dma_start3A_220 = arith.constant 0 : i32
      %dma_start3A_221 = tpu.memref_slice %arg6[%dma_start3A_219, %dma_start3A_220] : memref<120x256xf32, #tpu.memory_space<vmem>> -> memref<120x256xf32, #tpu.memory_space<vmem>>
      tpu.enqueue_dma source(%dma_start3A_221 : memref<120x256xf32, #tpu.memory_space<vmem>>) target(%dma_start3A_218 : memref<120x256xf32, #tpu.memory_space<hbm>>) target_semaphore(%run_scoped3A_7 : memref<!tpu.dma_semaphore, #tpu.memory_space<semaphore_mem>>)
      %dma_wait3A_222 = arith.constant 0 : i32
      %dma_wait3A_223 = arith.constant 0 : i32
      %dma_wait3A_224 = tpu.memref_slice %arg6[%dma_wait3A_222, %dma_wait3A_223] : memref<120x256xf32, #tpu.memory_space<vmem>> -> memref<120x256xf32, #tpu.memory_space<vmem>>
      %dma_wait3A_225 = arith.constant 0 : i32
      %dma_wait3A_226 = tpu.memref_slice %arg3[%add3A_197, %dma_wait3A_225] : memref<131072x256xf32, #tpu.memory_space<hbm>> -> memref<120x256xf32, #tpu.memory_space<hbm>>
      %dma_wait3A_227 = arith.constant 0 : i32
      %dma_wait3A_228 = tpu.memref_slice %arg3[%add3A_197, %dma_wait3A_227] : memref<131072x256xf32, #tpu.memory_space<hbm>> -> memref<120x256xf32, #tpu.memory_space<hbm>>
      %dma_wait3A_229 = arith.constant 0 : i32
      %dma_wait3A_230 = arith.constant 0 : i32
      %dma_wait3A_231 = tpu.memref_slice %arg6[%dma_wait3A_229, %dma_wait3A_230] : memref<120x256xf32, #tpu.memory_space<vmem>> -> memref<120x256xf32, #tpu.memory_space<vmem>>
      tpu.wait_dma2 semaphore(%run_scoped3A_7 : memref<!tpu.dma_semaphore, #tpu.memory_space<semaphore_mem>>) src(%dma_wait3A_231 : memref<120x256xf32, #tpu.memory_space<vmem>>) dst(%dma_wait3A_228 : memref<120x256xf32, #tpu.memory_space<hbm>>)
      %dma_wait3A_232 = arith.constant 0 : i32
      %dma_wait3A_233 = arith.constant 0 : i32
      %dma_wait3A_234 = tpu.memref_slice %arg6[%dma_wait3A_232, %dma_wait3A_233] : memref<120x256xf32, #tpu.memory_space<vmem>> -> memref<120x256xf32, #tpu.memory_space<vmem>>
      %dma_wait3A_235 = arith.constant 0 : i32
      %dma_wait3A_236 = tpu.memref_slice %arg3[%add3A_201, %dma_wait3A_235] : memref<131072x256xf32, #tpu.memory_space<hbm>> -> memref<120x256xf32, #tpu.memory_space<hbm>>
      %dma_wait3A_237 = arith.constant 0 : i32
      %dma_wait3A_238 = tpu.memref_slice %arg3[%add3A_201, %dma_wait3A_237] : memref<131072x256xf32, #tpu.memory_space<hbm>> -> memref<120x256xf32, #tpu.memory_space<hbm>>
      %dma_wait3A_239 = arith.constant 0 : i32
      %dma_wait3A_240 = arith.constant 0 : i32
      %dma_wait3A_241 = tpu.memref_slice %arg6[%dma_wait3A_239, %dma_wait3A_240] : memref<120x256xf32, #tpu.memory_space<vmem>> -> memref<120x256xf32, #tpu.memory_space<vmem>>
      tpu.wait_dma2 semaphore(%run_scoped3A_7 : memref<!tpu.dma_semaphore, #tpu.memory_space<semaphore_mem>>) src(%dma_wait3A_241 : memref<120x256xf32, #tpu.memory_space<vmem>>) dst(%dma_wait3A_238 : memref<120x256xf32, #tpu.memory_space<hbm>>)
      %add3A_242 = arith.constant 600 : i32
      %add3A_243 = arith.addi %mul3A_2, %add3A_242 : i32
      %dma_start3A_244 = arith.constant 0 : i32
      %dma_start3A_245 = arith.constant 0 : i32
      %dma_start3A_246 = tpu.memref_slice %arg6[%dma_start3A_244, %dma_start3A_245] : memref<120x256xf32, #tpu.memory_space<vmem>> -> memref<120x256xf32, #tpu.memory_space<vmem>>
      %dma_start3A_247 = arith.constant 0 : i32
      %dma_start3A_248 = tpu.memref_slice %arg2[%add3A_243, %dma_start3A_247] : memref<65536x256xf32, #tpu.memory_space<hbm>> -> memref<120x256xf32, #tpu.memory_space<hbm>>
      %dma_start3A_249 = arith.constant 0 : i32
      %dma_start3A_250 = arith.constant 0 : i32
      %dma_start3A_251 = tpu.memref_slice %arg6[%dma_start3A_249, %dma_start3A_250] : memref<120x256xf32, #tpu.memory_space<vmem>> -> memref<120x256xf32, #tpu.memory_space<vmem>>
      %dma_start3A_252 = arith.constant 0 : i32
      %dma_start3A_253 = tpu.memref_slice %arg2[%add3A_243, %dma_start3A_252] : memref<65536x256xf32, #tpu.memory_space<hbm>> -> memref<120x256xf32, #tpu.memory_space<hbm>>
      tpu.enqueue_dma source(%dma_start3A_253 : memref<120x256xf32, #tpu.memory_space<hbm>>) target(%dma_start3A_251 : memref<120x256xf32, #tpu.memory_space<vmem>>) target_semaphore(%run_scoped3A_4 : memref<!tpu.dma_semaphore, #tpu.memory_space<semaphore_mem>>)
      %add3A_254 = arith.constant 360 : i32
      %add3A_255 = arith.addi %mul3A_2, %add3A_254 : i32
      %dma_wait3A_256 = arith.constant 0 : i32
      %dma_wait3A_257 = arith.constant 0 : i32
      %dma_wait3A_258 = tpu.memref_slice %arg4[%dma_wait3A_256, %dma_wait3A_257] : memref<120x256xf32, #tpu.memory_space<vmem>> -> memref<120x256xf32, #tpu.memory_space<vmem>>
      %dma_wait3A_259 = arith.constant 0 : i32
      %dma_wait3A_260 = tpu.memref_slice %arg2[%add3A_255, %dma_wait3A_259] : memref<65536x256xf32, #tpu.memory_space<hbm>> -> memref<120x256xf32, #tpu.memory_space<hbm>>
      %dma_wait3A_261 = arith.constant 0 : i32
      %dma_wait3A_262 = arith.constant 0 : i32
      %dma_wait3A_263 = tpu.memref_slice %arg4[%dma_wait3A_261, %dma_wait3A_262] : memref<120x256xf32, #tpu.memory_space<vmem>> -> memref<120x256xf32, #tpu.memory_space<vmem>>
      %dma_wait3A_264 = arith.constant 0 : i32
      %dma_wait3A_265 = tpu.memref_slice %arg2[%add3A_255, %dma_wait3A_264] : memref<65536x256xf32, #tpu.memory_space<hbm>> -> memref<120x256xf32, #tpu.memory_space<hbm>>
      tpu.wait_dma2 semaphore(%run_scoped3A : memref<!tpu.dma_semaphore, #tpu.memory_space<semaphore_mem>>) src(%dma_wait3A_265 : memref<120x256xf32, #tpu.memory_space<hbm>>) dst(%dma_wait3A_263 : memref<120x256xf32, #tpu.memory_space<vmem>>)
      %add3A_266 = arith.constant 360 : i32
      %add3A_267 = arith.addi %mul3A_2, %add3A_266 : i32
      %add3A_268 = arith.constant 65536 : i32
      %add3A_269 = arith.addi %add3A_268, %mul3A_2 : i32
      %add3A_270 = arith.constant 360 : i32
      %add3A_271 = arith.addi %add3A_269, %add3A_270 : i32
      %dma_start3A_272 = arith.constant 0 : i32
      %dma_start3A_273 = arith.constant 0 : i32
      %dma_start3A_274 = tpu.memref_slice %arg4[%dma_start3A_272, %dma_start3A_273] : memref<120x256xf32, #tpu.memory_space<vmem>> -> memref<120x256xf32, #tpu.memory_space<vmem>>
      %dma_start3A_275 = arith.constant 0 : i32
      %dma_start3A_276 = tpu.memref_slice %arg3[%add3A_267, %dma_start3A_275] : memref<131072x256xf32, #tpu.memory_space<hbm>> -> memref<120x256xf32, #tpu.memory_space<hbm>>
      %dma_start3A_277 = arith.constant 0 : i32
      %dma_start3A_278 = tpu.memref_slice %arg3[%add3A_267, %dma_start3A_277] : memref<131072x256xf32, #tpu.memory_space<hbm>> -> memref<120x256xf32, #tpu.memory_space<hbm>>
      %dma_start3A_279 = arith.constant 0 : i32
      %dma_start3A_280 = arith.constant 0 : i32
      %dma_start3A_281 = tpu.memref_slice %arg4[%dma_start3A_279, %dma_start3A_280] : memref<120x256xf32, #tpu.memory_space<vmem>> -> memref<120x256xf32, #tpu.memory_space<vmem>>
      tpu.enqueue_dma source(%dma_start3A_281 : memref<120x256xf32, #tpu.memory_space<vmem>>) target(%dma_start3A_278 : memref<120x256xf32, #tpu.memory_space<hbm>>) target_semaphore(%run_scoped3A_5 : memref<!tpu.dma_semaphore, #tpu.memory_space<semaphore_mem>>)
      %dma_start3A_282 = arith.constant 0 : i32
      %dma_start3A_283 = arith.constant 0 : i32
      %dma_start3A_284 = tpu.memref_slice %arg4[%dma_start3A_282, %dma_start3A_283] : memref<120x256xf32, #tpu.memory_space<vmem>> -> memref<120x256xf32, #tpu.memory_space<vmem>>
      %dma_start3A_285 = arith.constant 0 : i32
      %dma_start3A_286 = tpu.memref_slice %arg3[%add3A_271, %dma_start3A_285] : memref<131072x256xf32, #tpu.memory_space<hbm>> -> memref<120x256xf32, #tpu.memory_space<hbm>>
      %dma_start3A_287 = arith.constant 0 : i32
      %dma_start3A_288 = tpu.memref_slice %arg3[%add3A_271, %dma_start3A_287] : memref<131072x256xf32, #tpu.memory_space<hbm>> -> memref<120x256xf32, #tpu.memory_space<hbm>>
      %dma_start3A_289 = arith.constant 0 : i32
      %dma_start3A_290 = arith.constant 0 : i32
      %dma_start3A_291 = tpu.memref_slice %arg4[%dma_start3A_289, %dma_start3A_290] : memref<120x256xf32, #tpu.memory_space<vmem>> -> memref<120x256xf32, #tpu.memory_space<vmem>>
      tpu.enqueue_dma source(%dma_start3A_291 : memref<120x256xf32, #tpu.memory_space<vmem>>) target(%dma_start3A_288 : memref<120x256xf32, #tpu.memory_space<hbm>>) target_semaphore(%run_scoped3A_5 : memref<!tpu.dma_semaphore, #tpu.memory_space<semaphore_mem>>)
      %dma_wait3A_292 = arith.constant 0 : i32
      %dma_wait3A_293 = arith.constant 0 : i32
      %dma_wait3A_294 = tpu.memref_slice %arg4[%dma_wait3A_292, %dma_wait3A_293] : memref<120x256xf32, #tpu.memory_space<vmem>> -> memref<120x256xf32, #tpu.memory_space<vmem>>
      %dma_wait3A_295 = arith.constant 0 : i32
      %dma_wait3A_296 = tpu.memref_slice %arg3[%add3A_267, %dma_wait3A_295] : memref<131072x256xf32, #tpu.memory_space<hbm>> -> memref<120x256xf32, #tpu.memory_space<hbm>>
      %dma_wait3A_297 = arith.constant 0 : i32
      %dma_wait3A_298 = tpu.memref_slice %arg3[%add3A_267, %dma_wait3A_297] : memref<131072x256xf32, #tpu.memory_space<hbm>> -> memref<120x256xf32, #tpu.memory_space<hbm>>
      %dma_wait3A_299 = arith.constant 0 : i32
      %dma_wait3A_300 = arith.constant 0 : i32
      %dma_wait3A_301 = tpu.memref_slice %arg4[%dma_wait3A_299, %dma_wait3A_300] : memref<120x256xf32, #tpu.memory_space<vmem>> -> memref<120x256xf32, #tpu.memory_space<vmem>>
      tpu.wait_dma2 semaphore(%run_scoped3A_5 : memref<!tpu.dma_semaphore, #tpu.memory_space<semaphore_mem>>) src(%dma_wait3A_301 : memref<120x256xf32, #tpu.memory_space<vmem>>) dst(%dma_wait3A_298 : memref<120x256xf32, #tpu.memory_space<hbm>>)
      %dma_wait3A_302 = arith.constant 0 : i32
      %dma_wait3A_303 = arith.constant 0 : i32
      %dma_wait3A_304 = tpu.memref_slice %arg4[%dma_wait3A_302, %dma_wait3A_303] : memref<120x256xf32, #tpu.memory_space<vmem>> -> memref<120x256xf32, #tpu.memory_space<vmem>>
      %dma_wait3A_305 = arith.constant 0 : i32
      %dma_wait3A_306 = tpu.memref_slice %arg3[%add3A_271, %dma_wait3A_305] : memref<131072x256xf32, #tpu.memory_space<hbm>> -> memref<120x256xf32, #tpu.memory_space<hbm>>
      %dma_wait3A_307 = arith.constant 0 : i32
      %dma_wait3A_308 = tpu.memref_slice %arg3[%add3A_271, %dma_wait3A_307] : memref<131072x256xf32, #tpu.memory_space<hbm>> -> memref<120x256xf32, #tpu.memory_space<hbm>>
      %dma_wait3A_309 = arith.constant 0 : i32
      %dma_wait3A_310 = arith.constant 0 : i32
      %dma_wait3A_311 = tpu.memref_slice %arg4[%dma_wait3A_309, %dma_wait3A_310] : memref<120x256xf32, #tpu.memory_space<vmem>> -> memref<120x256xf32, #tpu.memory_space<vmem>>
      tpu.wait_dma2 semaphore(%run_scoped3A_5 : memref<!tpu.dma_semaphore, #tpu.memory_space<semaphore_mem>>) src(%dma_wait3A_311 : memref<120x256xf32, #tpu.memory_space<vmem>>) dst(%dma_wait3A_308 : memref<120x256xf32, #tpu.memory_space<hbm>>)
      %add3A_312 = arith.constant 720 : i32
      %add3A_313 = arith.addi %mul3A_2, %add3A_312 : i32
      %dma_start3A_314 = arith.constant 0 : i32
      %dma_start3A_315 = arith.constant 0 : i32
      %dma_start3A_316 = tpu.memref_slice %arg4[%dma_start3A_314, %dma_start3A_315] : memref<120x256xf32, #tpu.memory_space<vmem>> -> memref<120x256xf32, #tpu.memory_space<vmem>>
      %dma_start3A_317 = arith.constant 0 : i32
      %dma_start3A_318 = tpu.memref_slice %arg2[%add3A_313, %dma_start3A_317] : memref<65536x256xf32, #tpu.memory_space<hbm>> -> memref<120x256xf32, #tpu.memory_space<hbm>>
      %dma_start3A_319 = arith.constant 0 : i32
      %dma_start3A_320 = arith.constant 0 : i32
      %dma_start3A_321 = tpu.memref_slice %arg4[%dma_start3A_319, %dma_start3A_320] : memref<120x256xf32, #tpu.memory_space<vmem>> -> memref<120x256xf32, #tpu.memory_space<vmem>>
      %dma_start3A_322 = arith.constant 0 : i32
      %dma_start3A_323 = tpu.memref_slice %arg2[%add3A_313, %dma_start3A_322] : memref<65536x256xf32, #tpu.memory_space<hbm>> -> memref<120x256xf32, #tpu.memory_space<hbm>>
      tpu.enqueue_dma source(%dma_start3A_323 : memref<120x256xf32, #tpu.memory_space<hbm>>) target(%dma_start3A_321 : memref<120x256xf32, #tpu.memory_space<vmem>>) target_semaphore(%run_scoped3A : memref<!tpu.dma_semaphore, #tpu.memory_space<semaphore_mem>>)
      %add3A_324 = arith.constant 480 : i32
      %add3A_325 = arith.addi %mul3A_2, %add3A_324 : i32
      %dma_wait3A_326 = arith.constant 0 : i32
      %dma_wait3A_327 = arith.constant 0 : i32
      %dma_wait3A_328 = tpu.memref_slice %arg5[%dma_wait3A_326, %dma_wait3A_327] : memref<120x256xf32, #tpu.memory_space<vmem>> -> memref<120x256xf32, #tpu.memory_space<vmem>>
      %dma_wait3A_329 = arith.constant 0 : i32
      %dma_wait3A_330 = tpu.memref_slice %arg2[%add3A_325, %dma_wait3A_329] : memref<65536x256xf32, #tpu.memory_space<hbm>> -> memref<120x256xf32, #tpu.memory_space<hbm>>
      %dma_wait3A_331 = arith.constant 0 : i32
      %dma_wait3A_332 = arith.constant 0 : i32
      %dma_wait3A_333 = tpu.memref_slice %arg5[%dma_wait3A_331, %dma_wait3A_332] : memref<120x256xf32, #tpu.memory_space<vmem>> -> memref<120x256xf32, #tpu.memory_space<vmem>>
      %dma_wait3A_334 = arith.constant 0 : i32
      %dma_wait3A_335 = tpu.memref_slice %arg2[%add3A_325, %dma_wait3A_334] : memref<65536x256xf32, #tpu.memory_space<hbm>> -> memref<120x256xf32, #tpu.memory_space<hbm>>
      tpu.wait_dma2 semaphore(%run_scoped3A_3 : memref<!tpu.dma_semaphore, #tpu.memory_space<semaphore_mem>>) src(%dma_wait3A_335 : memref<120x256xf32, #tpu.memory_space<hbm>>) dst(%dma_wait3A_333 : memref<120x256xf32, #tpu.memory_space<vmem>>)
      %add3A_336 = arith.constant 480 : i32
      %add3A_337 = arith.addi %mul3A_2, %add3A_336 : i32
      %add3A_338 = arith.constant 65536 : i32
      %add3A_339 = arith.addi %add3A_338, %mul3A_2 : i32
      %add3A_340 = arith.constant 480 : i32
      %add3A_341 = arith.addi %add3A_339, %add3A_340 : i32
      %dma_start3A_342 = arith.constant 0 : i32
      %dma_start3A_343 = arith.constant 0 : i32
      %dma_start3A_344 = tpu.memref_slice %arg5[%dma_start3A_342, %dma_start3A_343] : memref<120x256xf32, #tpu.memory_space<vmem>> -> memref<120x256xf32, #tpu.memory_space<vmem>>
      %dma_start3A_345 = arith.constant 0 : i32
      %dma_start3A_346 = tpu.memref_slice %arg3[%add3A_337, %dma_start3A_345] : memref<131072x256xf32, #tpu.memory_space<hbm>> -> memref<120x256xf32, #tpu.memory_space<hbm>>
      %dma_start3A_347 = arith.constant 0 : i32
      %dma_start3A_348 = tpu.memref_slice %arg3[%add3A_337, %dma_start3A_347] : memref<131072x256xf32, #tpu.memory_space<hbm>> -> memref<120x256xf32, #tpu.memory_space<hbm>>
      %dma_start3A_349 = arith.constant 0 : i32
      %dma_start3A_350 = arith.constant 0 : i32
      %dma_start3A_351 = tpu.memref_slice %arg5[%dma_start3A_349, %dma_start3A_350] : memref<120x256xf32, #tpu.memory_space<vmem>> -> memref<120x256xf32, #tpu.memory_space<vmem>>
      tpu.enqueue_dma source(%dma_start3A_351 : memref<120x256xf32, #tpu.memory_space<vmem>>) target(%dma_start3A_348 : memref<120x256xf32, #tpu.memory_space<hbm>>) target_semaphore(%run_scoped3A_6 : memref<!tpu.dma_semaphore, #tpu.memory_space<semaphore_mem>>)
      %dma_start3A_352 = arith.constant 0 : i32
      %dma_start3A_353 = arith.constant 0 : i32
      %dma_start3A_354 = tpu.memref_slice %arg5[%dma_start3A_352, %dma_start3A_353] : memref<120x256xf32, #tpu.memory_space<vmem>> -> memref<120x256xf32, #tpu.memory_space<vmem>>
      %dma_start3A_355 = arith.constant 0 : i32
      %dma_start3A_356 = tpu.memref_slice %arg3[%add3A_341, %dma_start3A_355] : memref<131072x256xf32, #tpu.memory_space<hbm>> -> memref<120x256xf32, #tpu.memory_space<hbm>>
      %dma_start3A_357 = arith.constant 0 : i32
      %dma_start3A_358 = tpu.memref_slice %arg3[%add3A_341, %dma_start3A_357] : memref<131072x256xf32, #tpu.memory_space<hbm>> -> memref<120x256xf32, #tpu.memory_space<hbm>>
      %dma_start3A_359 = arith.constant 0 : i32
      %dma_start3A_360 = arith.constant 0 : i32
      %dma_start3A_361 = tpu.memref_slice %arg5[%dma_start3A_359, %dma_start3A_360] : memref<120x256xf32, #tpu.memory_space<vmem>> -> memref<120x256xf32, #tpu.memory_space<vmem>>
      tpu.enqueue_dma source(%dma_start3A_361 : memref<120x256xf32, #tpu.memory_space<vmem>>) target(%dma_start3A_358 : memref<120x256xf32, #tpu.memory_space<hbm>>) target_semaphore(%run_scoped3A_6 : memref<!tpu.dma_semaphore, #tpu.memory_space<semaphore_mem>>)
      %dma_wait3A_362 = arith.constant 0 : i32
      %dma_wait3A_363 = arith.constant 0 : i32
      %dma_wait3A_364 = tpu.memref_slice %arg5[%dma_wait3A_362, %dma_wait3A_363] : memref<120x256xf32, #tpu.memory_space<vmem>> -> memref<120x256xf32, #tpu.memory_space<vmem>>
      %dma_wait3A_365 = arith.constant 0 : i32
      %dma_wait3A_366 = tpu.memref_slice %arg3[%add3A_337, %dma_wait3A_365] : memref<131072x256xf32, #tpu.memory_space<hbm>> -> memref<120x256xf32, #tpu.memory_space<hbm>>
      %dma_wait3A_367 = arith.constant 0 : i32
      %dma_wait3A_368 = tpu.memref_slice %arg3[%add3A_337, %dma_wait3A_367] : memref<131072x256xf32, #tpu.memory_space<hbm>> -> memref<120x256xf32, #tpu.memory_space<hbm>>
      %dma_wait3A_369 = arith.constant 0 : i32
      %dma_wait3A_370 = arith.constant 0 : i32
      %dma_wait3A_371 = tpu.memref_slice %arg5[%dma_wait3A_369, %dma_wait3A_370] : memref<120x256xf32, #tpu.memory_space<vmem>> -> memref<120x256xf32, #tpu.memory_space<vmem>>
      tpu.wait_dma2 semaphore(%run_scoped3A_6 : memref<!tpu.dma_semaphore, #tpu.memory_space<semaphore_mem>>) src(%dma_wait3A_371 : memref<120x256xf32, #tpu.memory_space<vmem>>) dst(%dma_wait3A_368 : memref<120x256xf32, #tpu.memory_space<hbm>>)
      %dma_wait3A_372 = arith.constant 0 : i32
      %dma_wait3A_373 = arith.constant 0 : i32
      %dma_wait3A_374 = tpu.memref_slice %arg5[%dma_wait3A_372, %dma_wait3A_373] : memref<120x256xf32, #tpu.memory_space<vmem>> -> memref<120x256xf32, #tpu.memory_space<vmem>>
      %dma_wait3A_375 = arith.constant 0 : i32
      %dma_wait3A_376 = tpu.memref_slice %arg3[%add3A_341, %dma_wait3A_375] : memref<131072x256xf32, #tpu.memory_space<hbm>> -> memref<120x256xf32, #tpu.memory_space<hbm>>
      %dma_wait3A_377 = arith.constant 0 : i32
      %dma_wait3A_378 = tpu.memref_slice %arg3[%add3A_341, %dma_wait3A_377] : memref<131072x256xf32, #tpu.memory_space<hbm>> -> memref<120x256xf32, #tpu.memory_space<hbm>>
      %dma_wait3A_379 = arith.constant 0 : i32
      %dma_wait3A_380 = arith.constant 0 : i32
      %dma_wait3A_381 = tpu.memref_slice %arg5[%dma_wait3A_379, %dma_wait3A_380] : memref<120x256xf32, #tpu.memory_space<vmem>> -> memref<120x256xf32, #tpu.memory_space<vmem>>
      tpu.wait_dma2 semaphore(%run_scoped3A_6 : memref<!tpu.dma_semaphore, #tpu.memory_space<semaphore_mem>>) src(%dma_wait3A_381 : memref<120x256xf32, #tpu.memory_space<vmem>>) dst(%dma_wait3A_378 : memref<120x256xf32, #tpu.memory_space<hbm>>)
      %add3A_382 = arith.constant 840 : i32
      %add3A_383 = arith.addi %mul3A_2, %add3A_382 : i32
      %dma_start3A_384 = arith.constant 0 : i32
      %dma_start3A_385 = arith.constant 0 : i32
      %dma_start3A_386 = tpu.memref_slice %arg5[%dma_start3A_384, %dma_start3A_385] : memref<120x256xf32, #tpu.memory_space<vmem>> -> memref<120x256xf32, #tpu.memory_space<vmem>>
      %dma_start3A_387 = arith.constant 0 : i32
      %dma_start3A_388 = tpu.memref_slice %arg2[%add3A_383, %dma_start3A_387] : memref<65536x256xf32, #tpu.memory_space<hbm>> -> memref<120x256xf32, #tpu.memory_space<hbm>>
      %dma_start3A_389 = arith.constant 0 : i32
      %dma_start3A_390 = arith.constant 0 : i32
      %dma_start3A_391 = tpu.memref_slice %arg5[%dma_start3A_389, %dma_start3A_390] : memref<120x256xf32, #tpu.memory_space<vmem>> -> memref<120x256xf32, #tpu.memory_space<vmem>>
      %dma_start3A_392 = arith.constant 0 : i32
      %dma_start3A_393 = tpu.memref_slice %arg2[%add3A_383, %dma_start3A_392] : memref<65536x256xf32, #tpu.memory_space<hbm>> -> memref<120x256xf32, #tpu.memory_space<hbm>>
      tpu.enqueue_dma source(%dma_start3A_393 : memref<120x256xf32, #tpu.memory_space<hbm>>) target(%dma_start3A_391 : memref<120x256xf32, #tpu.memory_space<vmem>>) target_semaphore(%run_scoped3A_3 : memref<!tpu.dma_semaphore, #tpu.memory_space<semaphore_mem>>)
      %add3A_394 = arith.constant 600 : i32
      %add3A_395 = arith.addi %mul3A_2, %add3A_394 : i32
      %dma_wait3A_396 = arith.constant 0 : i32
      %dma_wait3A_397 = arith.constant 0 : i32
      %dma_wait3A_398 = tpu.memref_slice %arg6[%dma_wait3A_396, %dma_wait3A_397] : memref<120x256xf32, #tpu.memory_space<vmem>> -> memref<120x256xf32, #tpu.memory_space<vmem>>
      %dma_wait3A_399 = arith.constant 0 : i32
      %dma_wait3A_400 = tpu.memref_slice %arg2[%add3A_395, %dma_wait3A_399] : memref<65536x256xf32, #tpu.memory_space<hbm>> -> memref<120x256xf32, #tpu.memory_space<hbm>>
      %dma_wait3A_401 = arith.constant 0 : i32
      %dma_wait3A_402 = arith.constant 0 : i32
      %dma_wait3A_403 = tpu.memref_slice %arg6[%dma_wait3A_401, %dma_wait3A_402] : memref<120x256xf32, #tpu.memory_space<vmem>> -> memref<120x256xf32, #tpu.memory_space<vmem>>
      %dma_wait3A_404 = arith.constant 0 : i32
      %dma_wait3A_405 = tpu.memref_slice %arg2[%add3A_395, %dma_wait3A_404] : memref<65536x256xf32, #tpu.memory_space<hbm>> -> memref<120x256xf32, #tpu.memory_space<hbm>>
      tpu.wait_dma2 semaphore(%run_scoped3A_4 : memref<!tpu.dma_semaphore, #tpu.memory_space<semaphore_mem>>) src(%dma_wait3A_405 : memref<120x256xf32, #tpu.memory_space<hbm>>) dst(%dma_wait3A_403 : memref<120x256xf32, #tpu.memory_space<vmem>>)
      %add3A_406 = arith.constant 600 : i32
      %add3A_407 = arith.addi %mul3A_2, %add3A_406 : i32
      %add3A_408 = arith.constant 65536 : i32
      %add3A_409 = arith.addi %add3A_408, %mul3A_2 : i32
      %add3A_410 = arith.constant 600 : i32
      %add3A_411 = arith.addi %add3A_409, %add3A_410 : i32
      %dma_start3A_412 = arith.constant 0 : i32
      %dma_start3A_413 = arith.constant 0 : i32
      %dma_start3A_414 = tpu.memref_slice %arg6[%dma_start3A_412, %dma_start3A_413] : memref<120x256xf32, #tpu.memory_space<vmem>> -> memref<120x256xf32, #tpu.memory_space<vmem>>
      %dma_start3A_415 = arith.constant 0 : i32
      %dma_start3A_416 = tpu.memref_slice %arg3[%add3A_407, %dma_start3A_415] : memref<131072x256xf32, #tpu.memory_space<hbm>> -> memref<120x256xf32, #tpu.memory_space<hbm>>
      %dma_start3A_417 = arith.constant 0 : i32
      %dma_start3A_418 = tpu.memref_slice %arg3[%add3A_407, %dma_start3A_417] : memref<131072x256xf32, #tpu.memory_space<hbm>> -> memref<120x256xf32, #tpu.memory_space<hbm>>
      %dma_start3A_419 = arith.constant 0 : i32
      %dma_start3A_420 = arith.constant 0 : i32
      %dma_start3A_421 = tpu.memref_slice %arg6[%dma_start3A_419, %dma_start3A_420] : memref<120x256xf32, #tpu.memory_space<vmem>> -> memref<120x256xf32, #tpu.memory_space<vmem>>
      tpu.enqueue_dma source(%dma_start3A_421 : memref<120x256xf32, #tpu.memory_space<vmem>>) target(%dma_start3A_418 : memref<120x256xf32, #tpu.memory_space<hbm>>) target_semaphore(%run_scoped3A_7 : memref<!tpu.dma_semaphore, #tpu.memory_space<semaphore_mem>>)
      %dma_start3A_422 = arith.constant 0 : i32
      %dma_start3A_423 = arith.constant 0 : i32
      %dma_start3A_424 = tpu.memref_slice %arg6[%dma_start3A_422, %dma_start3A_423] : memref<120x256xf32, #tpu.memory_space<vmem>> -> memref<120x256xf32, #tpu.memory_space<vmem>>
      %dma_start3A_425 = arith.constant 0 : i32
      %dma_start3A_426 = tpu.memref_slice %arg3[%add3A_411, %dma_start3A_425] : memref<131072x256xf32, #tpu.memory_space<hbm>> -> memref<120x256xf32, #tpu.memory_space<hbm>>
      %dma_start3A_427 = arith.constant 0 : i32
      %dma_start3A_428 = tpu.memref_slice %arg3[%add3A_411, %dma_start3A_427] : memref<131072x256xf32, #tpu.memory_space<hbm>> -> memref<120x256xf32, #tpu.memory_space<hbm>>
      %dma_start3A_429 = arith.constant 0 : i32
      %dma_start3A_430 = arith.constant 0 : i32
      %dma_start3A_431 = tpu.memref_slice %arg6[%dma_start3A_429, %dma_start3A_430] : memref<120x256xf32, #tpu.memory_space<vmem>> -> memref<120x256xf32, #tpu.memory_space<vmem>>
      tpu.enqueue_dma source(%dma_start3A_431 : memref<120x256xf32, #tpu.memory_space<vmem>>) target(%dma_start3A_428 : memref<120x256xf32, #tpu.memory_space<hbm>>) target_semaphore(%run_scoped3A_7 : memref<!tpu.dma_semaphore, #tpu.memory_space<semaphore_mem>>)
      %dma_wait3A_432 = arith.constant 0 : i32
      %dma_wait3A_433 = arith.constant 0 : i32
      %dma_wait3A_434 = tpu.memref_slice %arg6[%dma_wait3A_432, %dma_wait3A_433] : memref<120x256xf32, #tpu.memory_space<vmem>> -> memref<120x256xf32, #tpu.memory_space<vmem>>
      %dma_wait3A_435 = arith.constant 0 : i32
      %dma_wait3A_436 = tpu.memref_slice %arg3[%add3A_407, %dma_wait3A_435] : memref<131072x256xf32, #tpu.memory_space<hbm>> -> memref<120x256xf32, #tpu.memory_space<hbm>>
      %dma_wait3A_437 = arith.constant 0 : i32
      %dma_wait3A_438 = tpu.memref_slice %arg3[%add3A_407, %dma_wait3A_437] : memref<131072x256xf32, #tpu.memory_space<hbm>> -> memref<120x256xf32, #tpu.memory_space<hbm>>
      %dma_wait3A_439 = arith.constant 0 : i32
      %dma_wait3A_440 = arith.constant 0 : i32
      %dma_wait3A_441 = tpu.memref_slice %arg6[%dma_wait3A_439, %dma_wait3A_440] : memref<120x256xf32, #tpu.memory_space<vmem>> -> memref<120x256xf32, #tpu.memory_space<vmem>>
      tpu.wait_dma2 semaphore(%run_scoped3A_7 : memref<!tpu.dma_semaphore, #tpu.memory_space<semaphore_mem>>) src(%dma_wait3A_441 : memref<120x256xf32, #tpu.memory_space<vmem>>) dst(%dma_wait3A_438 : memref<120x256xf32, #tpu.memory_space<hbm>>)
      %dma_wait3A_442 = arith.constant 0 : i32
      %dma_wait3A_443 = arith.constant 0 : i32
      %dma_wait3A_444 = tpu.memref_slice %arg6[%dma_wait3A_442, %dma_wait3A_443] : memref<120x256xf32, #tpu.memory_space<vmem>> -> memref<120x256xf32, #tpu.memory_space<vmem>>
      %dma_wait3A_445 = arith.constant 0 : i32
      %dma_wait3A_446 = tpu.memref_slice %arg3[%add3A_411, %dma_wait3A_445] : memref<131072x256xf32, #tpu.memory_space<hbm>> -> memref<120x256xf32, #tpu.memory_space<hbm>>
      %dma_wait3A_447 = arith.constant 0 : i32
      %dma_wait3A_448 = tpu.memref_slice %arg3[%add3A_411, %dma_wait3A_447] : memref<131072x256xf32, #tpu.memory_space<hbm>> -> memref<120x256xf32, #tpu.memory_space<hbm>>
      %dma_wait3A_449 = arith.constant 0 : i32
      %dma_wait3A_450 = arith.constant 0 : i32
      %dma_wait3A_451 = tpu.memref_slice %arg6[%dma_wait3A_449, %dma_wait3A_450] : memref<120x256xf32, #tpu.memory_space<vmem>> -> memref<120x256xf32, #tpu.memory_space<vmem>>
      tpu.wait_dma2 semaphore(%run_scoped3A_7 : memref<!tpu.dma_semaphore, #tpu.memory_space<semaphore_mem>>) src(%dma_wait3A_451 : memref<120x256xf32, #tpu.memory_space<vmem>>) dst(%dma_wait3A_448 : memref<120x256xf32, #tpu.memory_space<hbm>>)
      %add3A_452 = arith.constant 960 : i32
      %add3A_453 = arith.addi %mul3A_2, %add3A_452 : i32
      %dma_start3A_454 = arith.constant 0 : i32
      %dma_start3A_455 = arith.constant 0 : i32
      %dma_start3A_456 = tpu.memref_slice %arg6[%dma_start3A_454, %dma_start3A_455] : memref<120x256xf32, #tpu.memory_space<vmem>> -> memref<120x256xf32, #tpu.memory_space<vmem>>
      %dma_start3A_457 = arith.constant 0 : i32
      %dma_start3A_458 = tpu.memref_slice %arg2[%add3A_453, %dma_start3A_457] : memref<65536x256xf32, #tpu.memory_space<hbm>> -> memref<120x256xf32, #tpu.memory_space<hbm>>
      %dma_start3A_459 = arith.constant 0 : i32
      %dma_start3A_460 = arith.constant 0 : i32
      %dma_start3A_461 = tpu.memref_slice %arg6[%dma_start3A_459, %dma_start3A_460] : memref<120x256xf32, #tpu.memory_space<vmem>> -> memref<120x256xf32, #tpu.memory_space<vmem>>
      %dma_start3A_462 = arith.constant 0 : i32
      %dma_start3A_463 = tpu.memref_slice %arg2[%add3A_453, %dma_start3A_462] : memref<65536x256xf32, #tpu.memory_space<hbm>> -> memref<120x256xf32, #tpu.memory_space<hbm>>
      tpu.enqueue_dma source(%dma_start3A_463 : memref<120x256xf32, #tpu.memory_space<hbm>>) target(%dma_start3A_461 : memref<120x256xf32, #tpu.memory_space<vmem>>) target_semaphore(%run_scoped3A_4 : memref<!tpu.dma_semaphore, #tpu.memory_space<semaphore_mem>>)
      %add3A_464 = arith.constant 720 : i32
      %add3A_465 = arith.addi %mul3A_2, %add3A_464 : i32
      %dma_wait3A_466 = arith.constant 0 : i32
      %dma_wait3A_467 = arith.constant 0 : i32
      %dma_wait3A_468 = tpu.memref_slice %arg4[%dma_wait3A_466, %dma_wait3A_467] : memref<120x256xf32, #tpu.memory_space<vmem>> -> memref<120x256xf32, #tpu.memory_space<vmem>>
      %dma_wait3A_469 = arith.constant 0 : i32
      %dma_wait3A_470 = tpu.memref_slice %arg2[%add3A_465, %dma_wait3A_469] : memref<65536x256xf32, #tpu.memory_space<hbm>> -> memref<120x256xf32, #tpu.memory_space<hbm>>
      %dma_wait3A_471 = arith.constant 0 : i32
      %dma_wait3A_472 = arith.constant 0 : i32
      %dma_wait3A_473 = tpu.memref_slice %arg4[%dma_wait3A_471, %dma_wait3A_472] : memref<120x256xf32, #tpu.memory_space<vmem>> -> memref<120x256xf32, #tpu.memory_space<vmem>>
      %dma_wait3A_474 = arith.constant 0 : i32
      %dma_wait3A_475 = tpu.memref_slice %arg2[%add3A_465, %dma_wait3A_474] : memref<65536x256xf32, #tpu.memory_space<hbm>> -> memref<120x256xf32, #tpu.memory_space<hbm>>
      tpu.wait_dma2 semaphore(%run_scoped3A : memref<!tpu.dma_semaphore, #tpu.memory_space<semaphore_mem>>) src(%dma_wait3A_475 : memref<120x256xf32, #tpu.memory_space<hbm>>) dst(%dma_wait3A_473 : memref<120x256xf32, #tpu.memory_space<vmem>>)
      %add3A_476 = arith.constant 720 : i32
      %add3A_477 = arith.addi %mul3A_2, %add3A_476 : i32
      %add3A_478 = arith.constant 65536 : i32
      %add3A_479 = arith.addi %add3A_478, %mul3A_2 : i32
      %add3A_480 = arith.constant 720 : i32
      %add3A_481 = arith.addi %add3A_479, %add3A_480 : i32
      %dma_start3A_482 = arith.constant 0 : i32
      %dma_start3A_483 = arith.constant 0 : i32
      %dma_start3A_484 = tpu.memref_slice %arg4[%dma_start3A_482, %dma_start3A_483] : memref<120x256xf32, #tpu.memory_space<vmem>> -> memref<120x256xf32, #tpu.memory_space<vmem>>
      %dma_start3A_485 = arith.constant 0 : i32
      %dma_start3A_486 = tpu.memref_slice %arg3[%add3A_477, %dma_start3A_485] : memref<131072x256xf32, #tpu.memory_space<hbm>> -> memref<120x256xf32, #tpu.memory_space<hbm>>
      %dma_start3A_487 = arith.constant 0 : i32
      %dma_start3A_488 = tpu.memref_slice %arg3[%add3A_477, %dma_start3A_487] : memref<131072x256xf32, #tpu.memory_space<hbm>> -> memref<120x256xf32, #tpu.memory_space<hbm>>
      %dma_start3A_489 = arith.constant 0 : i32
      %dma_start3A_490 = arith.constant 0 : i32
      %dma_start3A_491 = tpu.memref_slice %arg4[%dma_start3A_489, %dma_start3A_490] : memref<120x256xf32, #tpu.memory_space<vmem>> -> memref<120x256xf32, #tpu.memory_space<vmem>>
      tpu.enqueue_dma source(%dma_start3A_491 : memref<120x256xf32, #tpu.memory_space<vmem>>) target(%dma_start3A_488 : memref<120x256xf32, #tpu.memory_space<hbm>>) target_semaphore(%run_scoped3A_5 : memref<!tpu.dma_semaphore, #tpu.memory_space<semaphore_mem>>)
      %dma_start3A_492 = arith.constant 0 : i32
      %dma_start3A_493 = arith.constant 0 : i32
      %dma_start3A_494 = tpu.memref_slice %arg4[%dma_start3A_492, %dma_start3A_493] : memref<120x256xf32, #tpu.memory_space<vmem>> -> memref<120x256xf32, #tpu.memory_space<vmem>>
      %dma_start3A_495 = arith.constant 0 : i32
      %dma_start3A_496 = tpu.memref_slice %arg3[%add3A_481, %dma_start3A_495] : memref<131072x256xf32, #tpu.memory_space<hbm>> -> memref<120x256xf32, #tpu.memory_space<hbm>>
      %dma_start3A_497 = arith.constant 0 : i32
      %dma_start3A_498 = tpu.memref_slice %arg3[%add3A_481, %dma_start3A_497] : memref<131072x256xf32, #tpu.memory_space<hbm>> -> memref<120x256xf32, #tpu.memory_space<hbm>>
      %dma_start3A_499 = arith.constant 0 : i32
      %dma_start3A_500 = arith.constant 0 : i32
      %dma_start3A_501 = tpu.memref_slice %arg4[%dma_start3A_499, %dma_start3A_500] : memref<120x256xf32, #tpu.memory_space<vmem>> -> memref<120x256xf32, #tpu.memory_space<vmem>>
      tpu.enqueue_dma source(%dma_start3A_501 : memref<120x256xf32, #tpu.memory_space<vmem>>) target(%dma_start3A_498 : memref<120x256xf32, #tpu.memory_space<hbm>>) target_semaphore(%run_scoped3A_5 : memref<!tpu.dma_semaphore, #tpu.memory_space<semaphore_mem>>)
      %dma_wait3A_502 = arith.constant 0 : i32
      %dma_wait3A_503 = arith.constant 0 : i32
      %dma_wait3A_504 = tpu.memref_slice %arg4[%dma_wait3A_502, %dma_wait3A_503] : memref<120x256xf32, #tpu.memory_space<vmem>> -> memref<120x256xf32, #tpu.memory_space<vmem>>
      %dma_wait3A_505 = arith.constant 0 : i32
      %dma_wait3A_506 = tpu.memref_slice %arg3[%add3A_477, %dma_wait3A_505] : memref<131072x256xf32, #tpu.memory_space<hbm>> -> memref<120x256xf32, #tpu.memory_space<hbm>>
      %dma_wait3A_507 = arith.constant 0 : i32
      %dma_wait3A_508 = tpu.memref_slice %arg3[%add3A_477, %dma_wait3A_507] : memref<131072x256xf32, #tpu.memory_space<hbm>> -> memref<120x256xf32, #tpu.memory_space<hbm>>
      %dma_wait3A_509 = arith.constant 0 : i32
      %dma_wait3A_510 = arith.constant 0 : i32
      %dma_wait3A_511 = tpu.memref_slice %arg4[%dma_wait3A_509, %dma_wait3A_510] : memref<120x256xf32, #tpu.memory_space<vmem>> -> memref<120x256xf32, #tpu.memory_space<vmem>>
      tpu.wait_dma2 semaphore(%run_scoped3A_5 : memref<!tpu.dma_semaphore, #tpu.memory_space<semaphore_mem>>) src(%dma_wait3A_511 : memref<120x256xf32, #tpu.memory_space<vmem>>) dst(%dma_wait3A_508 : memref<120x256xf32, #tpu.memory_space<hbm>>)
      %dma_wait3A_512 = arith.constant 0 : i32
      %dma_wait3A_513 = arith.constant 0 : i32
      %dma_wait3A_514 = tpu.memref_slice %arg4[%dma_wait3A_512, %dma_wait3A_513] : memref<120x256xf32, #tpu.memory_space<vmem>> -> memref<120x256xf32, #tpu.memory_space<vmem>>
      %dma_wait3A_515 = arith.constant 0 : i32
      %dma_wait3A_516 = tpu.memref_slice %arg3[%add3A_481, %dma_wait3A_515] : memref<131072x256xf32, #tpu.memory_space<hbm>> -> memref<120x256xf32, #tpu.memory_space<hbm>>
      %dma_wait3A_517 = arith.constant 0 : i32
      %dma_wait3A_518 = tpu.memref_slice %arg3[%add3A_481, %dma_wait3A_517] : memref<131072x256xf32, #tpu.memory_space<hbm>> -> memref<120x256xf32, #tpu.memory_space<hbm>>
      %dma_wait3A_519 = arith.constant 0 : i32
      %dma_wait3A_520 = arith.constant 0 : i32
      %dma_wait3A_521 = tpu.memref_slice %arg4[%dma_wait3A_519, %dma_wait3A_520] : memref<120x256xf32, #tpu.memory_space<vmem>> -> memref<120x256xf32, #tpu.memory_space<vmem>>
      tpu.wait_dma2 semaphore(%run_scoped3A_5 : memref<!tpu.dma_semaphore, #tpu.memory_space<semaphore_mem>>) src(%dma_wait3A_521 : memref<120x256xf32, #tpu.memory_space<vmem>>) dst(%dma_wait3A_518 : memref<120x256xf32, #tpu.memory_space<hbm>>)
      %add3A_522 = arith.constant 1080 : i32
      %add3A_523 = arith.addi %mul3A_2, %add3A_522 : i32
      %dma_start3A_524 = arith.constant 0 : i32
      %dma_start3A_525 = arith.constant 0 : i32
      %dma_start3A_526 = tpu.memref_slice %arg4[%dma_start3A_524, %dma_start3A_525] : memref<120x256xf32, #tpu.memory_space<vmem>> -> memref<120x256xf32, #tpu.memory_space<vmem>>
      %dma_start3A_527 = arith.constant 0 : i32
      %dma_start3A_528 = tpu.memref_slice %arg2[%add3A_523, %dma_start3A_527] : memref<65536x256xf32, #tpu.memory_space<hbm>> -> memref<120x256xf32, #tpu.memory_space<hbm>>
      %dma_start3A_529 = arith.constant 0 : i32
      %dma_start3A_530 = arith.constant 0 : i32
      %dma_start3A_531 = tpu.memref_slice %arg4[%dma_start3A_529, %dma_start3A_530] : memref<120x256xf32, #tpu.memory_space<vmem>> -> memref<120x256xf32, #tpu.memory_space<vmem>>
      %dma_start3A_532 = arith.constant 0 : i32
      %dma_start3A_533 = tpu.memref_slice %arg2[%add3A_523, %dma_start3A_532] : memref<65536x256xf32, #tpu.memory_space<hbm>> -> memref<120x256xf32, #tpu.memory_space<hbm>>
      tpu.enqueue_dma source(%dma_start3A_533 : memref<120x256xf32, #tpu.memory_space<hbm>>) target(%dma_start3A_531 : memref<120x256xf32, #tpu.memory_space<vmem>>) target_semaphore(%run_scoped3A : memref<!tpu.dma_semaphore, #tpu.memory_space<semaphore_mem>>)
      %add3A_534 = arith.constant 840 : i32
      %add3A_535 = arith.addi %mul3A_2, %add3A_534 : i32
      %dma_wait3A_536 = arith.constant 0 : i32
      %dma_wait3A_537 = arith.constant 0 : i32
      %dma_wait3A_538 = tpu.memref_slice %arg5[%dma_wait3A_536, %dma_wait3A_537] : memref<120x256xf32, #tpu.memory_space<vmem>> -> memref<120x256xf32, #tpu.memory_space<vmem>>
      %dma_wait3A_539 = arith.constant 0 : i32
      %dma_wait3A_540 = tpu.memref_slice %arg2[%add3A_535, %dma_wait3A_539] : memref<65536x256xf32, #tpu.memory_space<hbm>> -> memref<120x256xf32, #tpu.memory_space<hbm>>
      %dma_wait3A_541 = arith.constant 0 : i32
      %dma_wait3A_542 = arith.constant 0 : i32
      %dma_wait3A_543 = tpu.memref_slice %arg5[%dma_wait3A_541, %dma_wait3A_542] : memref<120x256xf32, #tpu.memory_space<vmem>> -> memref<120x256xf32, #tpu.memory_space<vmem>>
      %dma_wait3A_544 = arith.constant 0 : i32
      %dma_wait3A_545 = tpu.memref_slice %arg2[%add3A_535, %dma_wait3A_544] : memref<65536x256xf32, #tpu.memory_space<hbm>> -> memref<120x256xf32, #tpu.memory_space<hbm>>
      tpu.wait_dma2 semaphore(%run_scoped3A_3 : memref<!tpu.dma_semaphore, #tpu.memory_space<semaphore_mem>>) src(%dma_wait3A_545 : memref<120x256xf32, #tpu.memory_space<hbm>>) dst(%dma_wait3A_543 : memref<120x256xf32, #tpu.memory_space<vmem>>)
      %add3A_546 = arith.constant 840 : i32
      %add3A_547 = arith.addi %mul3A_2, %add3A_546 : i32
      %add3A_548 = arith.constant 65536 : i32
      %add3A_549 = arith.addi %add3A_548, %mul3A_2 : i32
      %add3A_550 = arith.constant 840 : i32
      %add3A_551 = arith.addi %add3A_549, %add3A_550 : i32
      %dma_start3A_552 = arith.constant 0 : i32
      %dma_start3A_553 = arith.constant 0 : i32
      %dma_start3A_554 = tpu.memref_slice %arg5[%dma_start3A_552, %dma_start3A_553] : memref<120x256xf32, #tpu.memory_space<vmem>> -> memref<120x256xf32, #tpu.memory_space<vmem>>
      %dma_start3A_555 = arith.constant 0 : i32
      %dma_start3A_556 = tpu.memref_slice %arg3[%add3A_547, %dma_start3A_555] : memref<131072x256xf32, #tpu.memory_space<hbm>> -> memref<120x256xf32, #tpu.memory_space<hbm>>
      %dma_start3A_557 = arith.constant 0 : i32
      %dma_start3A_558 = tpu.memref_slice %arg3[%add3A_547, %dma_start3A_557] : memref<131072x256xf32, #tpu.memory_space<hbm>> -> memref<120x256xf32, #tpu.memory_space<hbm>>
      %dma_start3A_559 = arith.constant 0 : i32
      %dma_start3A_560 = arith.constant 0 : i32
      %dma_start3A_561 = tpu.memref_slice %arg5[%dma_start3A_559, %dma_start3A_560] : memref<120x256xf32, #tpu.memory_space<vmem>> -> memref<120x256xf32, #tpu.memory_space<vmem>>
      tpu.enqueue_dma source(%dma_start3A_561 : memref<120x256xf32, #tpu.memory_space<vmem>>) target(%dma_start3A_558 : memref<120x256xf32, #tpu.memory_space<hbm>>) target_semaphore(%run_scoped3A_6 : memref<!tpu.dma_semaphore, #tpu.memory_space<semaphore_mem>>)
      %dma_start3A_562 = arith.constant 0 : i32
      %dma_start3A_563 = arith.constant 0 : i32
      %dma_start3A_564 = tpu.memref_slice %arg5[%dma_start3A_562, %dma_start3A_563] : memref<120x256xf32, #tpu.memory_space<vmem>> -> memref<120x256xf32, #tpu.memory_space<vmem>>
      %dma_start3A_565 = arith.constant 0 : i32
      %dma_start3A_566 = tpu.memref_slice %arg3[%add3A_551, %dma_start3A_565] : memref<131072x256xf32, #tpu.memory_space<hbm>> -> memref<120x256xf32, #tpu.memory_space<hbm>>
      %dma_start3A_567 = arith.constant 0 : i32
      %dma_start3A_568 = tpu.memref_slice %arg3[%add3A_551, %dma_start3A_567] : memref<131072x256xf32, #tpu.memory_space<hbm>> -> memref<120x256xf32, #tpu.memory_space<hbm>>
      %dma_start3A_569 = arith.constant 0 : i32
      %dma_start3A_570 = arith.constant 0 : i32
      %dma_start3A_571 = tpu.memref_slice %arg5[%dma_start3A_569, %dma_start3A_570] : memref<120x256xf32, #tpu.memory_space<vmem>> -> memref<120x256xf32, #tpu.memory_space<vmem>>
      tpu.enqueue_dma source(%dma_start3A_571 : memref<120x256xf32, #tpu.memory_space<vmem>>) target(%dma_start3A_568 : memref<120x256xf32, #tpu.memory_space<hbm>>) target_semaphore(%run_scoped3A_6 : memref<!tpu.dma_semaphore, #tpu.memory_space<semaphore_mem>>)
      %dma_wait3A_572 = arith.constant 0 : i32
      %dma_wait3A_573 = arith.constant 0 : i32
      %dma_wait3A_574 = tpu.memref_slice %arg5[%dma_wait3A_572, %dma_wait3A_573] : memref<120x256xf32, #tpu.memory_space<vmem>> -> memref<120x256xf32, #tpu.memory_space<vmem>>
      %dma_wait3A_575 = arith.constant 0 : i32
      %dma_wait3A_576 = tpu.memref_slice %arg3[%add3A_547, %dma_wait3A_575] : memref<131072x256xf32, #tpu.memory_space<hbm>> -> memref<120x256xf32, #tpu.memory_space<hbm>>
      %dma_wait3A_577 = arith.constant 0 : i32
      %dma_wait3A_578 = tpu.memref_slice %arg3[%add3A_547, %dma_wait3A_577] : memref<131072x256xf32, #tpu.memory_space<hbm>> -> memref<120x256xf32, #tpu.memory_space<hbm>>
      %dma_wait3A_579 = arith.constant 0 : i32
      %dma_wait3A_580 = arith.constant 0 : i32
      %dma_wait3A_581 = tpu.memref_slice %arg5[%dma_wait3A_579, %dma_wait3A_580] : memref<120x256xf32, #tpu.memory_space<vmem>> -> memref<120x256xf32, #tpu.memory_space<vmem>>
      tpu.wait_dma2 semaphore(%run_scoped3A_6 : memref<!tpu.dma_semaphore, #tpu.memory_space<semaphore_mem>>) src(%dma_wait3A_581 : memref<120x256xf32, #tpu.memory_space<vmem>>) dst(%dma_wait3A_578 : memref<120x256xf32, #tpu.memory_space<hbm>>)
      %dma_wait3A_582 = arith.constant 0 : i32
      %dma_wait3A_583 = arith.constant 0 : i32
      %dma_wait3A_584 = tpu.memref_slice %arg5[%dma_wait3A_582, %dma_wait3A_583] : memref<120x256xf32, #tpu.memory_space<vmem>> -> memref<120x256xf32, #tpu.memory_space<vmem>>
      %dma_wait3A_585 = arith.constant 0 : i32
      %dma_wait3A_586 = tpu.memref_slice %arg3[%add3A_551, %dma_wait3A_585] : memref<131072x256xf32, #tpu.memory_space<hbm>> -> memref<120x256xf32, #tpu.memory_space<hbm>>
      %dma_wait3A_587 = arith.constant 0 : i32
      %dma_wait3A_588 = tpu.memref_slice %arg3[%add3A_551, %dma_wait3A_587] : memref<131072x256xf32, #tpu.memory_space<hbm>> -> memref<120x256xf32, #tpu.memory_space<hbm>>
      %dma_wait3A_589 = arith.constant 0 : i32
      %dma_wait3A_590 = arith.constant 0 : i32
      %dma_wait3A_591 = tpu.memref_slice %arg5[%dma_wait3A_589, %dma_wait3A_590] : memref<120x256xf32, #tpu.memory_space<vmem>> -> memref<120x256xf32, #tpu.memory_space<vmem>>
      tpu.wait_dma2 semaphore(%run_scoped3A_6 : memref<!tpu.dma_semaphore, #tpu.memory_space<semaphore_mem>>) src(%dma_wait3A_591 : memref<120x256xf32, #tpu.memory_space<vmem>>) dst(%dma_wait3A_588 : memref<120x256xf32, #tpu.memory_space<hbm>>)
      %add3A_592 = arith.constant 1200 : i32
      %add3A_593 = arith.addi %mul3A_2, %add3A_592 : i32
      %dma_start3A_594 = arith.constant 0 : i32
      %dma_start3A_595 = arith.constant 0 : i32
      %dma_start3A_596 = tpu.memref_slice %arg5[%dma_start3A_594, %dma_start3A_595] : memref<120x256xf32, #tpu.memory_space<vmem>> -> memref<80x256xf32, #tpu.memory_space<vmem>>
      %dma_start3A_597 = arith.constant 0 : i32
      %dma_start3A_598 = tpu.memref_slice %arg2[%add3A_593, %dma_start3A_597] : memref<65536x256xf32, #tpu.memory_space<hbm>> -> memref<80x256xf32, #tpu.memory_space<hbm>>
      %dma_start3A_599 = arith.constant 0 : i32
      %dma_start3A_600 = arith.constant 0 : i32
      %dma_start3A_601 = tpu.memref_slice %arg5[%dma_start3A_599, %dma_start3A_600] : memref<120x256xf32, #tpu.memory_space<vmem>> -> memref<80x256xf32, #tpu.memory_space<vmem>>
      %dma_start3A_602 = arith.constant 0 : i32
      %dma_start3A_603 = tpu.memref_slice %arg2[%add3A_593, %dma_start3A_602] : memref<65536x256xf32, #tpu.memory_space<hbm>> -> memref<80x256xf32, #tpu.memory_space<hbm>>
      tpu.enqueue_dma source(%dma_start3A_603 : memref<80x256xf32, #tpu.memory_space<hbm>>) target(%dma_start3A_601 : memref<80x256xf32, #tpu.memory_space<vmem>>) target_semaphore(%run_scoped3A_3 : memref<!tpu.dma_semaphore, #tpu.memory_space<semaphore_mem>>)
      %add3A_604 = arith.constant 960 : i32
      %add3A_605 = arith.addi %mul3A_2, %add3A_604 : i32
      %dma_wait3A_606 = arith.constant 0 : i32
      %dma_wait3A_607 = arith.constant 0 : i32
      %dma_wait3A_608 = tpu.memref_slice %arg6[%dma_wait3A_606, %dma_wait3A_607] : memref<120x256xf32, #tpu.memory_space<vmem>> -> memref<120x256xf32, #tpu.memory_space<vmem>>
      %dma_wait3A_609 = arith.constant 0 : i32
      %dma_wait3A_610 = tpu.memref_slice %arg2[%add3A_605, %dma_wait3A_609] : memref<65536x256xf32, #tpu.memory_space<hbm>> -> memref<120x256xf32, #tpu.memory_space<hbm>>
      %dma_wait3A_611 = arith.constant 0 : i32
      %dma_wait3A_612 = arith.constant 0 : i32
      %dma_wait3A_613 = tpu.memref_slice %arg6[%dma_wait3A_611, %dma_wait3A_612] : memref<120x256xf32, #tpu.memory_space<vmem>> -> memref<120x256xf32, #tpu.memory_space<vmem>>
      %dma_wait3A_614 = arith.constant 0 : i32
      %dma_wait3A_615 = tpu.memref_slice %arg2[%add3A_605, %dma_wait3A_614] : memref<65536x256xf32, #tpu.memory_space<hbm>> -> memref<120x256xf32, #tpu.memory_space<hbm>>
      tpu.wait_dma2 semaphore(%run_scoped3A_4 : memref<!tpu.dma_semaphore, #tpu.memory_space<semaphore_mem>>) src(%dma_wait3A_615 : memref<120x256xf32, #tpu.memory_space<hbm>>) dst(%dma_wait3A_613 : memref<120x256xf32, #tpu.memory_space<vmem>>)
      %add3A_616 = arith.constant 960 : i32
      %add3A_617 = arith.addi %mul3A_2, %add3A_616 : i32
      %add3A_618 = arith.constant 65536 : i32
      %add3A_619 = arith.addi %add3A_618, %mul3A_2 : i32
      %add3A_620 = arith.constant 960 : i32
      %add3A_621 = arith.addi %add3A_619, %add3A_620 : i32
      %dma_start3A_622 = arith.constant 0 : i32
      %dma_start3A_623 = arith.constant 0 : i32
      %dma_start3A_624 = tpu.memref_slice %arg6[%dma_start3A_622, %dma_start3A_623] : memref<120x256xf32, #tpu.memory_space<vmem>> -> memref<120x256xf32, #tpu.memory_space<vmem>>
      %dma_start3A_625 = arith.constant 0 : i32
      %dma_start3A_626 = tpu.memref_slice %arg3[%add3A_617, %dma_start3A_625] : memref<131072x256xf32, #tpu.memory_space<hbm>> -> memref<120x256xf32, #tpu.memory_space<hbm>>
      %dma_start3A_627 = arith.constant 0 : i32
      %dma_start3A_628 = tpu.memref_slice %arg3[%add3A_617, %dma_start3A_627] : memref<131072x256xf32, #tpu.memory_space<hbm>> -> memref<120x256xf32, #tpu.memory_space<hbm>>
      %dma_start3A_629 = arith.constant 0 : i32
      %dma_start3A_630 = arith.constant 0 : i32
      %dma_start3A_631 = tpu.memref_slice %arg6[%dma_start3A_629, %dma_start3A_630] : memref<120x256xf32, #tpu.memory_space<vmem>> -> memref<120x256xf32, #tpu.memory_space<vmem>>
      tpu.enqueue_dma source(%dma_start3A_631 : memref<120x256xf32, #tpu.memory_space<vmem>>) target(%dma_start3A_628 : memref<120x256xf32, #tpu.memory_space<hbm>>) target_semaphore(%run_scoped3A_7 : memref<!tpu.dma_semaphore, #tpu.memory_space<semaphore_mem>>)
      %dma_start3A_632 = arith.constant 0 : i32
      %dma_start3A_633 = arith.constant 0 : i32
      %dma_start3A_634 = tpu.memref_slice %arg6[%dma_start3A_632, %dma_start3A_633] : memref<120x256xf32, #tpu.memory_space<vmem>> -> memref<120x256xf32, #tpu.memory_space<vmem>>
      %dma_start3A_635 = arith.constant 0 : i32
      %dma_start3A_636 = tpu.memref_slice %arg3[%add3A_621, %dma_start3A_635] : memref<131072x256xf32, #tpu.memory_space<hbm>> -> memref<120x256xf32, #tpu.memory_space<hbm>>
      %dma_start3A_637 = arith.constant 0 : i32
      %dma_start3A_638 = tpu.memref_slice %arg3[%add3A_621, %dma_start3A_637] : memref<131072x256xf32, #tpu.memory_space<hbm>> -> memref<120x256xf32, #tpu.memory_space<hbm>>
      %dma_start3A_639 = arith.constant 0 : i32
      %dma_start3A_640 = arith.constant 0 : i32
      %dma_start3A_641 = tpu.memref_slice %arg6[%dma_start3A_639, %dma_start3A_640] : memref<120x256xf32, #tpu.memory_space<vmem>> -> memref<120x256xf32, #tpu.memory_space<vmem>>
      tpu.enqueue_dma source(%dma_start3A_641 : memref<120x256xf32, #tpu.memory_space<vmem>>) target(%dma_start3A_638 : memref<120x256xf32, #tpu.memory_space<hbm>>) target_semaphore(%run_scoped3A_7 : memref<!tpu.dma_semaphore, #tpu.memory_space<semaphore_mem>>)
      %add3A_642 = arith.constant 1080 : i32
      %add3A_643 = arith.addi %mul3A_2, %add3A_642 : i32
      %dma_wait3A_644 = arith.constant 0 : i32
      %dma_wait3A_645 = arith.constant 0 : i32
      %dma_wait3A_646 = tpu.memref_slice %arg4[%dma_wait3A_644, %dma_wait3A_645] : memref<120x256xf32, #tpu.memory_space<vmem>> -> memref<120x256xf32, #tpu.memory_space<vmem>>
      %dma_wait3A_647 = arith.constant 0 : i32
      %dma_wait3A_648 = tpu.memref_slice %arg2[%add3A_643, %dma_wait3A_647] : memref<65536x256xf32, #tpu.memory_space<hbm>> -> memref<120x256xf32, #tpu.memory_space<hbm>>
      %dma_wait3A_649 = arith.constant 0 : i32
      %dma_wait3A_650 = arith.constant 0 : i32
      %dma_wait3A_651 = tpu.memref_slice %arg4[%dma_wait3A_649, %dma_wait3A_650] : memref<120x256xf32, #tpu.memory_space<vmem>> -> memref<120x256xf32, #tpu.memory_space<vmem>>
      %dma_wait3A_652 = arith.constant 0 : i32
      %dma_wait3A_653 = tpu.memref_slice %arg2[%add3A_643, %dma_wait3A_652] : memref<65536x256xf32, #tpu.memory_space<hbm>> -> memref<120x256xf32, #tpu.memory_space<hbm>>
      tpu.wait_dma2 semaphore(%run_scoped3A : memref<!tpu.dma_semaphore, #tpu.memory_space<semaphore_mem>>) src(%dma_wait3A_653 : memref<120x256xf32, #tpu.memory_space<hbm>>) dst(%dma_wait3A_651 : memref<120x256xf32, #tpu.memory_space<vmem>>)
      %add3A_654 = arith.constant 1080 : i32
      %add3A_655 = arith.addi %mul3A_2, %add3A_654 : i32
      %add3A_656 = arith.constant 65536 : i32
      %add3A_657 = arith.addi %add3A_656, %mul3A_2 : i32
      %add3A_658 = arith.constant 1080 : i32
      %add3A_659 = arith.addi %add3A_657, %add3A_658 : i32
      %dma_start3A_660 = arith.constant 0 : i32
      %dma_start3A_661 = arith.constant 0 : i32
      %dma_start3A_662 = tpu.memref_slice %arg4[%dma_start3A_660, %dma_start3A_661] : memref<120x256xf32, #tpu.memory_space<vmem>> -> memref<120x256xf32, #tpu.memory_space<vmem>>
      %dma_start3A_663 = arith.constant 0 : i32
      %dma_start3A_664 = tpu.memref_slice %arg3[%add3A_655, %dma_start3A_663] : memref<131072x256xf32, #tpu.memory_space<hbm>> -> memref<120x256xf32, #tpu.memory_space<hbm>>
      %dma_start3A_665 = arith.constant 0 : i32
      %dma_start3A_666 = tpu.memref_slice %arg3[%add3A_655, %dma_start3A_665] : memref<131072x256xf32, #tpu.memory_space<hbm>> -> memref<120x256xf32, #tpu.memory_space<hbm>>
      %dma_start3A_667 = arith.constant 0 : i32
      %dma_start3A_668 = arith.constant 0 : i32
      %dma_start3A_669 = tpu.memref_slice %arg4[%dma_start3A_667, %dma_start3A_668] : memref<120x256xf32, #tpu.memory_space<vmem>> -> memref<120x256xf32, #tpu.memory_space<vmem>>
      tpu.enqueue_dma source(%dma_start3A_669 : memref<120x256xf32, #tpu.memory_space<vmem>>) target(%dma_start3A_666 : memref<120x256xf32, #tpu.memory_space<hbm>>) target_semaphore(%run_scoped3A_5 : memref<!tpu.dma_semaphore, #tpu.memory_space<semaphore_mem>>)
      %dma_start3A_670 = arith.constant 0 : i32
      %dma_start3A_671 = arith.constant 0 : i32
      %dma_start3A_672 = tpu.memref_slice %arg4[%dma_start3A_670, %dma_start3A_671] : memref<120x256xf32, #tpu.memory_space<vmem>> -> memref<120x256xf32, #tpu.memory_space<vmem>>
      %dma_start3A_673 = arith.constant 0 : i32
      %dma_start3A_674 = tpu.memref_slice %arg3[%add3A_659, %dma_start3A_673] : memref<131072x256xf32, #tpu.memory_space<hbm>> -> memref<120x256xf32, #tpu.memory_space<hbm>>
      %dma_start3A_675 = arith.constant 0 : i32
      %dma_start3A_676 = tpu.memref_slice %arg3[%add3A_659, %dma_start3A_675] : memref<131072x256xf32, #tpu.memory_space<hbm>> -> memref<120x256xf32, #tpu.memory_space<hbm>>
      %dma_start3A_677 = arith.constant 0 : i32
      %dma_start3A_678 = arith.constant 0 : i32
      %dma_start3A_679 = tpu.memref_slice %arg4[%dma_start3A_677, %dma_start3A_678] : memref<120x256xf32, #tpu.memory_space<vmem>> -> memref<120x256xf32, #tpu.memory_space<vmem>>
      tpu.enqueue_dma source(%dma_start3A_679 : memref<120x256xf32, #tpu.memory_space<vmem>>) target(%dma_start3A_676 : memref<120x256xf32, #tpu.memory_space<hbm>>) target_semaphore(%run_scoped3A_5 : memref<!tpu.dma_semaphore, #tpu.memory_space<semaphore_mem>>)
      %add3A_680 = arith.constant 1200 : i32
      %add3A_681 = arith.addi %mul3A_2, %add3A_680 : i32
      %dma_wait3A_682 = arith.constant 0 : i32
      %dma_wait3A_683 = arith.constant 0 : i32
      %dma_wait3A_684 = tpu.memref_slice %arg5[%dma_wait3A_682, %dma_wait3A_683] : memref<120x256xf32, #tpu.memory_space<vmem>> -> memref<80x256xf32, #tpu.memory_space<vmem>>
      %dma_wait3A_685 = arith.constant 0 : i32
      %dma_wait3A_686 = tpu.memref_slice %arg2[%add3A_681, %dma_wait3A_685] : memref<65536x256xf32, #tpu.memory_space<hbm>> -> memref<80x256xf32, #tpu.memory_space<hbm>>
      %dma_wait3A_687 = arith.constant 0 : i32
      %dma_wait3A_688 = arith.constant 0 : i32
      %dma_wait3A_689 = tpu.memref_slice %arg5[%dma_wait3A_687, %dma_wait3A_688] : memref<120x256xf32, #tpu.memory_space<vmem>> -> memref<80x256xf32, #tpu.memory_space<vmem>>
      %dma_wait3A_690 = arith.constant 0 : i32
      %dma_wait3A_691 = tpu.memref_slice %arg2[%add3A_681, %dma_wait3A_690] : memref<65536x256xf32, #tpu.memory_space<hbm>> -> memref<80x256xf32, #tpu.memory_space<hbm>>
      tpu.wait_dma2 semaphore(%run_scoped3A_3 : memref<!tpu.dma_semaphore, #tpu.memory_space<semaphore_mem>>) src(%dma_wait3A_691 : memref<80x256xf32, #tpu.memory_space<hbm>>) dst(%dma_wait3A_689 : memref<80x256xf32, #tpu.memory_space<vmem>>)
      %add3A_692 = arith.constant 1200 : i32
      %add3A_693 = arith.addi %mul3A_2, %add3A_692 : i32
      %add3A_694 = arith.constant 65536 : i32
      %add3A_695 = arith.addi %add3A_694, %mul3A_2 : i32
      %add3A_696 = arith.constant 1200 : i32
      %add3A_697 = arith.addi %add3A_695, %add3A_696 : i32
      %dma_start3A_698 = arith.constant 0 : i32
      %dma_start3A_699 = arith.constant 0 : i32
      %dma_start3A_700 = tpu.memref_slice %arg5[%dma_start3A_698, %dma_start3A_699] : memref<120x256xf32, #tpu.memory_space<vmem>> -> memref<80x256xf32, #tpu.memory_space<vmem>>
      %dma_start3A_701 = arith.constant 0 : i32
      %dma_start3A_702 = tpu.memref_slice %arg3[%add3A_693, %dma_start3A_701] : memref<131072x256xf32, #tpu.memory_space<hbm>> -> memref<80x256xf32, #tpu.memory_space<hbm>>
      %dma_start3A_703 = arith.constant 0 : i32
      %dma_start3A_704 = tpu.memref_slice %arg3[%add3A_693, %dma_start3A_703] : memref<131072x256xf32, #tpu.memory_space<hbm>> -> memref<80x256xf32, #tpu.memory_space<hbm>>
      %dma_start3A_705 = arith.constant 0 : i32
      %dma_start3A_706 = arith.constant 0 : i32
      %dma_start3A_707 = tpu.memref_slice %arg5[%dma_start3A_705, %dma_start3A_706] : memref<120x256xf32, #tpu.memory_space<vmem>> -> memref<80x256xf32, #tpu.memory_space<vmem>>
      tpu.enqueue_dma source(%dma_start3A_707 : memref<80x256xf32, #tpu.memory_space<vmem>>) target(%dma_start3A_704 : memref<80x256xf32, #tpu.memory_space<hbm>>) target_semaphore(%run_scoped3A_6 : memref<!tpu.dma_semaphore, #tpu.memory_space<semaphore_mem>>)
      %dma_start3A_708 = arith.constant 0 : i32
      %dma_start3A_709 = arith.constant 0 : i32
      %dma_start3A_710 = tpu.memref_slice %arg5[%dma_start3A_708, %dma_start3A_709] : memref<120x256xf32, #tpu.memory_space<vmem>> -> memref<80x256xf32, #tpu.memory_space<vmem>>
      %dma_start3A_711 = arith.constant 0 : i32
      %dma_start3A_712 = tpu.memref_slice %arg3[%add3A_697, %dma_start3A_711] : memref<131072x256xf32, #tpu.memory_space<hbm>> -> memref<80x256xf32, #tpu.memory_space<hbm>>
      %dma_start3A_713 = arith.constant 0 : i32
      %dma_start3A_714 = tpu.memref_slice %arg3[%add3A_697, %dma_start3A_713] : memref<131072x256xf32, #tpu.memory_space<hbm>> -> memref<80x256xf32, #tpu.memory_space<hbm>>
      %dma_start3A_715 = arith.constant 0 : i32
      %dma_start3A_716 = arith.constant 0 : i32
      %dma_start3A_717 = tpu.memref_slice %arg5[%dma_start3A_715, %dma_start3A_716] : memref<120x256xf32, #tpu.memory_space<vmem>> -> memref<80x256xf32, #tpu.memory_space<vmem>>
      tpu.enqueue_dma source(%dma_start3A_717 : memref<80x256xf32, #tpu.memory_space<vmem>>) target(%dma_start3A_714 : memref<80x256xf32, #tpu.memory_space<hbm>>) target_semaphore(%run_scoped3A_6 : memref<!tpu.dma_semaphore, #tpu.memory_space<semaphore_mem>>)
      %add3A_718 = arith.constant 960 : i32
      %add3A_719 = arith.addi %mul3A_2, %add3A_718 : i32
      %add3A_720 = arith.constant 65536 : i32
      %add3A_721 = arith.addi %add3A_720, %mul3A_2 : i32
      %add3A_722 = arith.constant 960 : i32
      %add3A_723 = arith.addi %add3A_721, %add3A_722 : i32
      %dma_wait3A_724 = arith.constant 0 : i32
      %dma_wait3A_725 = arith.constant 0 : i32
      %dma_wait3A_726 = tpu.memref_slice %arg6[%dma_wait3A_724, %dma_wait3A_725] : memref<120x256xf32, #tpu.memory_space<vmem>> -> memref<120x256xf32, #tpu.memory_space<vmem>>
      %dma_wait3A_727 = arith.constant 0 : i32
      %dma_wait3A_728 = tpu.memref_slice %arg3[%add3A_719, %dma_wait3A_727] : memref<131072x256xf32, #tpu.memory_space<hbm>> -> memref<120x256xf32, #tpu.memory_space<hbm>>
      %dma_wait3A_729 = arith.constant 0 : i32
      %dma_wait3A_730 = tpu.memref_slice %arg3[%add3A_719, %dma_wait3A_729] : memref<131072x256xf32, #tpu.memory_space<hbm>> -> memref<120x256xf32, #tpu.memory_space<hbm>>
      %dma_wait3A_731 = arith.constant 0 : i32
      %dma_wait3A_732 = arith.constant 0 : i32
      %dma_wait3A_733 = tpu.memref_slice %arg6[%dma_wait3A_731, %dma_wait3A_732] : memref<120x256xf32, #tpu.memory_space<vmem>> -> memref<120x256xf32, #tpu.memory_space<vmem>>
      tpu.wait_dma2 semaphore(%run_scoped3A_7 : memref<!tpu.dma_semaphore, #tpu.memory_space<semaphore_mem>>) src(%dma_wait3A_733 : memref<120x256xf32, #tpu.memory_space<vmem>>) dst(%dma_wait3A_730 : memref<120x256xf32, #tpu.memory_space<hbm>>)
      %dma_wait3A_734 = arith.constant 0 : i32
      %dma_wait3A_735 = arith.constant 0 : i32
      %dma_wait3A_736 = tpu.memref_slice %arg6[%dma_wait3A_734, %dma_wait3A_735] : memref<120x256xf32, #tpu.memory_space<vmem>> -> memref<120x256xf32, #tpu.memory_space<vmem>>
      %dma_wait3A_737 = arith.constant 0 : i32
      %dma_wait3A_738 = tpu.memref_slice %arg3[%add3A_723, %dma_wait3A_737] : memref<131072x256xf32, #tpu.memory_space<hbm>> -> memref<120x256xf32, #tpu.memory_space<hbm>>
      %dma_wait3A_739 = arith.constant 0 : i32
      %dma_wait3A_740 = tpu.memref_slice %arg3[%add3A_723, %dma_wait3A_739] : memref<131072x256xf32, #tpu.memory_space<hbm>> -> memref<120x256xf32, #tpu.memory_space<hbm>>
      %dma_wait3A_741 = arith.constant 0 : i32
      %dma_wait3A_742 = arith.constant 0 : i32
      %dma_wait3A_743 = tpu.memref_slice %arg6[%dma_wait3A_741, %dma_wait3A_742] : memref<120x256xf32, #tpu.memory_space<vmem>> -> memref<120x256xf32, #tpu.memory_space<vmem>>
      tpu.wait_dma2 semaphore(%run_scoped3A_7 : memref<!tpu.dma_semaphore, #tpu.memory_space<semaphore_mem>>) src(%dma_wait3A_743 : memref<120x256xf32, #tpu.memory_space<vmem>>) dst(%dma_wait3A_740 : memref<120x256xf32, #tpu.memory_space<hbm>>)
      %add3A_744 = arith.constant 1080 : i32
      %add3A_745 = arith.addi %mul3A_2, %add3A_744 : i32
      %add3A_746 = arith.constant 65536 : i32
      %add3A_747 = arith.addi %add3A_746, %mul3A_2 : i32
      %add3A_748 = arith.constant 1080 : i32
      %add3A_749 = arith.addi %add3A_747, %add3A_748 : i32
      %dma_wait3A_750 = arith.constant 0 : i32
      %dma_wait3A_751 = arith.constant 0 : i32
      %dma_wait3A_752 = tpu.memref_slice %arg4[%dma_wait3A_750, %dma_wait3A_751] : memref<120x256xf32, #tpu.memory_space<vmem>> -> memref<120x256xf32, #tpu.memory_space<vmem>>
      %dma_wait3A_753 = arith.constant 0 : i32
      %dma_wait3A_754 = tpu.memref_slice %arg3[%add3A_745, %dma_wait3A_753] : memref<131072x256xf32, #tpu.memory_space<hbm>> -> memref<120x256xf32, #tpu.memory_space<hbm>>
      %dma_wait3A_755 = arith.constant 0 : i32
      %dma_wait3A_756 = tpu.memref_slice %arg3[%add3A_745, %dma_wait3A_755] : memref<131072x256xf32, #tpu.memory_space<hbm>> -> memref<120x256xf32, #tpu.memory_space<hbm>>
      %dma_wait3A_757 = arith.constant 0 : i32
      %dma_wait3A_758 = arith.constant 0 : i32
      %dma_wait3A_759 = tpu.memref_slice %arg4[%dma_wait3A_757, %dma_wait3A_758] : memref<120x256xf32, #tpu.memory_space<vmem>> -> memref<120x256xf32, #tpu.memory_space<vmem>>
      tpu.wait_dma2 semaphore(%run_scoped3A_5 : memref<!tpu.dma_semaphore, #tpu.memory_space<semaphore_mem>>) src(%dma_wait3A_759 : memref<120x256xf32, #tpu.memory_space<vmem>>) dst(%dma_wait3A_756 : memref<120x256xf32, #tpu.memory_space<hbm>>)
      %dma_wait3A_760 = arith.constant 0 : i32
      %dma_wait3A_761 = arith.constant 0 : i32
      %dma_wait3A_762 = tpu.memref_slice %arg4[%dma_wait3A_760, %dma_wait3A_761] : memref<120x256xf32, #tpu.memory_space<vmem>> -> memref<120x256xf32, #tpu.memory_space<vmem>>
      %dma_wait3A_763 = arith.constant 0 : i32
      %dma_wait3A_764 = tpu.memref_slice %arg3[%add3A_749, %dma_wait3A_763] : memref<131072x256xf32, #tpu.memory_space<hbm>> -> memref<120x256xf32, #tpu.memory_space<hbm>>
      %dma_wait3A_765 = arith.constant 0 : i32
      %dma_wait3A_766 = tpu.memref_slice %arg3[%add3A_749, %dma_wait3A_765] : memref<131072x256xf32, #tpu.memory_space<hbm>> -> memref<120x256xf32, #tpu.memory_space<hbm>>
      %dma_wait3A_767 = arith.constant 0 : i32
      %dma_wait3A_768 = arith.constant 0 : i32
      %dma_wait3A_769 = tpu.memref_slice %arg4[%dma_wait3A_767, %dma_wait3A_768] : memref<120x256xf32, #tpu.memory_space<vmem>> -> memref<120x256xf32, #tpu.memory_space<vmem>>
      tpu.wait_dma2 semaphore(%run_scoped3A_5 : memref<!tpu.dma_semaphore, #tpu.memory_space<semaphore_mem>>) src(%dma_wait3A_769 : memref<120x256xf32, #tpu.memory_space<vmem>>) dst(%dma_wait3A_766 : memref<120x256xf32, #tpu.memory_space<hbm>>)
      %add3A_770 = arith.constant 1200 : i32
      %add3A_771 = arith.addi %mul3A_2, %add3A_770 : i32
      %add3A_772 = arith.constant 65536 : i32
      %add3A_773 = arith.addi %add3A_772, %mul3A_2 : i32
      %add3A_774 = arith.constant 1200 : i32
      %add3A_775 = arith.addi %add3A_773, %add3A_774 : i32
      %dma_wait3A_776 = arith.constant 0 : i32
      %dma_wait3A_777 = arith.constant 0 : i32
      %dma_wait3A_778 = tpu.memref_slice %arg5[%dma_wait3A_776, %dma_wait3A_777] : memref<120x256xf32, #tpu.memory_space<vmem>> -> memref<80x256xf32, #tpu.memory_space<vmem>>
      %dma_wait3A_779 = arith.constant 0 : i32
      %dma_wait3A_780 = tpu.memref_slice %arg3[%add3A_771, %dma_wait3A_779] : memref<131072x256xf32, #tpu.memory_space<hbm>> -> memref<80x256xf32, #tpu.memory_space<hbm>>
      %dma_wait3A_781 = arith.constant 0 : i32
      %dma_wait3A_782 = tpu.memref_slice %arg3[%add3A_771, %dma_wait3A_781] : memref<131072x256xf32, #tpu.memory_space<hbm>> -> memref<80x256xf32, #tpu.memory_space<hbm>>
      %dma_wait3A_783 = arith.constant 0 : i32
      %dma_wait3A_784 = arith.constant 0 : i32
      %dma_wait3A_785 = tpu.memref_slice %arg5[%dma_wait3A_783, %dma_wait3A_784] : memref<120x256xf32, #tpu.memory_space<vmem>> -> memref<80x256xf32, #tpu.memory_space<vmem>>
      tpu.wait_dma2 semaphore(%run_scoped3A_6 : memref<!tpu.dma_semaphore, #tpu.memory_space<semaphore_mem>>) src(%dma_wait3A_785 : memref<80x256xf32, #tpu.memory_space<vmem>>) dst(%dma_wait3A_782 : memref<80x256xf32, #tpu.memory_space<hbm>>)
      %dma_wait3A_786 = arith.constant 0 : i32
      %dma_wait3A_787 = arith.constant 0 : i32
      %dma_wait3A_788 = tpu.memref_slice %arg5[%dma_wait3A_786, %dma_wait3A_787] : memref<120x256xf32, #tpu.memory_space<vmem>> -> memref<80x256xf32, #tpu.memory_space<vmem>>
      %dma_wait3A_789 = arith.constant 0 : i32
      %dma_wait3A_790 = tpu.memref_slice %arg3[%add3A_775, %dma_wait3A_789] : memref<131072x256xf32, #tpu.memory_space<hbm>> -> memref<80x256xf32, #tpu.memory_space<hbm>>
      %dma_wait3A_791 = arith.constant 0 : i32
      %dma_wait3A_792 = tpu.memref_slice %arg3[%add3A_775, %dma_wait3A_791] : memref<131072x256xf32, #tpu.memory_space<hbm>> -> memref<80x256xf32, #tpu.memory_space<hbm>>
      %dma_wait3A_793 = arith.constant 0 : i32
      %dma_wait3A_794 = arith.constant 0 : i32
      %dma_wait3A_795 = tpu.memref_slice %arg5[%dma_wait3A_793, %dma_wait3A_794] : memref<120x256xf32, #tpu.memory_space<vmem>> -> memref<80x256xf32, #tpu.memory_space<vmem>>
      tpu.wait_dma2 semaphore(%run_scoped3A_6 : memref<!tpu.dma_semaphore, #tpu.memory_space<semaphore_mem>>) src(%dma_wait3A_795 : memref<80x256xf32, #tpu.memory_space<vmem>>) dst(%dma_wait3A_792 : memref<80x256xf32, #tpu.memory_space<hbm>>)
      tpu.yield
    }) : () -> ()
    return
  }
  func.func @_scs_body(%arg0: i32, %arg1: memref<65536x256xf32, #tpu.memory_space<hbm>>, %arg2: memref<131072x256xf32, #tpu.memory_space<hbm>>, %arg3: memref<120x256xf32, #tpu.memory_space<vmem, sc_vector_subcore>>, %arg4: memref<120x256xf32, #tpu.memory_space<vmem, sc_vector_subcore>>, %arg5: memref<120x256xf32, #tpu.memory_space<vmem, sc_vector_subcore>>, %arg6: memref<1024x256xf32, #tpu.memory_space<vmem_shared>>, %arg7: memref<1024x256xf32, #tpu.memory_space<vmem_shared>>) attributes {dimension_semantics = [#tpu.dimension_semantics<core_parallel>], iteration_bounds = array<i64: 2>, scalar_prefetch = 0 : i64, scratch_operands = 5 : i64, tpu.core_type = #tpu.core_type<sc_scalar_subcore>, window_params = [{transform_indices = #map1}, {transform_indices = #map1}]} {
    %mul3A = arith.constant 12288 : i32
    %mul3A_0 = arith.muli %arg0, %mul3A : i32
    %add3A = arith.constant 40960 : i32
    %add3A_1 = arith.addi %add3A, %mul3A_0 : i32
    "tpu.region"() ({
      %run_scoped3A = tpu.sem_alloc : memref<!tpu.dma_semaphore, #tpu.memory_space<semaphore_mem>>
      %run_scoped3A_2 = tpu.sem_alloc : memref<!tpu.dma_semaphore, #tpu.memory_space<semaphore_mem>>
      %run_scoped3A_3 = tpu.sem_alloc : memref<!tpu.dma_semaphore, #tpu.memory_space<semaphore_mem>>
      %run_scoped3A_4 = tpu.sem_alloc : memref<!tpu.dma_semaphore, #tpu.memory_space<semaphore_mem>>
      %add3A_5 = arith.constant 0 : i32
      %add3A_6 = arith.addi %add3A_1, %add3A_5 : i32
      %dma_start3A = arith.constant 0 : i32
      %dma_start3A_7 = arith.constant 0 : i32
      %dma_start3A_8 = tpu.memref_slice %arg6[%dma_start3A, %dma_start3A_7] : memref<1024x256xf32, #tpu.memory_space<vmem_shared>> -> memref<1024x256xf32, #tpu.memory_space<vmem_shared>>
      %dma_start3A_9 = arith.constant 0 : i32
      %dma_start3A_10 = tpu.memref_slice %arg1[%add3A_6, %dma_start3A_9] : memref<65536x256xf32, #tpu.memory_space<hbm>> -> memref<1024x256xf32, #tpu.memory_space<hbm>>
      tpu.enqueue_dma source(%dma_start3A_10 : memref<1024x256xf32, #tpu.memory_space<hbm>>) target(%dma_start3A_8 : memref<1024x256xf32, #tpu.memory_space<vmem_shared>>) target_semaphore(%run_scoped3A : memref<!tpu.dma_semaphore, #tpu.memory_space<semaphore_mem>>)
      %add3A_11 = arith.constant 1024 : i32
      %add3A_12 = arith.addi %add3A_1, %add3A_11 : i32
      %dma_start3A_13 = arith.constant 0 : i32
      %dma_start3A_14 = arith.constant 0 : i32
      %dma_start3A_15 = tpu.memref_slice %arg7[%dma_start3A_13, %dma_start3A_14] : memref<1024x256xf32, #tpu.memory_space<vmem_shared>> -> memref<1024x256xf32, #tpu.memory_space<vmem_shared>>
      %dma_start3A_16 = arith.constant 0 : i32
      %dma_start3A_17 = tpu.memref_slice %arg1[%add3A_12, %dma_start3A_16] : memref<65536x256xf32, #tpu.memory_space<hbm>> -> memref<1024x256xf32, #tpu.memory_space<hbm>>
      tpu.enqueue_dma source(%dma_start3A_17 : memref<1024x256xf32, #tpu.memory_space<hbm>>) target(%dma_start3A_15 : memref<1024x256xf32, #tpu.memory_space<vmem_shared>>) target_semaphore(%run_scoped3A_2 : memref<!tpu.dma_semaphore, #tpu.memory_space<semaphore_mem>>)
      %add3A_18 = arith.constant 0 : i32
      %add3A_19 = arith.addi %add3A_1, %add3A_18 : i32
      %dma_wait3A = arith.constant 0 : i32
      %dma_wait3A_20 = arith.constant 0 : i32
      %dma_wait3A_21 = tpu.memref_slice %arg6[%dma_wait3A, %dma_wait3A_20] : memref<1024x256xf32, #tpu.memory_space<vmem_shared>> -> memref<1024x256xf32, #tpu.memory_space<vmem_shared>>
      %dma_wait3A_22 = arith.constant 0 : i32
      %dma_wait3A_23 = tpu.memref_slice %arg1[%add3A_19, %dma_wait3A_22] : memref<65536x256xf32, #tpu.memory_space<hbm>> -> memref<1024x256xf32, #tpu.memory_space<hbm>>
      tpu.wait_dma2 semaphore(%run_scoped3A : memref<!tpu.dma_semaphore, #tpu.memory_space<semaphore_mem>>) src(%dma_wait3A_23 : memref<1024x256xf32, #tpu.memory_space<hbm>>) dst(%dma_wait3A_21 : memref<1024x256xf32, #tpu.memory_space<vmem_shared>>)
      %add3A_24 = arith.constant 0 : i32
      %add3A_25 = arith.addi %add3A_1, %add3A_24 : i32
      %add3A_26 = arith.constant 65536 : i32
      %add3A_27 = arith.addi %add3A_26, %add3A_1 : i32
      %add3A_28 = arith.constant 0 : i32
      %add3A_29 = arith.addi %add3A_27, %add3A_28 : i32
      %dma_start3A_30 = arith.constant 0 : i32
      %dma_start3A_31 = tpu.memref_slice %arg2[%add3A_25, %dma_start3A_30] : memref<131072x256xf32, #tpu.memory_space<hbm>> -> memref<1024x256xf32, #tpu.memory_space<hbm>>
      %dma_start3A_32 = arith.constant 0 : i32
      %dma_start3A_33 = arith.constant 0 : i32
      %dma_start3A_34 = tpu.memref_slice %arg6[%dma_start3A_32, %dma_start3A_33] : memref<1024x256xf32, #tpu.memory_space<vmem_shared>> -> memref<1024x256xf32, #tpu.memory_space<vmem_shared>>
      tpu.enqueue_dma source(%dma_start3A_34 : memref<1024x256xf32, #tpu.memory_space<vmem_shared>>) target(%dma_start3A_31 : memref<1024x256xf32, #tpu.memory_space<hbm>>) target_semaphore(%run_scoped3A_3 : memref<!tpu.dma_semaphore, #tpu.memory_space<semaphore_mem>>)
      %dma_start3A_35 = arith.constant 0 : i32
      %dma_start3A_36 = tpu.memref_slice %arg2[%add3A_29, %dma_start3A_35] : memref<131072x256xf32, #tpu.memory_space<hbm>> -> memref<1024x256xf32, #tpu.memory_space<hbm>>
      %dma_start3A_37 = arith.constant 0 : i32
      %dma_start3A_38 = arith.constant 0 : i32
      %dma_start3A_39 = tpu.memref_slice %arg6[%dma_start3A_37, %dma_start3A_38] : memref<1024x256xf32, #tpu.memory_space<vmem_shared>> -> memref<1024x256xf32, #tpu.memory_space<vmem_shared>>
      tpu.enqueue_dma source(%dma_start3A_39 : memref<1024x256xf32, #tpu.memory_space<vmem_shared>>) target(%dma_start3A_36 : memref<1024x256xf32, #tpu.memory_space<hbm>>) target_semaphore(%run_scoped3A_3 : memref<!tpu.dma_semaphore, #tpu.memory_space<semaphore_mem>>)
      %dma_wait3A_40 = arith.constant 0 : i32
      %dma_wait3A_41 = tpu.memref_slice %arg2[%add3A_25, %dma_wait3A_40] : memref<131072x256xf32, #tpu.memory_space<hbm>> -> memref<1024x256xf32, #tpu.memory_space<hbm>>
      %dma_wait3A_42 = arith.constant 0 : i32
      %dma_wait3A_43 = arith.constant 0 : i32
      %dma_wait3A_44 = tpu.memref_slice %arg6[%dma_wait3A_42, %dma_wait3A_43] : memref<1024x256xf32, #tpu.memory_space<vmem_shared>> -> memref<1024x256xf32, #tpu.memory_space<vmem_shared>>
      tpu.wait_dma2 semaphore(%run_scoped3A_3 : memref<!tpu.dma_semaphore, #tpu.memory_space<semaphore_mem>>) src(%dma_wait3A_44 : memref<1024x256xf32, #tpu.memory_space<vmem_shared>>) dst(%dma_wait3A_41 : memref<1024x256xf32, #tpu.memory_space<hbm>>)
      %dma_wait3A_45 = arith.constant 0 : i32
      %dma_wait3A_46 = tpu.memref_slice %arg2[%add3A_29, %dma_wait3A_45] : memref<131072x256xf32, #tpu.memory_space<hbm>> -> memref<1024x256xf32, #tpu.memory_space<hbm>>
      %dma_wait3A_47 = arith.constant 0 : i32
      %dma_wait3A_48 = arith.constant 0 : i32
      %dma_wait3A_49 = tpu.memref_slice %arg6[%dma_wait3A_47, %dma_wait3A_48] : memref<1024x256xf32, #tpu.memory_space<vmem_shared>> -> memref<1024x256xf32, #tpu.memory_space<vmem_shared>>
      tpu.wait_dma2 semaphore(%run_scoped3A_3 : memref<!tpu.dma_semaphore, #tpu.memory_space<semaphore_mem>>) src(%dma_wait3A_49 : memref<1024x256xf32, #tpu.memory_space<vmem_shared>>) dst(%dma_wait3A_46 : memref<1024x256xf32, #tpu.memory_space<hbm>>)
      %add3A_50 = arith.constant 2048 : i32
      %add3A_51 = arith.addi %add3A_1, %add3A_50 : i32
      %dma_start3A_52 = arith.constant 0 : i32
      %dma_start3A_53 = arith.constant 0 : i32
      %dma_start3A_54 = tpu.memref_slice %arg6[%dma_start3A_52, %dma_start3A_53] : memref<1024x256xf32, #tpu.memory_space<vmem_shared>> -> memref<1024x256xf32, #tpu.memory_space<vmem_shared>>
      %dma_start3A_55 = arith.constant 0 : i32
      %dma_start3A_56 = tpu.memref_slice %arg1[%add3A_51, %dma_start3A_55] : memref<65536x256xf32, #tpu.memory_space<hbm>> -> memref<1024x256xf32, #tpu.memory_space<hbm>>
      tpu.enqueue_dma source(%dma_start3A_56 : memref<1024x256xf32, #tpu.memory_space<hbm>>) target(%dma_start3A_54 : memref<1024x256xf32, #tpu.memory_space<vmem_shared>>) target_semaphore(%run_scoped3A : memref<!tpu.dma_semaphore, #tpu.memory_space<semaphore_mem>>)
      %add3A_57 = arith.constant 1024 : i32
      %add3A_58 = arith.addi %add3A_1, %add3A_57 : i32
      %dma_wait3A_59 = arith.constant 0 : i32
      %dma_wait3A_60 = arith.constant 0 : i32
      %dma_wait3A_61 = tpu.memref_slice %arg7[%dma_wait3A_59, %dma_wait3A_60] : memref<1024x256xf32, #tpu.memory_space<vmem_shared>> -> memref<1024x256xf32, #tpu.memory_space<vmem_shared>>
      %dma_wait3A_62 = arith.constant 0 : i32
      %dma_wait3A_63 = tpu.memref_slice %arg1[%add3A_58, %dma_wait3A_62] : memref<65536x256xf32, #tpu.memory_space<hbm>> -> memref<1024x256xf32, #tpu.memory_space<hbm>>
      tpu.wait_dma2 semaphore(%run_scoped3A_2 : memref<!tpu.dma_semaphore, #tpu.memory_space<semaphore_mem>>) src(%dma_wait3A_63 : memref<1024x256xf32, #tpu.memory_space<hbm>>) dst(%dma_wait3A_61 : memref<1024x256xf32, #tpu.memory_space<vmem_shared>>)
      %add3A_64 = arith.constant 1024 : i32
      %add3A_65 = arith.addi %add3A_1, %add3A_64 : i32
      %add3A_66 = arith.constant 65536 : i32
      %add3A_67 = arith.addi %add3A_66, %add3A_1 : i32
      %add3A_68 = arith.constant 1024 : i32
      %add3A_69 = arith.addi %add3A_67, %add3A_68 : i32
      %dma_start3A_70 = arith.constant 0 : i32
      %dma_start3A_71 = tpu.memref_slice %arg2[%add3A_65, %dma_start3A_70] : memref<131072x256xf32, #tpu.memory_space<hbm>> -> memref<1024x256xf32, #tpu.memory_space<hbm>>
      %dma_start3A_72 = arith.constant 0 : i32
      %dma_start3A_73 = arith.constant 0 : i32
      %dma_start3A_74 = tpu.memref_slice %arg7[%dma_start3A_72, %dma_start3A_73] : memref<1024x256xf32, #tpu.memory_space<vmem_shared>> -> memref<1024x256xf32, #tpu.memory_space<vmem_shared>>
      tpu.enqueue_dma source(%dma_start3A_74 : memref<1024x256xf32, #tpu.memory_space<vmem_shared>>) target(%dma_start3A_71 : memref<1024x256xf32, #tpu.memory_space<hbm>>) target_semaphore(%run_scoped3A_4 : memref<!tpu.dma_semaphore, #tpu.memory_space<semaphore_mem>>)
      %dma_start3A_75 = arith.constant 0 : i32
      %dma_start3A_76 = tpu.memref_slice %arg2[%add3A_69, %dma_start3A_75] : memref<131072x256xf32, #tpu.memory_space<hbm>> -> memref<1024x256xf32, #tpu.memory_space<hbm>>
      %dma_start3A_77 = arith.constant 0 : i32
      %dma_start3A_78 = arith.constant 0 : i32
      %dma_start3A_79 = tpu.memref_slice %arg7[%dma_start3A_77, %dma_start3A_78] : memref<1024x256xf32, #tpu.memory_space<vmem_shared>> -> memref<1024x256xf32, #tpu.memory_space<vmem_shared>>
      tpu.enqueue_dma source(%dma_start3A_79 : memref<1024x256xf32, #tpu.memory_space<vmem_shared>>) target(%dma_start3A_76 : memref<1024x256xf32, #tpu.memory_space<hbm>>) target_semaphore(%run_scoped3A_4 : memref<!tpu.dma_semaphore, #tpu.memory_space<semaphore_mem>>)
      %dma_wait3A_80 = arith.constant 0 : i32
      %dma_wait3A_81 = tpu.memref_slice %arg2[%add3A_65, %dma_wait3A_80] : memref<131072x256xf32, #tpu.memory_space<hbm>> -> memref<1024x256xf32, #tpu.memory_space<hbm>>
      %dma_wait3A_82 = arith.constant 0 : i32
      %dma_wait3A_83 = arith.constant 0 : i32
      %dma_wait3A_84 = tpu.memref_slice %arg7[%dma_wait3A_82, %dma_wait3A_83] : memref<1024x256xf32, #tpu.memory_space<vmem_shared>> -> memref<1024x256xf32, #tpu.memory_space<vmem_shared>>
      tpu.wait_dma2 semaphore(%run_scoped3A_4 : memref<!tpu.dma_semaphore, #tpu.memory_space<semaphore_mem>>) src(%dma_wait3A_84 : memref<1024x256xf32, #tpu.memory_space<vmem_shared>>) dst(%dma_wait3A_81 : memref<1024x256xf32, #tpu.memory_space<hbm>>)
      %dma_wait3A_85 = arith.constant 0 : i32
      %dma_wait3A_86 = tpu.memref_slice %arg2[%add3A_69, %dma_wait3A_85] : memref<131072x256xf32, #tpu.memory_space<hbm>> -> memref<1024x256xf32, #tpu.memory_space<hbm>>
      %dma_wait3A_87 = arith.constant 0 : i32
      %dma_wait3A_88 = arith.constant 0 : i32
      %dma_wait3A_89 = tpu.memref_slice %arg7[%dma_wait3A_87, %dma_wait3A_88] : memref<1024x256xf32, #tpu.memory_space<vmem_shared>> -> memref<1024x256xf32, #tpu.memory_space<vmem_shared>>
      tpu.wait_dma2 semaphore(%run_scoped3A_4 : memref<!tpu.dma_semaphore, #tpu.memory_space<semaphore_mem>>) src(%dma_wait3A_89 : memref<1024x256xf32, #tpu.memory_space<vmem_shared>>) dst(%dma_wait3A_86 : memref<1024x256xf32, #tpu.memory_space<hbm>>)
      %add3A_90 = arith.constant 3072 : i32
      %add3A_91 = arith.addi %add3A_1, %add3A_90 : i32
      %dma_start3A_92 = arith.constant 0 : i32
      %dma_start3A_93 = arith.constant 0 : i32
      %dma_start3A_94 = tpu.memref_slice %arg7[%dma_start3A_92, %dma_start3A_93] : memref<1024x256xf32, #tpu.memory_space<vmem_shared>> -> memref<1024x256xf32, #tpu.memory_space<vmem_shared>>
      %dma_start3A_95 = arith.constant 0 : i32
      %dma_start3A_96 = tpu.memref_slice %arg1[%add3A_91, %dma_start3A_95] : memref<65536x256xf32, #tpu.memory_space<hbm>> -> memref<1024x256xf32, #tpu.memory_space<hbm>>
      tpu.enqueue_dma source(%dma_start3A_96 : memref<1024x256xf32, #tpu.memory_space<hbm>>) target(%dma_start3A_94 : memref<1024x256xf32, #tpu.memory_space<vmem_shared>>) target_semaphore(%run_scoped3A_2 : memref<!tpu.dma_semaphore, #tpu.memory_space<semaphore_mem>>)
      %add3A_97 = arith.constant 2048 : i32
      %add3A_98 = arith.addi %add3A_1, %add3A_97 : i32
      %dma_wait3A_99 = arith.constant 0 : i32
      %dma_wait3A_100 = arith.constant 0 : i32
      %dma_wait3A_101 = tpu.memref_slice %arg6[%dma_wait3A_99, %dma_wait3A_100] : memref<1024x256xf32, #tpu.memory_space<vmem_shared>> -> memref<1024x256xf32, #tpu.memory_space<vmem_shared>>
      %dma_wait3A_102 = arith.constant 0 : i32
      %dma_wait3A_103 = tpu.memref_slice %arg1[%add3A_98, %dma_wait3A_102] : memref<65536x256xf32, #tpu.memory_space<hbm>> -> memref<1024x256xf32, #tpu.memory_space<hbm>>
      tpu.wait_dma2 semaphore(%run_scoped3A : memref<!tpu.dma_semaphore, #tpu.memory_space<semaphore_mem>>) src(%dma_wait3A_103 : memref<1024x256xf32, #tpu.memory_space<hbm>>) dst(%dma_wait3A_101 : memref<1024x256xf32, #tpu.memory_space<vmem_shared>>)
      %add3A_104 = arith.constant 2048 : i32
      %add3A_105 = arith.addi %add3A_1, %add3A_104 : i32
      %add3A_106 = arith.constant 65536 : i32
      %add3A_107 = arith.addi %add3A_106, %add3A_1 : i32
      %add3A_108 = arith.constant 2048 : i32
      %add3A_109 = arith.addi %add3A_107, %add3A_108 : i32
      %dma_start3A_110 = arith.constant 0 : i32
      %dma_start3A_111 = tpu.memref_slice %arg2[%add3A_105, %dma_start3A_110] : memref<131072x256xf32, #tpu.memory_space<hbm>> -> memref<1024x256xf32, #tpu.memory_space<hbm>>
      %dma_start3A_112 = arith.constant 0 : i32
      %dma_start3A_113 = arith.constant 0 : i32
      %dma_start3A_114 = tpu.memref_slice %arg6[%dma_start3A_112, %dma_start3A_113] : memref<1024x256xf32, #tpu.memory_space<vmem_shared>> -> memref<1024x256xf32, #tpu.memory_space<vmem_shared>>
      tpu.enqueue_dma source(%dma_start3A_114 : memref<1024x256xf32, #tpu.memory_space<vmem_shared>>) target(%dma_start3A_111 : memref<1024x256xf32, #tpu.memory_space<hbm>>) target_semaphore(%run_scoped3A_3 : memref<!tpu.dma_semaphore, #tpu.memory_space<semaphore_mem>>)
      %dma_start3A_115 = arith.constant 0 : i32
      %dma_start3A_116 = tpu.memref_slice %arg2[%add3A_109, %dma_start3A_115] : memref<131072x256xf32, #tpu.memory_space<hbm>> -> memref<1024x256xf32, #tpu.memory_space<hbm>>
      %dma_start3A_117 = arith.constant 0 : i32
      %dma_start3A_118 = arith.constant 0 : i32
      %dma_start3A_119 = tpu.memref_slice %arg6[%dma_start3A_117, %dma_start3A_118] : memref<1024x256xf32, #tpu.memory_space<vmem_shared>> -> memref<1024x256xf32, #tpu.memory_space<vmem_shared>>
      tpu.enqueue_dma source(%dma_start3A_119 : memref<1024x256xf32, #tpu.memory_space<vmem_shared>>) target(%dma_start3A_116 : memref<1024x256xf32, #tpu.memory_space<hbm>>) target_semaphore(%run_scoped3A_3 : memref<!tpu.dma_semaphore, #tpu.memory_space<semaphore_mem>>)
      %dma_wait3A_120 = arith.constant 0 : i32
      %dma_wait3A_121 = tpu.memref_slice %arg2[%add3A_105, %dma_wait3A_120] : memref<131072x256xf32, #tpu.memory_space<hbm>> -> memref<1024x256xf32, #tpu.memory_space<hbm>>
      %dma_wait3A_122 = arith.constant 0 : i32
      %dma_wait3A_123 = arith.constant 0 : i32
      %dma_wait3A_124 = tpu.memref_slice %arg6[%dma_wait3A_122, %dma_wait3A_123] : memref<1024x256xf32, #tpu.memory_space<vmem_shared>> -> memref<1024x256xf32, #tpu.memory_space<vmem_shared>>
      tpu.wait_dma2 semaphore(%run_scoped3A_3 : memref<!tpu.dma_semaphore, #tpu.memory_space<semaphore_mem>>) src(%dma_wait3A_124 : memref<1024x256xf32, #tpu.memory_space<vmem_shared>>) dst(%dma_wait3A_121 : memref<1024x256xf32, #tpu.memory_space<hbm>>)
      %dma_wait3A_125 = arith.constant 0 : i32
      %dma_wait3A_126 = tpu.memref_slice %arg2[%add3A_109, %dma_wait3A_125] : memref<131072x256xf32, #tpu.memory_space<hbm>> -> memref<1024x256xf32, #tpu.memory_space<hbm>>
      %dma_wait3A_127 = arith.constant 0 : i32
      %dma_wait3A_128 = arith.constant 0 : i32
      %dma_wait3A_129 = tpu.memref_slice %arg6[%dma_wait3A_127, %dma_wait3A_128] : memref<1024x256xf32, #tpu.memory_space<vmem_shared>> -> memref<1024x256xf32, #tpu.memory_space<vmem_shared>>
      tpu.wait_dma2 semaphore(%run_scoped3A_3 : memref<!tpu.dma_semaphore, #tpu.memory_space<semaphore_mem>>) src(%dma_wait3A_129 : memref<1024x256xf32, #tpu.memory_space<vmem_shared>>) dst(%dma_wait3A_126 : memref<1024x256xf32, #tpu.memory_space<hbm>>)
      %add3A_130 = arith.constant 4096 : i32
      %add3A_131 = arith.addi %add3A_1, %add3A_130 : i32
      %dma_start3A_132 = arith.constant 0 : i32
      %dma_start3A_133 = arith.constant 0 : i32
      %dma_start3A_134 = tpu.memref_slice %arg6[%dma_start3A_132, %dma_start3A_133] : memref<1024x256xf32, #tpu.memory_space<vmem_shared>> -> memref<1024x256xf32, #tpu.memory_space<vmem_shared>>
      %dma_start3A_135 = arith.constant 0 : i32
      %dma_start3A_136 = tpu.memref_slice %arg1[%add3A_131, %dma_start3A_135] : memref<65536x256xf32, #tpu.memory_space<hbm>> -> memref<1024x256xf32, #tpu.memory_space<hbm>>
      tpu.enqueue_dma source(%dma_start3A_136 : memref<1024x256xf32, #tpu.memory_space<hbm>>) target(%dma_start3A_134 : memref<1024x256xf32, #tpu.memory_space<vmem_shared>>) target_semaphore(%run_scoped3A : memref<!tpu.dma_semaphore, #tpu.memory_space<semaphore_mem>>)
      %add3A_137 = arith.constant 3072 : i32
      %add3A_138 = arith.addi %add3A_1, %add3A_137 : i32
      %dma_wait3A_139 = arith.constant 0 : i32
      %dma_wait3A_140 = arith.constant 0 : i32
      %dma_wait3A_141 = tpu.memref_slice %arg7[%dma_wait3A_139, %dma_wait3A_140] : memref<1024x256xf32, #tpu.memory_space<vmem_shared>> -> memref<1024x256xf32, #tpu.memory_space<vmem_shared>>
      %dma_wait3A_142 = arith.constant 0 : i32
      %dma_wait3A_143 = tpu.memref_slice %arg1[%add3A_138, %dma_wait3A_142] : memref<65536x256xf32, #tpu.memory_space<hbm>> -> memref<1024x256xf32, #tpu.memory_space<hbm>>
      tpu.wait_dma2 semaphore(%run_scoped3A_2 : memref<!tpu.dma_semaphore, #tpu.memory_space<semaphore_mem>>) src(%dma_wait3A_143 : memref<1024x256xf32, #tpu.memory_space<hbm>>) dst(%dma_wait3A_141 : memref<1024x256xf32, #tpu.memory_space<vmem_shared>>)
      %add3A_144 = arith.constant 3072 : i32
      %add3A_145 = arith.addi %add3A_1, %add3A_144 : i32
      %add3A_146 = arith.constant 65536 : i32
      %add3A_147 = arith.addi %add3A_146, %add3A_1 : i32
      %add3A_148 = arith.constant 3072 : i32
      %add3A_149 = arith.addi %add3A_147, %add3A_148 : i32
      %dma_start3A_150 = arith.constant 0 : i32
      %dma_start3A_151 = tpu.memref_slice %arg2[%add3A_145, %dma_start3A_150] : memref<131072x256xf32, #tpu.memory_space<hbm>> -> memref<1024x256xf32, #tpu.memory_space<hbm>>
      %dma_start3A_152 = arith.constant 0 : i32
      %dma_start3A_153 = arith.constant 0 : i32
      %dma_start3A_154 = tpu.memref_slice %arg7[%dma_start3A_152, %dma_start3A_153] : memref<1024x256xf32, #tpu.memory_space<vmem_shared>> -> memref<1024x256xf32, #tpu.memory_space<vmem_shared>>
      tpu.enqueue_dma source(%dma_start3A_154 : memref<1024x256xf32, #tpu.memory_space<vmem_shared>>) target(%dma_start3A_151 : memref<1024x256xf32, #tpu.memory_space<hbm>>) target_semaphore(%run_scoped3A_4 : memref<!tpu.dma_semaphore, #tpu.memory_space<semaphore_mem>>)
      %dma_start3A_155 = arith.constant 0 : i32
      %dma_start3A_156 = tpu.memref_slice %arg2[%add3A_149, %dma_start3A_155] : memref<131072x256xf32, #tpu.memory_space<hbm>> -> memref<1024x256xf32, #tpu.memory_space<hbm>>
      %dma_start3A_157 = arith.constant 0 : i32
      %dma_start3A_158 = arith.constant 0 : i32
      %dma_start3A_159 = tpu.memref_slice %arg7[%dma_start3A_157, %dma_start3A_158] : memref<1024x256xf32, #tpu.memory_space<vmem_shared>> -> memref<1024x256xf32, #tpu.memory_space<vmem_shared>>
      tpu.enqueue_dma source(%dma_start3A_159 : memref<1024x256xf32, #tpu.memory_space<vmem_shared>>) target(%dma_start3A_156 : memref<1024x256xf32, #tpu.memory_space<hbm>>) target_semaphore(%run_scoped3A_4 : memref<!tpu.dma_semaphore, #tpu.memory_space<semaphore_mem>>)
      %dma_wait3A_160 = arith.constant 0 : i32
      %dma_wait3A_161 = tpu.memref_slice %arg2[%add3A_145, %dma_wait3A_160] : memref<131072x256xf32, #tpu.memory_space<hbm>> -> memref<1024x256xf32, #tpu.memory_space<hbm>>
      %dma_wait3A_162 = arith.constant 0 : i32
      %dma_wait3A_163 = arith.constant 0 : i32
      %dma_wait3A_164 = tpu.memref_slice %arg7[%dma_wait3A_162, %dma_wait3A_163] : memref<1024x256xf32, #tpu.memory_space<vmem_shared>> -> memref<1024x256xf32, #tpu.memory_space<vmem_shared>>
      tpu.wait_dma2 semaphore(%run_scoped3A_4 : memref<!tpu.dma_semaphore, #tpu.memory_space<semaphore_mem>>) src(%dma_wait3A_164 : memref<1024x256xf32, #tpu.memory_space<vmem_shared>>) dst(%dma_wait3A_161 : memref<1024x256xf32, #tpu.memory_space<hbm>>)
      %dma_wait3A_165 = arith.constant 0 : i32
      %dma_wait3A_166 = tpu.memref_slice %arg2[%add3A_149, %dma_wait3A_165] : memref<131072x256xf32, #tpu.memory_space<hbm>> -> memref<1024x256xf32, #tpu.memory_space<hbm>>
      %dma_wait3A_167 = arith.constant 0 : i32
      %dma_wait3A_168 = arith.constant 0 : i32
      %dma_wait3A_169 = tpu.memref_slice %arg7[%dma_wait3A_167, %dma_wait3A_168] : memref<1024x256xf32, #tpu.memory_space<vmem_shared>> -> memref<1024x256xf32, #tpu.memory_space<vmem_shared>>
      tpu.wait_dma2 semaphore(%run_scoped3A_4 : memref<!tpu.dma_semaphore, #tpu.memory_space<semaphore_mem>>) src(%dma_wait3A_169 : memref<1024x256xf32, #tpu.memory_space<vmem_shared>>) dst(%dma_wait3A_166 : memref<1024x256xf32, #tpu.memory_space<hbm>>)
      %add3A_170 = arith.constant 5120 : i32
      %add3A_171 = arith.addi %add3A_1, %add3A_170 : i32
      %dma_start3A_172 = arith.constant 0 : i32
      %dma_start3A_173 = arith.constant 0 : i32
      %dma_start3A_174 = tpu.memref_slice %arg7[%dma_start3A_172, %dma_start3A_173] : memref<1024x256xf32, #tpu.memory_space<vmem_shared>> -> memref<1024x256xf32, #tpu.memory_space<vmem_shared>>
      %dma_start3A_175 = arith.constant 0 : i32
      %dma_start3A_176 = tpu.memref_slice %arg1[%add3A_171, %dma_start3A_175] : memref<65536x256xf32, #tpu.memory_space<hbm>> -> memref<1024x256xf32, #tpu.memory_space<hbm>>
      tpu.enqueue_dma source(%dma_start3A_176 : memref<1024x256xf32, #tpu.memory_space<hbm>>) target(%dma_start3A_174 : memref<1024x256xf32, #tpu.memory_space<vmem_shared>>) target_semaphore(%run_scoped3A_2 : memref<!tpu.dma_semaphore, #tpu.memory_space<semaphore_mem>>)
      %add3A_177 = arith.constant 4096 : i32
      %add3A_178 = arith.addi %add3A_1, %add3A_177 : i32
      %dma_wait3A_179 = arith.constant 0 : i32
      %dma_wait3A_180 = arith.constant 0 : i32
      %dma_wait3A_181 = tpu.memref_slice %arg6[%dma_wait3A_179, %dma_wait3A_180] : memref<1024x256xf32, #tpu.memory_space<vmem_shared>> -> memref<1024x256xf32, #tpu.memory_space<vmem_shared>>
      %dma_wait3A_182 = arith.constant 0 : i32
      %dma_wait3A_183 = tpu.memref_slice %arg1[%add3A_178, %dma_wait3A_182] : memref<65536x256xf32, #tpu.memory_space<hbm>> -> memref<1024x256xf32, #tpu.memory_space<hbm>>
      tpu.wait_dma2 semaphore(%run_scoped3A : memref<!tpu.dma_semaphore, #tpu.memory_space<semaphore_mem>>) src(%dma_wait3A_183 : memref<1024x256xf32, #tpu.memory_space<hbm>>) dst(%dma_wait3A_181 : memref<1024x256xf32, #tpu.memory_space<vmem_shared>>)
      %add3A_184 = arith.constant 4096 : i32
      %add3A_185 = arith.addi %add3A_1, %add3A_184 : i32
      %add3A_186 = arith.constant 65536 : i32
      %add3A_187 = arith.addi %add3A_186, %add3A_1 : i32
      %add3A_188 = arith.constant 4096 : i32
      %add3A_189 = arith.addi %add3A_187, %add3A_188 : i32
      %dma_start3A_190 = arith.constant 0 : i32
      %dma_start3A_191 = tpu.memref_slice %arg2[%add3A_185, %dma_start3A_190] : memref<131072x256xf32, #tpu.memory_space<hbm>> -> memref<1024x256xf32, #tpu.memory_space<hbm>>
      %dma_start3A_192 = arith.constant 0 : i32
      %dma_start3A_193 = arith.constant 0 : i32
      %dma_start3A_194 = tpu.memref_slice %arg6[%dma_start3A_192, %dma_start3A_193] : memref<1024x256xf32, #tpu.memory_space<vmem_shared>> -> memref<1024x256xf32, #tpu.memory_space<vmem_shared>>
      tpu.enqueue_dma source(%dma_start3A_194 : memref<1024x256xf32, #tpu.memory_space<vmem_shared>>) target(%dma_start3A_191 : memref<1024x256xf32, #tpu.memory_space<hbm>>) target_semaphore(%run_scoped3A_3 : memref<!tpu.dma_semaphore, #tpu.memory_space<semaphore_mem>>)
      %dma_start3A_195 = arith.constant 0 : i32
      %dma_start3A_196 = tpu.memref_slice %arg2[%add3A_189, %dma_start3A_195] : memref<131072x256xf32, #tpu.memory_space<hbm>> -> memref<1024x256xf32, #tpu.memory_space<hbm>>
      %dma_start3A_197 = arith.constant 0 : i32
      %dma_start3A_198 = arith.constant 0 : i32
      %dma_start3A_199 = tpu.memref_slice %arg6[%dma_start3A_197, %dma_start3A_198] : memref<1024x256xf32, #tpu.memory_space<vmem_shared>> -> memref<1024x256xf32, #tpu.memory_space<vmem_shared>>
      tpu.enqueue_dma source(%dma_start3A_199 : memref<1024x256xf32, #tpu.memory_space<vmem_shared>>) target(%dma_start3A_196 : memref<1024x256xf32, #tpu.memory_space<hbm>>) target_semaphore(%run_scoped3A_3 : memref<!tpu.dma_semaphore, #tpu.memory_space<semaphore_mem>>)
      %dma_wait3A_200 = arith.constant 0 : i32
      %dma_wait3A_201 = tpu.memref_slice %arg2[%add3A_185, %dma_wait3A_200] : memref<131072x256xf32, #tpu.memory_space<hbm>> -> memref<1024x256xf32, #tpu.memory_space<hbm>>
      %dma_wait3A_202 = arith.constant 0 : i32
      %dma_wait3A_203 = arith.constant 0 : i32
      %dma_wait3A_204 = tpu.memref_slice %arg6[%dma_wait3A_202, %dma_wait3A_203] : memref<1024x256xf32, #tpu.memory_space<vmem_shared>> -> memref<1024x256xf32, #tpu.memory_space<vmem_shared>>
      tpu.wait_dma2 semaphore(%run_scoped3A_3 : memref<!tpu.dma_semaphore, #tpu.memory_space<semaphore_mem>>) src(%dma_wait3A_204 : memref<1024x256xf32, #tpu.memory_space<vmem_shared>>) dst(%dma_wait3A_201 : memref<1024x256xf32, #tpu.memory_space<hbm>>)
      %dma_wait3A_205 = arith.constant 0 : i32
      %dma_wait3A_206 = tpu.memref_slice %arg2[%add3A_189, %dma_wait3A_205] : memref<131072x256xf32, #tpu.memory_space<hbm>> -> memref<1024x256xf32, #tpu.memory_space<hbm>>
      %dma_wait3A_207 = arith.constant 0 : i32
      %dma_wait3A_208 = arith.constant 0 : i32
      %dma_wait3A_209 = tpu.memref_slice %arg6[%dma_wait3A_207, %dma_wait3A_208] : memref<1024x256xf32, #tpu.memory_space<vmem_shared>> -> memref<1024x256xf32, #tpu.memory_space<vmem_shared>>
      tpu.wait_dma2 semaphore(%run_scoped3A_3 : memref<!tpu.dma_semaphore, #tpu.memory_space<semaphore_mem>>) src(%dma_wait3A_209 : memref<1024x256xf32, #tpu.memory_space<vmem_shared>>) dst(%dma_wait3A_206 : memref<1024x256xf32, #tpu.memory_space<hbm>>)
      %add3A_210 = arith.constant 6144 : i32
      %add3A_211 = arith.addi %add3A_1, %add3A_210 : i32
      %dma_start3A_212 = arith.constant 0 : i32
      %dma_start3A_213 = arith.constant 0 : i32
      %dma_start3A_214 = tpu.memref_slice %arg6[%dma_start3A_212, %dma_start3A_213] : memref<1024x256xf32, #tpu.memory_space<vmem_shared>> -> memref<1024x256xf32, #tpu.memory_space<vmem_shared>>
      %dma_start3A_215 = arith.constant 0 : i32
      %dma_start3A_216 = tpu.memref_slice %arg1[%add3A_211, %dma_start3A_215] : memref<65536x256xf32, #tpu.memory_space<hbm>> -> memref<1024x256xf32, #tpu.memory_space<hbm>>
      tpu.enqueue_dma source(%dma_start3A_216 : memref<1024x256xf32, #tpu.memory_space<hbm>>) target(%dma_start3A_214 : memref<1024x256xf32, #tpu.memory_space<vmem_shared>>) target_semaphore(%run_scoped3A : memref<!tpu.dma_semaphore, #tpu.memory_space<semaphore_mem>>)
      %add3A_217 = arith.constant 5120 : i32
      %add3A_218 = arith.addi %add3A_1, %add3A_217 : i32
      %dma_wait3A_219 = arith.constant 0 : i32
      %dma_wait3A_220 = arith.constant 0 : i32
      %dma_wait3A_221 = tpu.memref_slice %arg7[%dma_wait3A_219, %dma_wait3A_220] : memref<1024x256xf32, #tpu.memory_space<vmem_shared>> -> memref<1024x256xf32, #tpu.memory_space<vmem_shared>>
      %dma_wait3A_222 = arith.constant 0 : i32
      %dma_wait3A_223 = tpu.memref_slice %arg1[%add3A_218, %dma_wait3A_222] : memref<65536x256xf32, #tpu.memory_space<hbm>> -> memref<1024x256xf32, #tpu.memory_space<hbm>>
      tpu.wait_dma2 semaphore(%run_scoped3A_2 : memref<!tpu.dma_semaphore, #tpu.memory_space<semaphore_mem>>) src(%dma_wait3A_223 : memref<1024x256xf32, #tpu.memory_space<hbm>>) dst(%dma_wait3A_221 : memref<1024x256xf32, #tpu.memory_space<vmem_shared>>)
      %add3A_224 = arith.constant 5120 : i32
      %add3A_225 = arith.addi %add3A_1, %add3A_224 : i32
      %add3A_226 = arith.constant 65536 : i32
      %add3A_227 = arith.addi %add3A_226, %add3A_1 : i32
      %add3A_228 = arith.constant 5120 : i32
      %add3A_229 = arith.addi %add3A_227, %add3A_228 : i32
      %dma_start3A_230 = arith.constant 0 : i32
      %dma_start3A_231 = tpu.memref_slice %arg2[%add3A_225, %dma_start3A_230] : memref<131072x256xf32, #tpu.memory_space<hbm>> -> memref<1024x256xf32, #tpu.memory_space<hbm>>
      %dma_start3A_232 = arith.constant 0 : i32
      %dma_start3A_233 = arith.constant 0 : i32
      %dma_start3A_234 = tpu.memref_slice %arg7[%dma_start3A_232, %dma_start3A_233] : memref<1024x256xf32, #tpu.memory_space<vmem_shared>> -> memref<1024x256xf32, #tpu.memory_space<vmem_shared>>
      tpu.enqueue_dma source(%dma_start3A_234 : memref<1024x256xf32, #tpu.memory_space<vmem_shared>>) target(%dma_start3A_231 : memref<1024x256xf32, #tpu.memory_space<hbm>>) target_semaphore(%run_scoped3A_4 : memref<!tpu.dma_semaphore, #tpu.memory_space<semaphore_mem>>)
      %dma_start3A_235 = arith.constant 0 : i32
      %dma_start3A_236 = tpu.memref_slice %arg2[%add3A_229, %dma_start3A_235] : memref<131072x256xf32, #tpu.memory_space<hbm>> -> memref<1024x256xf32, #tpu.memory_space<hbm>>
      %dma_start3A_237 = arith.constant 0 : i32
      %dma_start3A_238 = arith.constant 0 : i32
      %dma_start3A_239 = tpu.memref_slice %arg7[%dma_start3A_237, %dma_start3A_238] : memref<1024x256xf32, #tpu.memory_space<vmem_shared>> -> memref<1024x256xf32, #tpu.memory_space<vmem_shared>>
      tpu.enqueue_dma source(%dma_start3A_239 : memref<1024x256xf32, #tpu.memory_space<vmem_shared>>) target(%dma_start3A_236 : memref<1024x256xf32, #tpu.memory_space<hbm>>) target_semaphore(%run_scoped3A_4 : memref<!tpu.dma_semaphore, #tpu.memory_space<semaphore_mem>>)
      %dma_wait3A_240 = arith.constant 0 : i32
      %dma_wait3A_241 = tpu.memref_slice %arg2[%add3A_225, %dma_wait3A_240] : memref<131072x256xf32, #tpu.memory_space<hbm>> -> memref<1024x256xf32, #tpu.memory_space<hbm>>
      %dma_wait3A_242 = arith.constant 0 : i32
      %dma_wait3A_243 = arith.constant 0 : i32
      %dma_wait3A_244 = tpu.memref_slice %arg7[%dma_wait3A_242, %dma_wait3A_243] : memref<1024x256xf32, #tpu.memory_space<vmem_shared>> -> memref<1024x256xf32, #tpu.memory_space<vmem_shared>>
      tpu.wait_dma2 semaphore(%run_scoped3A_4 : memref<!tpu.dma_semaphore, #tpu.memory_space<semaphore_mem>>) src(%dma_wait3A_244 : memref<1024x256xf32, #tpu.memory_space<vmem_shared>>) dst(%dma_wait3A_241 : memref<1024x256xf32, #tpu.memory_space<hbm>>)
      %dma_wait3A_245 = arith.constant 0 : i32
      %dma_wait3A_246 = tpu.memref_slice %arg2[%add3A_229, %dma_wait3A_245] : memref<131072x256xf32, #tpu.memory_space<hbm>> -> memref<1024x256xf32, #tpu.memory_space<hbm>>
      %dma_wait3A_247 = arith.constant 0 : i32
      %dma_wait3A_248 = arith.constant 0 : i32
      %dma_wait3A_249 = tpu.memref_slice %arg7[%dma_wait3A_247, %dma_wait3A_248] : memref<1024x256xf32, #tpu.memory_space<vmem_shared>> -> memref<1024x256xf32, #tpu.memory_space<vmem_shared>>
      tpu.wait_dma2 semaphore(%run_scoped3A_4 : memref<!tpu.dma_semaphore, #tpu.memory_space<semaphore_mem>>) src(%dma_wait3A_249 : memref<1024x256xf32, #tpu.memory_space<vmem_shared>>) dst(%dma_wait3A_246 : memref<1024x256xf32, #tpu.memory_space<hbm>>)
      %add3A_250 = arith.constant 7168 : i32
      %add3A_251 = arith.addi %add3A_1, %add3A_250 : i32
      %dma_start3A_252 = arith.constant 0 : i32
      %dma_start3A_253 = arith.constant 0 : i32
      %dma_start3A_254 = tpu.memref_slice %arg7[%dma_start3A_252, %dma_start3A_253] : memref<1024x256xf32, #tpu.memory_space<vmem_shared>> -> memref<1024x256xf32, #tpu.memory_space<vmem_shared>>
      %dma_start3A_255 = arith.constant 0 : i32
      %dma_start3A_256 = tpu.memref_slice %arg1[%add3A_251, %dma_start3A_255] : memref<65536x256xf32, #tpu.memory_space<hbm>> -> memref<1024x256xf32, #tpu.memory_space<hbm>>
      tpu.enqueue_dma source(%dma_start3A_256 : memref<1024x256xf32, #tpu.memory_space<hbm>>) target(%dma_start3A_254 : memref<1024x256xf32, #tpu.memory_space<vmem_shared>>) target_semaphore(%run_scoped3A_2 : memref<!tpu.dma_semaphore, #tpu.memory_space<semaphore_mem>>)
      %add3A_257 = arith.constant 6144 : i32
      %add3A_258 = arith.addi %add3A_1, %add3A_257 : i32
      %dma_wait3A_259 = arith.constant 0 : i32
      %dma_wait3A_260 = arith.constant 0 : i32
      %dma_wait3A_261 = tpu.memref_slice %arg6[%dma_wait3A_259, %dma_wait3A_260] : memref<1024x256xf32, #tpu.memory_space<vmem_shared>> -> memref<1024x256xf32, #tpu.memory_space<vmem_shared>>
      %dma_wait3A_262 = arith.constant 0 : i32
      %dma_wait3A_263 = tpu.memref_slice %arg1[%add3A_258, %dma_wait3A_262] : memref<65536x256xf32, #tpu.memory_space<hbm>> -> memref<1024x256xf32, #tpu.memory_space<hbm>>
      tpu.wait_dma2 semaphore(%run_scoped3A : memref<!tpu.dma_semaphore, #tpu.memory_space<semaphore_mem>>) src(%dma_wait3A_263 : memref<1024x256xf32, #tpu.memory_space<hbm>>) dst(%dma_wait3A_261 : memref<1024x256xf32, #tpu.memory_space<vmem_shared>>)
      %add3A_264 = arith.constant 6144 : i32
      %add3A_265 = arith.addi %add3A_1, %add3A_264 : i32
      %add3A_266 = arith.constant 65536 : i32
      %add3A_267 = arith.addi %add3A_266, %add3A_1 : i32
      %add3A_268 = arith.constant 6144 : i32
      %add3A_269 = arith.addi %add3A_267, %add3A_268 : i32
      %dma_start3A_270 = arith.constant 0 : i32
      %dma_start3A_271 = tpu.memref_slice %arg2[%add3A_265, %dma_start3A_270] : memref<131072x256xf32, #tpu.memory_space<hbm>> -> memref<1024x256xf32, #tpu.memory_space<hbm>>
      %dma_start3A_272 = arith.constant 0 : i32
      %dma_start3A_273 = arith.constant 0 : i32
      %dma_start3A_274 = tpu.memref_slice %arg6[%dma_start3A_272, %dma_start3A_273] : memref<1024x256xf32, #tpu.memory_space<vmem_shared>> -> memref<1024x256xf32, #tpu.memory_space<vmem_shared>>
      tpu.enqueue_dma source(%dma_start3A_274 : memref<1024x256xf32, #tpu.memory_space<vmem_shared>>) target(%dma_start3A_271 : memref<1024x256xf32, #tpu.memory_space<hbm>>) target_semaphore(%run_scoped3A_3 : memref<!tpu.dma_semaphore, #tpu.memory_space<semaphore_mem>>)
      %dma_start3A_275 = arith.constant 0 : i32
      %dma_start3A_276 = tpu.memref_slice %arg2[%add3A_269, %dma_start3A_275] : memref<131072x256xf32, #tpu.memory_space<hbm>> -> memref<1024x256xf32, #tpu.memory_space<hbm>>
      %dma_start3A_277 = arith.constant 0 : i32
      %dma_start3A_278 = arith.constant 0 : i32
      %dma_start3A_279 = tpu.memref_slice %arg6[%dma_start3A_277, %dma_start3A_278] : memref<1024x256xf32, #tpu.memory_space<vmem_shared>> -> memref<1024x256xf32, #tpu.memory_space<vmem_shared>>
      tpu.enqueue_dma source(%dma_start3A_279 : memref<1024x256xf32, #tpu.memory_space<vmem_shared>>) target(%dma_start3A_276 : memref<1024x256xf32, #tpu.memory_space<hbm>>) target_semaphore(%run_scoped3A_3 : memref<!tpu.dma_semaphore, #tpu.memory_space<semaphore_mem>>)
      %dma_wait3A_280 = arith.constant 0 : i32
      %dma_wait3A_281 = tpu.memref_slice %arg2[%add3A_265, %dma_wait3A_280] : memref<131072x256xf32, #tpu.memory_space<hbm>> -> memref<1024x256xf32, #tpu.memory_space<hbm>>
      %dma_wait3A_282 = arith.constant 0 : i32
      %dma_wait3A_283 = arith.constant 0 : i32
      %dma_wait3A_284 = tpu.memref_slice %arg6[%dma_wait3A_282, %dma_wait3A_283] : memref<1024x256xf32, #tpu.memory_space<vmem_shared>> -> memref<1024x256xf32, #tpu.memory_space<vmem_shared>>
      tpu.wait_dma2 semaphore(%run_scoped3A_3 : memref<!tpu.dma_semaphore, #tpu.memory_space<semaphore_mem>>) src(%dma_wait3A_284 : memref<1024x256xf32, #tpu.memory_space<vmem_shared>>) dst(%dma_wait3A_281 : memref<1024x256xf32, #tpu.memory_space<hbm>>)
      %dma_wait3A_285 = arith.constant 0 : i32
      %dma_wait3A_286 = tpu.memref_slice %arg2[%add3A_269, %dma_wait3A_285] : memref<131072x256xf32, #tpu.memory_space<hbm>> -> memref<1024x256xf32, #tpu.memory_space<hbm>>
      %dma_wait3A_287 = arith.constant 0 : i32
      %dma_wait3A_288 = arith.constant 0 : i32
      %dma_wait3A_289 = tpu.memref_slice %arg6[%dma_wait3A_287, %dma_wait3A_288] : memref<1024x256xf32, #tpu.memory_space<vmem_shared>> -> memref<1024x256xf32, #tpu.memory_space<vmem_shared>>
      tpu.wait_dma2 semaphore(%run_scoped3A_3 : memref<!tpu.dma_semaphore, #tpu.memory_space<semaphore_mem>>) src(%dma_wait3A_289 : memref<1024x256xf32, #tpu.memory_space<vmem_shared>>) dst(%dma_wait3A_286 : memref<1024x256xf32, #tpu.memory_space<hbm>>)
      %add3A_290 = arith.constant 8192 : i32
      %add3A_291 = arith.addi %add3A_1, %add3A_290 : i32
      %dma_start3A_292 = arith.constant 0 : i32
      %dma_start3A_293 = arith.constant 0 : i32
      %dma_start3A_294 = tpu.memref_slice %arg6[%dma_start3A_292, %dma_start3A_293] : memref<1024x256xf32, #tpu.memory_space<vmem_shared>> -> memref<1024x256xf32, #tpu.memory_space<vmem_shared>>
      %dma_start3A_295 = arith.constant 0 : i32
      %dma_start3A_296 = tpu.memref_slice %arg1[%add3A_291, %dma_start3A_295] : memref<65536x256xf32, #tpu.memory_space<hbm>> -> memref<1024x256xf32, #tpu.memory_space<hbm>>
      tpu.enqueue_dma source(%dma_start3A_296 : memref<1024x256xf32, #tpu.memory_space<hbm>>) target(%dma_start3A_294 : memref<1024x256xf32, #tpu.memory_space<vmem_shared>>) target_semaphore(%run_scoped3A : memref<!tpu.dma_semaphore, #tpu.memory_space<semaphore_mem>>)
      %add3A_297 = arith.constant 7168 : i32
      %add3A_298 = arith.addi %add3A_1, %add3A_297 : i32
      %dma_wait3A_299 = arith.constant 0 : i32
      %dma_wait3A_300 = arith.constant 0 : i32
      %dma_wait3A_301 = tpu.memref_slice %arg7[%dma_wait3A_299, %dma_wait3A_300] : memref<1024x256xf32, #tpu.memory_space<vmem_shared>> -> memref<1024x256xf32, #tpu.memory_space<vmem_shared>>
      %dma_wait3A_302 = arith.constant 0 : i32
      %dma_wait3A_303 = tpu.memref_slice %arg1[%add3A_298, %dma_wait3A_302] : memref<65536x256xf32, #tpu.memory_space<hbm>> -> memref<1024x256xf32, #tpu.memory_space<hbm>>
      tpu.wait_dma2 semaphore(%run_scoped3A_2 : memref<!tpu.dma_semaphore, #tpu.memory_space<semaphore_mem>>) src(%dma_wait3A_303 : memref<1024x256xf32, #tpu.memory_space<hbm>>) dst(%dma_wait3A_301 : memref<1024x256xf32, #tpu.memory_space<vmem_shared>>)
      %add3A_304 = arith.constant 7168 : i32
      %add3A_305 = arith.addi %add3A_1, %add3A_304 : i32
      %add3A_306 = arith.constant 65536 : i32
      %add3A_307 = arith.addi %add3A_306, %add3A_1 : i32
      %add3A_308 = arith.constant 7168 : i32
      %add3A_309 = arith.addi %add3A_307, %add3A_308 : i32
      %dma_start3A_310 = arith.constant 0 : i32
      %dma_start3A_311 = tpu.memref_slice %arg2[%add3A_305, %dma_start3A_310] : memref<131072x256xf32, #tpu.memory_space<hbm>> -> memref<1024x256xf32, #tpu.memory_space<hbm>>
      %dma_start3A_312 = arith.constant 0 : i32
      %dma_start3A_313 = arith.constant 0 : i32
      %dma_start3A_314 = tpu.memref_slice %arg7[%dma_start3A_312, %dma_start3A_313] : memref<1024x256xf32, #tpu.memory_space<vmem_shared>> -> memref<1024x256xf32, #tpu.memory_space<vmem_shared>>
      tpu.enqueue_dma source(%dma_start3A_314 : memref<1024x256xf32, #tpu.memory_space<vmem_shared>>) target(%dma_start3A_311 : memref<1024x256xf32, #tpu.memory_space<hbm>>) target_semaphore(%run_scoped3A_4 : memref<!tpu.dma_semaphore, #tpu.memory_space<semaphore_mem>>)
      %dma_start3A_315 = arith.constant 0 : i32
      %dma_start3A_316 = tpu.memref_slice %arg2[%add3A_309, %dma_start3A_315] : memref<131072x256xf32, #tpu.memory_space<hbm>> -> memref<1024x256xf32, #tpu.memory_space<hbm>>
      %dma_start3A_317 = arith.constant 0 : i32
      %dma_start3A_318 = arith.constant 0 : i32
      %dma_start3A_319 = tpu.memref_slice %arg7[%dma_start3A_317, %dma_start3A_318] : memref<1024x256xf32, #tpu.memory_space<vmem_shared>> -> memref<1024x256xf32, #tpu.memory_space<vmem_shared>>
      tpu.enqueue_dma source(%dma_start3A_319 : memref<1024x256xf32, #tpu.memory_space<vmem_shared>>) target(%dma_start3A_316 : memref<1024x256xf32, #tpu.memory_space<hbm>>) target_semaphore(%run_scoped3A_4 : memref<!tpu.dma_semaphore, #tpu.memory_space<semaphore_mem>>)
      %dma_wait3A_320 = arith.constant 0 : i32
      %dma_wait3A_321 = tpu.memref_slice %arg2[%add3A_305, %dma_wait3A_320] : memref<131072x256xf32, #tpu.memory_space<hbm>> -> memref<1024x256xf32, #tpu.memory_space<hbm>>
      %dma_wait3A_322 = arith.constant 0 : i32
      %dma_wait3A_323 = arith.constant 0 : i32
      %dma_wait3A_324 = tpu.memref_slice %arg7[%dma_wait3A_322, %dma_wait3A_323] : memref<1024x256xf32, #tpu.memory_space<vmem_shared>> -> memref<1024x256xf32, #tpu.memory_space<vmem_shared>>
      tpu.wait_dma2 semaphore(%run_scoped3A_4 : memref<!tpu.dma_semaphore, #tpu.memory_space<semaphore_mem>>) src(%dma_wait3A_324 : memref<1024x256xf32, #tpu.memory_space<vmem_shared>>) dst(%dma_wait3A_321 : memref<1024x256xf32, #tpu.memory_space<hbm>>)
      %dma_wait3A_325 = arith.constant 0 : i32
      %dma_wait3A_326 = tpu.memref_slice %arg2[%add3A_309, %dma_wait3A_325] : memref<131072x256xf32, #tpu.memory_space<hbm>> -> memref<1024x256xf32, #tpu.memory_space<hbm>>
      %dma_wait3A_327 = arith.constant 0 : i32
      %dma_wait3A_328 = arith.constant 0 : i32
      %dma_wait3A_329 = tpu.memref_slice %arg7[%dma_wait3A_327, %dma_wait3A_328] : memref<1024x256xf32, #tpu.memory_space<vmem_shared>> -> memref<1024x256xf32, #tpu.memory_space<vmem_shared>>
      tpu.wait_dma2 semaphore(%run_scoped3A_4 : memref<!tpu.dma_semaphore, #tpu.memory_space<semaphore_mem>>) src(%dma_wait3A_329 : memref<1024x256xf32, #tpu.memory_space<vmem_shared>>) dst(%dma_wait3A_326 : memref<1024x256xf32, #tpu.memory_space<hbm>>)
      %add3A_330 = arith.constant 9216 : i32
      %add3A_331 = arith.addi %add3A_1, %add3A_330 : i32
      %dma_start3A_332 = arith.constant 0 : i32
      %dma_start3A_333 = arith.constant 0 : i32
      %dma_start3A_334 = tpu.memref_slice %arg7[%dma_start3A_332, %dma_start3A_333] : memref<1024x256xf32, #tpu.memory_space<vmem_shared>> -> memref<1024x256xf32, #tpu.memory_space<vmem_shared>>
      %dma_start3A_335 = arith.constant 0 : i32
      %dma_start3A_336 = tpu.memref_slice %arg1[%add3A_331, %dma_start3A_335] : memref<65536x256xf32, #tpu.memory_space<hbm>> -> memref<1024x256xf32, #tpu.memory_space<hbm>>
      tpu.enqueue_dma source(%dma_start3A_336 : memref<1024x256xf32, #tpu.memory_space<hbm>>) target(%dma_start3A_334 : memref<1024x256xf32, #tpu.memory_space<vmem_shared>>) target_semaphore(%run_scoped3A_2 : memref<!tpu.dma_semaphore, #tpu.memory_space<semaphore_mem>>)
      %add3A_337 = arith.constant 8192 : i32
      %add3A_338 = arith.addi %add3A_1, %add3A_337 : i32
      %dma_wait3A_339 = arith.constant 0 : i32
      %dma_wait3A_340 = arith.constant 0 : i32
      %dma_wait3A_341 = tpu.memref_slice %arg6[%dma_wait3A_339, %dma_wait3A_340] : memref<1024x256xf32, #tpu.memory_space<vmem_shared>> -> memref<1024x256xf32, #tpu.memory_space<vmem_shared>>
      %dma_wait3A_342 = arith.constant 0 : i32
      %dma_wait3A_343 = tpu.memref_slice %arg1[%add3A_338, %dma_wait3A_342] : memref<65536x256xf32, #tpu.memory_space<hbm>> -> memref<1024x256xf32, #tpu.memory_space<hbm>>
      tpu.wait_dma2 semaphore(%run_scoped3A : memref<!tpu.dma_semaphore, #tpu.memory_space<semaphore_mem>>) src(%dma_wait3A_343 : memref<1024x256xf32, #tpu.memory_space<hbm>>) dst(%dma_wait3A_341 : memref<1024x256xf32, #tpu.memory_space<vmem_shared>>)
      %add3A_344 = arith.constant 8192 : i32
      %add3A_345 = arith.addi %add3A_1, %add3A_344 : i32
      %add3A_346 = arith.constant 65536 : i32
      %add3A_347 = arith.addi %add3A_346, %add3A_1 : i32
      %add3A_348 = arith.constant 8192 : i32
      %add3A_349 = arith.addi %add3A_347, %add3A_348 : i32
      %dma_start3A_350 = arith.constant 0 : i32
      %dma_start3A_351 = tpu.memref_slice %arg2[%add3A_345, %dma_start3A_350] : memref<131072x256xf32, #tpu.memory_space<hbm>> -> memref<1024x256xf32, #tpu.memory_space<hbm>>
      %dma_start3A_352 = arith.constant 0 : i32
      %dma_start3A_353 = arith.constant 0 : i32
      %dma_start3A_354 = tpu.memref_slice %arg6[%dma_start3A_352, %dma_start3A_353] : memref<1024x256xf32, #tpu.memory_space<vmem_shared>> -> memref<1024x256xf32, #tpu.memory_space<vmem_shared>>
      tpu.enqueue_dma source(%dma_start3A_354 : memref<1024x256xf32, #tpu.memory_space<vmem_shared>>) target(%dma_start3A_351 : memref<1024x256xf32, #tpu.memory_space<hbm>>) target_semaphore(%run_scoped3A_3 : memref<!tpu.dma_semaphore, #tpu.memory_space<semaphore_mem>>)
      %dma_start3A_355 = arith.constant 0 : i32
      %dma_start3A_356 = tpu.memref_slice %arg2[%add3A_349, %dma_start3A_355] : memref<131072x256xf32, #tpu.memory_space<hbm>> -> memref<1024x256xf32, #tpu.memory_space<hbm>>
      %dma_start3A_357 = arith.constant 0 : i32
      %dma_start3A_358 = arith.constant 0 : i32
      %dma_start3A_359 = tpu.memref_slice %arg6[%dma_start3A_357, %dma_start3A_358] : memref<1024x256xf32, #tpu.memory_space<vmem_shared>> -> memref<1024x256xf32, #tpu.memory_space<vmem_shared>>
      tpu.enqueue_dma source(%dma_start3A_359 : memref<1024x256xf32, #tpu.memory_space<vmem_shared>>) target(%dma_start3A_356 : memref<1024x256xf32, #tpu.memory_space<hbm>>) target_semaphore(%run_scoped3A_3 : memref<!tpu.dma_semaphore, #tpu.memory_space<semaphore_mem>>)
      %dma_wait3A_360 = arith.constant 0 : i32
      %dma_wait3A_361 = tpu.memref_slice %arg2[%add3A_345, %dma_wait3A_360] : memref<131072x256xf32, #tpu.memory_space<hbm>> -> memref<1024x256xf32, #tpu.memory_space<hbm>>
      %dma_wait3A_362 = arith.constant 0 : i32
      %dma_wait3A_363 = arith.constant 0 : i32
      %dma_wait3A_364 = tpu.memref_slice %arg6[%dma_wait3A_362, %dma_wait3A_363] : memref<1024x256xf32, #tpu.memory_space<vmem_shared>> -> memref<1024x256xf32, #tpu.memory_space<vmem_shared>>
      tpu.wait_dma2 semaphore(%run_scoped3A_3 : memref<!tpu.dma_semaphore, #tpu.memory_space<semaphore_mem>>) src(%dma_wait3A_364 : memref<1024x256xf32, #tpu.memory_space<vmem_shared>>) dst(%dma_wait3A_361 : memref<1024x256xf32, #tpu.memory_space<hbm>>)
      %dma_wait3A_365 = arith.constant 0 : i32
      %dma_wait3A_366 = tpu.memref_slice %arg2[%add3A_349, %dma_wait3A_365] : memref<131072x256xf32, #tpu.memory_space<hbm>> -> memref<1024x256xf32, #tpu.memory_space<hbm>>
      %dma_wait3A_367 = arith.constant 0 : i32
      %dma_wait3A_368 = arith.constant 0 : i32
      %dma_wait3A_369 = tpu.memref_slice %arg6[%dma_wait3A_367, %dma_wait3A_368] : memref<1024x256xf32, #tpu.memory_space<vmem_shared>> -> memref<1024x256xf32, #tpu.memory_space<vmem_shared>>
      tpu.wait_dma2 semaphore(%run_scoped3A_3 : memref<!tpu.dma_semaphore, #tpu.memory_space<semaphore_mem>>) src(%dma_wait3A_369 : memref<1024x256xf32, #tpu.memory_space<vmem_shared>>) dst(%dma_wait3A_366 : memref<1024x256xf32, #tpu.memory_space<hbm>>)
      %add3A_370 = arith.constant 10240 : i32
      %add3A_371 = arith.addi %add3A_1, %add3A_370 : i32
      %dma_start3A_372 = arith.constant 0 : i32
      %dma_start3A_373 = arith.constant 0 : i32
      %dma_start3A_374 = tpu.memref_slice %arg6[%dma_start3A_372, %dma_start3A_373] : memref<1024x256xf32, #tpu.memory_space<vmem_shared>> -> memref<1024x256xf32, #tpu.memory_space<vmem_shared>>
      %dma_start3A_375 = arith.constant 0 : i32
      %dma_start3A_376 = tpu.memref_slice %arg1[%add3A_371, %dma_start3A_375] : memref<65536x256xf32, #tpu.memory_space<hbm>> -> memref<1024x256xf32, #tpu.memory_space<hbm>>
      tpu.enqueue_dma source(%dma_start3A_376 : memref<1024x256xf32, #tpu.memory_space<hbm>>) target(%dma_start3A_374 : memref<1024x256xf32, #tpu.memory_space<vmem_shared>>) target_semaphore(%run_scoped3A : memref<!tpu.dma_semaphore, #tpu.memory_space<semaphore_mem>>)
      %add3A_377 = arith.constant 9216 : i32
      %add3A_378 = arith.addi %add3A_1, %add3A_377 : i32
      %dma_wait3A_379 = arith.constant 0 : i32
      %dma_wait3A_380 = arith.constant 0 : i32
      %dma_wait3A_381 = tpu.memref_slice %arg7[%dma_wait3A_379, %dma_wait3A_380] : memref<1024x256xf32, #tpu.memory_space<vmem_shared>> -> memref<1024x256xf32, #tpu.memory_space<vmem_shared>>
      %dma_wait3A_382 = arith.constant 0 : i32
      %dma_wait3A_383 = tpu.memref_slice %arg1[%add3A_378, %dma_wait3A_382] : memref<65536x256xf32, #tpu.memory_space<hbm>> -> memref<1024x256xf32, #tpu.memory_space<hbm>>
      tpu.wait_dma2 semaphore(%run_scoped3A_2 : memref<!tpu.dma_semaphore, #tpu.memory_space<semaphore_mem>>) src(%dma_wait3A_383 : memref<1024x256xf32, #tpu.memory_space<hbm>>) dst(%dma_wait3A_381 : memref<1024x256xf32, #tpu.memory_space<vmem_shared>>)
      %add3A_384 = arith.constant 9216 : i32
      %add3A_385 = arith.addi %add3A_1, %add3A_384 : i32
      %add3A_386 = arith.constant 65536 : i32
      %add3A_387 = arith.addi %add3A_386, %add3A_1 : i32
      %add3A_388 = arith.constant 9216 : i32
      %add3A_389 = arith.addi %add3A_387, %add3A_388 : i32
      %dma_start3A_390 = arith.constant 0 : i32
      %dma_start3A_391 = tpu.memref_slice %arg2[%add3A_385, %dma_start3A_390] : memref<131072x256xf32, #tpu.memory_space<hbm>> -> memref<1024x256xf32, #tpu.memory_space<hbm>>
      %dma_start3A_392 = arith.constant 0 : i32
      %dma_start3A_393 = arith.constant 0 : i32
      %dma_start3A_394 = tpu.memref_slice %arg7[%dma_start3A_392, %dma_start3A_393] : memref<1024x256xf32, #tpu.memory_space<vmem_shared>> -> memref<1024x256xf32, #tpu.memory_space<vmem_shared>>
      tpu.enqueue_dma source(%dma_start3A_394 : memref<1024x256xf32, #tpu.memory_space<vmem_shared>>) target(%dma_start3A_391 : memref<1024x256xf32, #tpu.memory_space<hbm>>) target_semaphore(%run_scoped3A_4 : memref<!tpu.dma_semaphore, #tpu.memory_space<semaphore_mem>>)
      %dma_start3A_395 = arith.constant 0 : i32
      %dma_start3A_396 = tpu.memref_slice %arg2[%add3A_389, %dma_start3A_395] : memref<131072x256xf32, #tpu.memory_space<hbm>> -> memref<1024x256xf32, #tpu.memory_space<hbm>>
      %dma_start3A_397 = arith.constant 0 : i32
      %dma_start3A_398 = arith.constant 0 : i32
      %dma_start3A_399 = tpu.memref_slice %arg7[%dma_start3A_397, %dma_start3A_398] : memref<1024x256xf32, #tpu.memory_space<vmem_shared>> -> memref<1024x256xf32, #tpu.memory_space<vmem_shared>>
      tpu.enqueue_dma source(%dma_start3A_399 : memref<1024x256xf32, #tpu.memory_space<vmem_shared>>) target(%dma_start3A_396 : memref<1024x256xf32, #tpu.memory_space<hbm>>) target_semaphore(%run_scoped3A_4 : memref<!tpu.dma_semaphore, #tpu.memory_space<semaphore_mem>>)
      %dma_wait3A_400 = arith.constant 0 : i32
      %dma_wait3A_401 = tpu.memref_slice %arg2[%add3A_385, %dma_wait3A_400] : memref<131072x256xf32, #tpu.memory_space<hbm>> -> memref<1024x256xf32, #tpu.memory_space<hbm>>
      %dma_wait3A_402 = arith.constant 0 : i32
      %dma_wait3A_403 = arith.constant 0 : i32
      %dma_wait3A_404 = tpu.memref_slice %arg7[%dma_wait3A_402, %dma_wait3A_403] : memref<1024x256xf32, #tpu.memory_space<vmem_shared>> -> memref<1024x256xf32, #tpu.memory_space<vmem_shared>>
      tpu.wait_dma2 semaphore(%run_scoped3A_4 : memref<!tpu.dma_semaphore, #tpu.memory_space<semaphore_mem>>) src(%dma_wait3A_404 : memref<1024x256xf32, #tpu.memory_space<vmem_shared>>) dst(%dma_wait3A_401 : memref<1024x256xf32, #tpu.memory_space<hbm>>)
      %dma_wait3A_405 = arith.constant 0 : i32
      %dma_wait3A_406 = tpu.memref_slice %arg2[%add3A_389, %dma_wait3A_405] : memref<131072x256xf32, #tpu.memory_space<hbm>> -> memref<1024x256xf32, #tpu.memory_space<hbm>>
      %dma_wait3A_407 = arith.constant 0 : i32
      %dma_wait3A_408 = arith.constant 0 : i32
      %dma_wait3A_409 = tpu.memref_slice %arg7[%dma_wait3A_407, %dma_wait3A_408] : memref<1024x256xf32, #tpu.memory_space<vmem_shared>> -> memref<1024x256xf32, #tpu.memory_space<vmem_shared>>
      tpu.wait_dma2 semaphore(%run_scoped3A_4 : memref<!tpu.dma_semaphore, #tpu.memory_space<semaphore_mem>>) src(%dma_wait3A_409 : memref<1024x256xf32, #tpu.memory_space<vmem_shared>>) dst(%dma_wait3A_406 : memref<1024x256xf32, #tpu.memory_space<hbm>>)
      %add3A_410 = arith.constant 11264 : i32
      %add3A_411 = arith.addi %add3A_1, %add3A_410 : i32
      %dma_start3A_412 = arith.constant 0 : i32
      %dma_start3A_413 = arith.constant 0 : i32
      %dma_start3A_414 = tpu.memref_slice %arg7[%dma_start3A_412, %dma_start3A_413] : memref<1024x256xf32, #tpu.memory_space<vmem_shared>> -> memref<1024x256xf32, #tpu.memory_space<vmem_shared>>
      %dma_start3A_415 = arith.constant 0 : i32
      %dma_start3A_416 = tpu.memref_slice %arg1[%add3A_411, %dma_start3A_415] : memref<65536x256xf32, #tpu.memory_space<hbm>> -> memref<1024x256xf32, #tpu.memory_space<hbm>>
      tpu.enqueue_dma source(%dma_start3A_416 : memref<1024x256xf32, #tpu.memory_space<hbm>>) target(%dma_start3A_414 : memref<1024x256xf32, #tpu.memory_space<vmem_shared>>) target_semaphore(%run_scoped3A_2 : memref<!tpu.dma_semaphore, #tpu.memory_space<semaphore_mem>>)
      %add3A_417 = arith.constant 10240 : i32
      %add3A_418 = arith.addi %add3A_1, %add3A_417 : i32
      %dma_wait3A_419 = arith.constant 0 : i32
      %dma_wait3A_420 = arith.constant 0 : i32
      %dma_wait3A_421 = tpu.memref_slice %arg6[%dma_wait3A_419, %dma_wait3A_420] : memref<1024x256xf32, #tpu.memory_space<vmem_shared>> -> memref<1024x256xf32, #tpu.memory_space<vmem_shared>>
      %dma_wait3A_422 = arith.constant 0 : i32
      %dma_wait3A_423 = tpu.memref_slice %arg1[%add3A_418, %dma_wait3A_422] : memref<65536x256xf32, #tpu.memory_space<hbm>> -> memref<1024x256xf32, #tpu.memory_space<hbm>>
      tpu.wait_dma2 semaphore(%run_scoped3A : memref<!tpu.dma_semaphore, #tpu.memory_space<semaphore_mem>>) src(%dma_wait3A_423 : memref<1024x256xf32, #tpu.memory_space<hbm>>) dst(%dma_wait3A_421 : memref<1024x256xf32, #tpu.memory_space<vmem_shared>>)
      %add3A_424 = arith.constant 10240 : i32
      %add3A_425 = arith.addi %add3A_1, %add3A_424 : i32
      %add3A_426 = arith.constant 65536 : i32
      %add3A_427 = arith.addi %add3A_426, %add3A_1 : i32
      %add3A_428 = arith.constant 10240 : i32
      %add3A_429 = arith.addi %add3A_427, %add3A_428 : i32
      %dma_start3A_430 = arith.constant 0 : i32
      %dma_start3A_431 = tpu.memref_slice %arg2[%add3A_425, %dma_start3A_430] : memref<131072x256xf32, #tpu.memory_space<hbm>> -> memref<1024x256xf32, #tpu.memory_space<hbm>>
      %dma_start3A_432 = arith.constant 0 : i32
      %dma_start3A_433 = arith.constant 0 : i32
      %dma_start3A_434 = tpu.memref_slice %arg6[%dma_start3A_432, %dma_start3A_433] : memref<1024x256xf32, #tpu.memory_space<vmem_shared>> -> memref<1024x256xf32, #tpu.memory_space<vmem_shared>>
      tpu.enqueue_dma source(%dma_start3A_434 : memref<1024x256xf32, #tpu.memory_space<vmem_shared>>) target(%dma_start3A_431 : memref<1024x256xf32, #tpu.memory_space<hbm>>) target_semaphore(%run_scoped3A_3 : memref<!tpu.dma_semaphore, #tpu.memory_space<semaphore_mem>>)
      %dma_start3A_435 = arith.constant 0 : i32
      %dma_start3A_436 = tpu.memref_slice %arg2[%add3A_429, %dma_start3A_435] : memref<131072x256xf32, #tpu.memory_space<hbm>> -> memref<1024x256xf32, #tpu.memory_space<hbm>>
      %dma_start3A_437 = arith.constant 0 : i32
      %dma_start3A_438 = arith.constant 0 : i32
      %dma_start3A_439 = tpu.memref_slice %arg6[%dma_start3A_437, %dma_start3A_438] : memref<1024x256xf32, #tpu.memory_space<vmem_shared>> -> memref<1024x256xf32, #tpu.memory_space<vmem_shared>>
      tpu.enqueue_dma source(%dma_start3A_439 : memref<1024x256xf32, #tpu.memory_space<vmem_shared>>) target(%dma_start3A_436 : memref<1024x256xf32, #tpu.memory_space<hbm>>) target_semaphore(%run_scoped3A_3 : memref<!tpu.dma_semaphore, #tpu.memory_space<semaphore_mem>>)
      %add3A_440 = arith.constant 11264 : i32
      %add3A_441 = arith.addi %add3A_1, %add3A_440 : i32
      %dma_wait3A_442 = arith.constant 0 : i32
      %dma_wait3A_443 = arith.constant 0 : i32
      %dma_wait3A_444 = tpu.memref_slice %arg7[%dma_wait3A_442, %dma_wait3A_443] : memref<1024x256xf32, #tpu.memory_space<vmem_shared>> -> memref<1024x256xf32, #tpu.memory_space<vmem_shared>>
      %dma_wait3A_445 = arith.constant 0 : i32
      %dma_wait3A_446 = tpu.memref_slice %arg1[%add3A_441, %dma_wait3A_445] : memref<65536x256xf32, #tpu.memory_space<hbm>> -> memref<1024x256xf32, #tpu.memory_space<hbm>>
      tpu.wait_dma2 semaphore(%run_scoped3A_2 : memref<!tpu.dma_semaphore, #tpu.memory_space<semaphore_mem>>) src(%dma_wait3A_446 : memref<1024x256xf32, #tpu.memory_space<hbm>>) dst(%dma_wait3A_444 : memref<1024x256xf32, #tpu.memory_space<vmem_shared>>)
      %add3A_447 = arith.constant 11264 : i32
      %add3A_448 = arith.addi %add3A_1, %add3A_447 : i32
      %add3A_449 = arith.constant 65536 : i32
      %add3A_450 = arith.addi %add3A_449, %add3A_1 : i32
      %add3A_451 = arith.constant 11264 : i32
      %add3A_452 = arith.addi %add3A_450, %add3A_451 : i32
      %dma_start3A_453 = arith.constant 0 : i32
      %dma_start3A_454 = tpu.memref_slice %arg2[%add3A_448, %dma_start3A_453] : memref<131072x256xf32, #tpu.memory_space<hbm>> -> memref<1024x256xf32, #tpu.memory_space<hbm>>
      %dma_start3A_455 = arith.constant 0 : i32
      %dma_start3A_456 = arith.constant 0 : i32
      %dma_start3A_457 = tpu.memref_slice %arg7[%dma_start3A_455, %dma_start3A_456] : memref<1024x256xf32, #tpu.memory_space<vmem_shared>> -> memref<1024x256xf32, #tpu.memory_space<vmem_shared>>
      tpu.enqueue_dma source(%dma_start3A_457 : memref<1024x256xf32, #tpu.memory_space<vmem_shared>>) target(%dma_start3A_454 : memref<1024x256xf32, #tpu.memory_space<hbm>>) target_semaphore(%run_scoped3A_4 : memref<!tpu.dma_semaphore, #tpu.memory_space<semaphore_mem>>)
      %dma_start3A_458 = arith.constant 0 : i32
      %dma_start3A_459 = tpu.memref_slice %arg2[%add3A_452, %dma_start3A_458] : memref<131072x256xf32, #tpu.memory_space<hbm>> -> memref<1024x256xf32, #tpu.memory_space<hbm>>
      %dma_start3A_460 = arith.constant 0 : i32
      %dma_start3A_461 = arith.constant 0 : i32
      %dma_start3A_462 = tpu.memref_slice %arg7[%dma_start3A_460, %dma_start3A_461] : memref<1024x256xf32, #tpu.memory_space<vmem_shared>> -> memref<1024x256xf32, #tpu.memory_space<vmem_shared>>
      tpu.enqueue_dma source(%dma_start3A_462 : memref<1024x256xf32, #tpu.memory_space<vmem_shared>>) target(%dma_start3A_459 : memref<1024x256xf32, #tpu.memory_space<hbm>>) target_semaphore(%run_scoped3A_4 : memref<!tpu.dma_semaphore, #tpu.memory_space<semaphore_mem>>)
      %add3A_463 = arith.constant 10240 : i32
      %add3A_464 = arith.addi %add3A_1, %add3A_463 : i32
      %add3A_465 = arith.constant 65536 : i32
      %add3A_466 = arith.addi %add3A_465, %add3A_1 : i32
      %add3A_467 = arith.constant 10240 : i32
      %add3A_468 = arith.addi %add3A_466, %add3A_467 : i32
      %dma_wait3A_469 = arith.constant 0 : i32
      %dma_wait3A_470 = tpu.memref_slice %arg2[%add3A_464, %dma_wait3A_469] : memref<131072x256xf32, #tpu.memory_space<hbm>> -> memref<1024x256xf32, #tpu.memory_space<hbm>>
      %dma_wait3A_471 = arith.constant 0 : i32
      %dma_wait3A_472 = arith.constant 0 : i32
      %dma_wait3A_473 = tpu.memref_slice %arg6[%dma_wait3A_471, %dma_wait3A_472] : memref<1024x256xf32, #tpu.memory_space<vmem_shared>> -> memref<1024x256xf32, #tpu.memory_space<vmem_shared>>
      tpu.wait_dma2 semaphore(%run_scoped3A_3 : memref<!tpu.dma_semaphore, #tpu.memory_space<semaphore_mem>>) src(%dma_wait3A_473 : memref<1024x256xf32, #tpu.memory_space<vmem_shared>>) dst(%dma_wait3A_470 : memref<1024x256xf32, #tpu.memory_space<hbm>>)
      %dma_wait3A_474 = arith.constant 0 : i32
      %dma_wait3A_475 = tpu.memref_slice %arg2[%add3A_468, %dma_wait3A_474] : memref<131072x256xf32, #tpu.memory_space<hbm>> -> memref<1024x256xf32, #tpu.memory_space<hbm>>
      %dma_wait3A_476 = arith.constant 0 : i32
      %dma_wait3A_477 = arith.constant 0 : i32
      %dma_wait3A_478 = tpu.memref_slice %arg6[%dma_wait3A_476, %dma_wait3A_477] : memref<1024x256xf32, #tpu.memory_space<vmem_shared>> -> memref<1024x256xf32, #tpu.memory_space<vmem_shared>>
      tpu.wait_dma2 semaphore(%run_scoped3A_3 : memref<!tpu.dma_semaphore, #tpu.memory_space<semaphore_mem>>) src(%dma_wait3A_478 : memref<1024x256xf32, #tpu.memory_space<vmem_shared>>) dst(%dma_wait3A_475 : memref<1024x256xf32, #tpu.memory_space<hbm>>)
      %add3A_479 = arith.constant 11264 : i32
      %add3A_480 = arith.addi %add3A_1, %add3A_479 : i32
      %add3A_481 = arith.constant 65536 : i32
      %add3A_482 = arith.addi %add3A_481, %add3A_1 : i32
      %add3A_483 = arith.constant 11264 : i32
      %add3A_484 = arith.addi %add3A_482, %add3A_483 : i32
      %dma_wait3A_485 = arith.constant 0 : i32
      %dma_wait3A_486 = tpu.memref_slice %arg2[%add3A_480, %dma_wait3A_485] : memref<131072x256xf32, #tpu.memory_space<hbm>> -> memref<1024x256xf32, #tpu.memory_space<hbm>>
      %dma_wait3A_487 = arith.constant 0 : i32
      %dma_wait3A_488 = arith.constant 0 : i32
      %dma_wait3A_489 = tpu.memref_slice %arg7[%dma_wait3A_487, %dma_wait3A_488] : memref<1024x256xf32, #tpu.memory_space<vmem_shared>> -> memref<1024x256xf32, #tpu.memory_space<vmem_shared>>
      tpu.wait_dma2 semaphore(%run_scoped3A_4 : memref<!tpu.dma_semaphore, #tpu.memory_space<semaphore_mem>>) src(%dma_wait3A_489 : memref<1024x256xf32, #tpu.memory_space<vmem_shared>>) dst(%dma_wait3A_486 : memref<1024x256xf32, #tpu.memory_space<hbm>>)
      %dma_wait3A_490 = arith.constant 0 : i32
      %dma_wait3A_491 = tpu.memref_slice %arg2[%add3A_484, %dma_wait3A_490] : memref<131072x256xf32, #tpu.memory_space<hbm>> -> memref<1024x256xf32, #tpu.memory_space<hbm>>
      %dma_wait3A_492 = arith.constant 0 : i32
      %dma_wait3A_493 = arith.constant 0 : i32
      %dma_wait3A_494 = tpu.memref_slice %arg7[%dma_wait3A_492, %dma_wait3A_493] : memref<1024x256xf32, #tpu.memory_space<vmem_shared>> -> memref<1024x256xf32, #tpu.memory_space<vmem_shared>>
      tpu.wait_dma2 semaphore(%run_scoped3A_4 : memref<!tpu.dma_semaphore, #tpu.memory_space<semaphore_mem>>) src(%dma_wait3A_494 : memref<1024x256xf32, #tpu.memory_space<vmem_shared>>) dst(%dma_wait3A_491 : memref<1024x256xf32, #tpu.memory_space<hbm>>)
      tpu.yield
    }) : () -> ()
    return
  }
}

</mosaic_0001>

<sc_bundles>
// kernel: kernel.3.cloned.1.call-start
scs
__scs_entry_jumppad:
0x0: {  	(pc) =	sbr.rel $0x88, $3  }
0x1: {  	(tag) =	ssettag $0x0;
	lr =	simm.s32 $0x1  }
0x2: {  	[smem:$0x3FA0] =	sst lr;
	_ =	strace $0xD0000000  }
0x3: {  	_ = 	snop  }
0x4: {  	_ = 	snop  }
0x5: {  	_ = 	snop  }
0x6: {  	_ = 	snop  }
0x7: {  	_ = 	snop  }
__scs_overlays_trampoline_lowered:
0x8: {  	[smem:$0x3FAF] =	sst s0  }
0x9: {  	[smem:$0x3FB0] =	sst s1  }
0xa: {  	[smem:$0x3FB1] =	sst s2  }
0xb: {  	[smem:$0x3FB2] =	sst s3  }
0xc: {  	[smem:$0x3FB3] =	sst s4  }
0xd: {  	[smem:$0x3FB4] =	sst s5  }
0xe: {  	[smem:$0x3FB5] =	sst s6  }
0xf: {  	[smem:$0x3FB6] =	sst s7  }
0x10: {  	[smem:$0x3FB7] =	sst s8  }
0x11: {  	[smem:$0x3FB8] =	sst s9;
	s0 =	simm.s32 @!p0 $0x0  }
0x12: {  	s1 =	sld [smem:$0x3F9E];
	s0 =	simm.s32 @p0 $0x1  }
0x13: {  	[smem:$0x3FB9] =	sst s0;
	s0 =	simm.s32 @!p1 $0x0  }
0x14: {  	s2 =	sld [smem:$0x3F9D];
	s0 =	simm.s32 @p1 $0x1  }
0x15: {  	[smem:$0x3FBA] =	sst s0;
	s0 =	simm.s32 @!p2 $0x0  }
0x16: {  	s3 =	sld [smem:$0x3FDB];
	s0 =	simm.s32 @p2 $0x1  }
0x17: {  	s4 =	simm.s32 $0x1BF5;
	[smem:$0x3FBC] =	sst s0  }
0x18: {  	s0 =	sld [smem:$0x3F9F];
	_ =	swait.ge [sflag:s4], $0x0  }
0x19: {  	s7 =	sld [smem:$0x3FA0]  }
0x1a: {  	s8 =	sadd.s32 $0xFFFFE003, lr  }
0x1b: {  	s9 =	sadd.s32 $0xFFFFFEF7, lr;
	s5 =	simm.s32 $0xFFFFFFFF;
	p2 =	slt.u32 s8, $0xFFFFF086  }
0x1c: {  	p1 =	slt.u32 s9, $0xF7A;
	s5 =	simm.s32 @!p2 $0x0  }
0x1d: {  	s5 =	simm.s32 @p1 $0x1;
	p0 =	seq.s32 s7, s2  }
0x1e: {  	s7 =	smul.u32 @!p0 $0xF7A, s2;
	p2 =	seq.s32 @!p0 s5, $0x0  }
0x1f: {  	s9 =	smul.u32 $0xF7A, s1;
	s8 =	simm.s32 @!p0 $0x1BF5;
	p2 =	por !p2, p0  }
0x20: {  	[sflag:s8] =	ssyncset.s32 @!p0 $0xFFFFF086;
	s6 =	sadd.s32 @!p0 s3, s7;
	s7 =	simm.s32 @!p0 $0x108  }
0x21: {  	s3 =	sadd.s32 s3, s9;
	s6 =	sadd.s32 @!p0 $0x88, s6;
	s7 =	simm.s32 @p2 $0x1082  }
0x22: {  	[simem:s7], [sflag:s8] =	dma.local @!p0 [hbm:s6], $0xF7A  }
0x23: {  	s9 =	sor.u32 $0xD0000000, s2;
	s6 =	simm.s32 $0x108;
	_ =	swait.ge @!p0 [sflag:s8], $0x0  }
0x24: {  	s3 =	sadd.s32 $0x88, s3;
	s6 =	simm.s32 @!p1 $0x1082;
	[sflag:s4] =	ssyncset.s32 $0xFFFFF086  }
0x25: {  	[simem:s6], [sflag:s4] =	dma.local [hbm:s3], $0xF7A  }
0x26: {  	[smem:$0x3FA0] =	sst s1;
	(tag) =	ssettag s2;
	_ =	strace s9  }
0x27: {  	s1 =	sld [smem:$0x3FB0]  }
0x28: {  	s2 =	sld [smem:$0x3FB1]  }
0x29: {  	s4 =	sld [smem:$0x3FB3]  }
0x2a: {  	p0 =	seq.s32 s5, $0x0;
	s5 =	sld [smem:$0x3FB4]  }
0x2b: {  	s6 =	sld [smem:$0x3FB5]  }
0x2c: {  	s7 =	sld [smem:$0x3FB6]  }
0x2d: {  	s3 =	simm.s32 $0x108;
	s8 =	sld [smem:$0x3FB7]  }
0x2e: {  	s3 =	simm.s32 @!p0 $0x1082;
	s9 =	sld [smem:$0x3FB8]  }
0x2f: {  	lr =	sadd.s32 s0, s3;
	s0 =	sld [smem:$0x3FAF]  }
0x30: {  	s3 =	sld [smem:$0x3FB2]  }
0x31: {  	[smem:$0x3FBB] =	sst s10  }
0x32: {  	s10 =	sld [smem:$0x3FB9];
	_ =	sdelay $0x3  }
0x33: {  	p0 =	seq.s32 s10, $0x1;
	s10 =	sld [smem:$0x3FBB];
	_ =	sdelay $0x3  }
0x34: {  	[smem:$0x3FBB] =	sst s10  }
0x35: {  	s10 =	sld [smem:$0x3FBA];
	_ =	sdelay $0x3  }
0x36: {  	p1 =	seq.s32 s10, $0x1;
	s10 =	sld [smem:$0x3FBB];
	_ =	sdelay $0x3  }
0x37: {  	[smem:$0x3FBB] =	sst s10  }
0x38: {  	s10 =	sld [smem:$0x3FBC]  }
0x39: {  	_ = 	snop;
	(pc) =	sbr.ind lr, $3  }
0x3a: {  	_ = 	snop  }
0x3b: {  	_ = 	snop  }
0x3c: {  	p2 =	seq.s32 s10, $0x1;
	s10 =	sld [smem:$0x3FBB]  }
0x3d: {  	_ =	shalt  }
0x3e: {  	_ =	shalt  }
0x3f: {  	_ =	shalt  }
0x40: {  	_ =	shalt  }
0x41: {  	_ =	shalt  }
0x42: {  	_ =	shalt  }
0x43: {  	_ =	shalt  }
0x44: {  	_ =	shalt  }
0x45: {  	_ =	shalt  }
0x46: {  	_ =	shalt  }
0x47: {  	_ =	shalt  }
0x48: {  	_ =	shalt  }
0x49: {  	_ =	shalt  }
0x4a: {  	_ =	shalt  }
0x4b: {  	_ =	shalt  }
0x4c: {  	_ =	shalt  }
0x4d: {  	_ =	shalt  }
0x4e: {  	_ =	shalt  }
0x4f: {  	_ =	shalt  }
0x50: {  	_ =	shalt  }
0x51: {  	_ =	shalt  }
0x52: {  	_ =	shalt  }
0x53: {  	_ =	shalt  }
0x54: {  	_ =	shalt  }
0x55: {  	_ =	shalt  }
0x56: {  	_ =	shalt  }
0x57: {  	_ =	shalt  }
0x58: {  	_ =	shalt  }
0x59: {  	_ =	shalt  }
0x5a: {  	_ =	shalt  }
0x5b: {  	_ =	shalt  }
0x5c: {  	_ =	shalt  }
0x5d: {  	_ =	shalt  }
0x5e: {  	_ =	shalt  }
0x5f: {  	_ =	shalt  }
0x60: {  	_ =	shalt  }
0x61: {  	_ =	shalt  }
0x62: {  	_ =	shalt  }
0x63: {  	_ =	shalt  }
0x64: {  	_ =	shalt  }
0x65: {  	_ =	shalt  }
0x66: {  	_ =	shalt  }
0x67: {  	_ =	shalt  }
0x68: {  	_ =	shalt  }
0x69: {  	_ =	shalt  }
0x6a: {  	_ =	shalt  }
0x6b: {  	_ =	shalt  }
0x6c: {  	_ =	shalt  }
0x6d: {  	_ =	shalt  }
0x6e: {  	_ =	shalt  }
0x6f: {  	_ =	shalt  }
0x70: {  	_ =	shalt  }
0x71: {  	_ =	shalt  }
0x72: {  	_ =	shalt  }
0x73: {  	_ =	shalt  }
0x74: {  	_ =	shalt  }
0x75: {  	_ =	shalt  }
0x76: {  	_ =	shalt  }
0x77: {  	_ =	shalt  }
0x78: {  	_ =	shalt  }
0x79: {  	_ =	shalt  }
0x7a: {  	_ =	shalt  }
0x7b: {  	_ =	shalt  }
0x7c: {  	_ =	shalt  }
0x7d: {  	_ =	shalt  }
0x7e: {  	_ =	shalt  }
0x7f: {  	_ =	shalt  }
0x80: {  	_ =	shalt  }
0x81: {  	_ =	shalt  }
0x82: {  	_ =	shalt  }
0x83: {  	_ =	shalt  }
0x84: {  	_ =	shalt  }
0x85: {  	_ =	shalt  }
0x86: {  	_ =	shalt  }
0x87: {  	_ =	shalt  }
.Lfunc_end0:
.L_simem_size_0:
called_computation_lowered:
.L_overlay_start_0:
0x88: {  	s1 =	sld [smem:$0x3FD9]  }
0x89: {  	s3 =	sld [smem:$0x3FFE];
	_ =	sdelay $0x1  }
0x8a: {  	s2 =	srdreg.scid  }
0x8b: {  	s0 =	sand.u32 $0x1, s2  }
0x8c: {  	s16 =	sshll.u32 s0, $0xA;
	s1 =	sadd.s32 s3, s1  }
0x8d: {  	s1 =	sadd.s32 s1, s16  }
0x8e: {  	[smem:$0x3FC7] =	sst s1  }
0x8f: {  	_ = 	snop  }
0x90: {  	s1 =	simm.s32 $0x0;
	s4 =	sld [smem:$0x3FC9]  }
0x91: {  	[smem:$0xF] =	sst s1  }
0x92: {  	s3 =	sld [smem:$0x3FD0];
	(tm) =	ssettm $0x1  }
0x93: {  	s5 =	sld [smem:$0x3FFB];
	_ =	sdelay $0x3  }
0x94: {  	_ =	strace s5  }
0x95: {  	s5 =	sld [smem:$0x3FFC];
	_ =	sdelay $0x3  }
0x96: {  	_ =	strace s5  }
0x97: {  	s5 =	sld [smem:$0x3FFD];
	_ =	sdelay $0x3  }
0x98: {  	_ =	strace s5  }
0x99: {  	_ =	strace $0x8FFFFFFF  }
0x9a: {  	s17 =	sld [smem:$0x3FDB];
	_ =	sdelay $0x2  }
0x9b: {  	s6 =	simm.s32 $_scs_section_size;
	s7 =	simm.s32 $_tile_overlayer_lowered  }
0x9c: {  	s18 =	simm.s32 $_size__tile_overlayer_lowered;
	s7 =	sshll.u32 s7, $0x1;
	s5 =	sadd.s32 s6, s17  }
0x9d: {  	s8 =	simm.s32 $0x1BFF;
	s6 =	sshll.u32 s18, $0x1;
	s7 =	sadd.s32 s7, s5  }
0x9e: {  	[timem:s1], [sflag:s8] =	dma.local [hbm:s7], s6  }
0x9f: {  	_ =	swait.ge [sflag:s8], s6  }
0xa0: {  	s6 =	ssub.s32 $0x0, s6;
	[sflag:s8] =	ssyncset.done $0x0  }
0xa1: {  	[sflag:s8] =	ssyncadd.s32 s6;
	_ =	sdelay $0x1  }
0xa2: {  	s19 =	simm.s32 $0x1B8B  }
0xa3: {  	_ =	swait.ge [sflag:s19], $0x1  }
0xa4: {  	[sflag:s19] =	ssyncset.done $0x0  }
0xa5: {  	s20 =	simm.s32 $0x1B8E;
	[sflag:s19] =	ssyncadd.s32 $0xFFFFFFFF  }
0xa6: {  	s21 =	simm.s32 $execute0_lowered;
	[smem:$0x3FD2] =	sst s20  }
0xa7: {  	s6 =	sshll.u32 s21, $0x1;
	_ =	strace $0x80000046;
	[dreg:$0x1] =	wrdreg $0xFFFFFFFF  }
0xa8: {  	s22 =	simm.s32 $_size_execute0_lowered;
	s5 =	sadd.s32 s5, s6;
	[dreg:$0x0] =	wrdreg $0x0  }
0xa9: {  	s6 =	sshll.u32 s22, $0x1;
	[dreg:$0x2] =	wrdreg s5  }
0xaa: {  	[dreg:$0x3] =	wrdreg s6  }
0xab: {  	[dreg:$0x4] =	wrdreg $0xC0  }
0xac: {  	s23 =	smul.u32 $0x300000, s0;
	_ =	task [dreg:s1], $0x5FFFF  }
0xad: {  	[dreg:$0x1] =	wrdreg $0xFFFFFFFF  }
0xae: {  	s12 =	sshrl.u32 s23, $0x3;
	[dreg:$0x0] =	wrdreg $0x60  }
0xaf: {  	s9 =	simm.s32 $0xA;
	s24 =	sadd.s32 $0x140000, s12;
	[dreg:$0x2] =	wrdreg s4  }
0xb0: {  	s10 =	sadd.s32 $0x148000, s12;
	s25 =	sadd.s32 s24, s4;
	[dreg:$0x3] =	wrdreg s3  }
0xb1: {  	s11 =	sadd.s32 s10, s4;
	s7 =	simm.s32 $0x2D000;
	[dreg:$0x4] =	wrdreg $0x9  }
0xb2: {  	s8 =	simm.s32 $0xB;
	s5 =	simm.s32 $0x35000;
	_ =	task.clear_ibuf [dreg:s1], $0x5FFFF  }
0xb3: {  	[spmem:s7], [sflag:s9] =	dma.local [hbm:s25], $0x8000  }
0xb4: {  	[spmem:s5], [sflag:s8] =	dma.local [hbm:s11], $0x8000  }
0xb5: {  	_ =	swait.ge [sflag:s9], $0x8000  }
0xb6: {  	s26 =	sadd.s32 s24, s3;
	s11 =	sadd.s32 s3, s12;
	[sflag:s9] =	ssyncset.done $0x0  }
0xb7: {  	s6 =	simm.s32 $0xC;
	s13 =	sadd.s32 $0x340000, s11;
	[sflag:s9] =	ssyncadd.s32 $0xFFFF8000  }
0xb8: {  	[hbm:s26], [sflag:s6] =	dma.local [spmem:s7], $0x8000  }
0xb9: {  	[hbm:s13], [sflag:s6] =	dma.local [spmem:s7], $0x8000  }
0xba: {  	_ =	swait.ge [sflag:s6], $0x8000  }
0xbb: {  	[sflag:s6] =	ssyncset.done $0x0  }
0xbc: {  	[sflag:s6] =	ssyncadd.s32 $0xFFFF8000;
	_ =	sdelay $0x2  }
0xbd: {  	_ =	swait.ge [sflag:s6], $0x8000  }
0xbe: {  	[sflag:s6] =	ssyncset.done $0x0  }
0xbf: {  	s28 =	sadd.s32 $0x150000, s12;
	[sflag:s6] =	ssyncadd.s32 $0xFFFF8000  }
0xc0: {  	s14 =	sadd.s32 s28, s4  }
0xc1: {  	[spmem:s7], [sflag:s9] =	dma.local [hbm:s14], $0x8000  }
0xc2: {  	_ =	swait.ge [sflag:s8], $0x8000  }
0xc3: {  	s29 =	sadd.s32 s10, s3;
	[sflag:s8] =	ssyncset.done $0x0  }
0xc4: {  	s10 =	simm.s32 $0xD;
	s30 =	sadd.s32 $0x348000, s11;
	[sflag:s8] =	ssyncadd.s32 $0xFFFF8000  }
0xc5: {  	[hbm:s29], [sflag:s10] =	dma.local [spmem:s5], $0x8000  }
0xc6: {  	[hbm:s30], [sflag:s10] =	dma.local [spmem:s5], $0x8000  }
0xc7: {  	_ =	swait.ge [sflag:s10], $0x8000  }
0xc8: {  	[sflag:s10] =	ssyncset.done $0x0  }
0xc9: {  	[sflag:s10] =	ssyncadd.s32 $0xFFFF8000;
	_ =	sdelay $0x2  }
0xca: {  	_ =	swait.ge [sflag:s10], $0x8000  }
0xcb: {  	[sflag:s10] =	ssyncset.done $0x0  }
0xcc: {  	s31 =	sadd.s32 $0x158000, s12;
	[sflag:s10] =	ssyncadd.s32 $0xFFFF8000  }
0xcd: {  	s15 =	sadd.s32 s31, s4  }
0xce: {  	[spmem:s5], [sflag:s8] =	dma.local [hbm:s15], $0x8000  }
0xcf: {  	_ =	swait.ge [sflag:s9], $0x8000  }
0xd0: {  	[sflag:s9] =	ssyncset.done $0x0  }
0xd1: {  	s16 =	sadd.s32 $0x350000, s11;
	s13 =	sadd.s32 s28, s3;
	[sflag:s9] =	ssyncadd.s32 $0xFFFF8000  }
0xd2: {  	[hbm:s13], [sflag:s6] =	dma.local [spmem:s7], $0x8000  }
0xd3: {  	[hbm:s16], [sflag:s6] =	dma.local [spmem:s7], $0x8000  }
0xd4: {  	_ =	swait.ge [sflag:s6], $0x8000  }
0xd5: {  	[sflag:s6] =	ssyncset.done $0x0  }
0xd6: {  	[sflag:s6] =	ssyncadd.s32 $0xFFFF8000;
	_ =	sdelay $0x2  }
0xd7: {  	_ =	swait.ge [sflag:s6], $0x8000  }
0xd8: {  	[sflag:s6] =	ssyncset.done $0x0  }
0xd9: {  	s17 =	sadd.s32 $0x160000, s12;
	[sflag:s6] =	ssyncadd.s32 $0xFFFF8000  }
0xda: {  	s18 =	sadd.s32 s17, s4  }
0xdb: {  	[spmem:s7], [sflag:s9] =	dma.local [hbm:s18], $0x8000  }
0xdc: {  	_ =	swait.ge [sflag:s8], $0x8000  }
0xdd: {  	[sflag:s8] =	ssyncset.done $0x0  }
0xde: {  	s19 =	sadd.s32 $0x358000, s11;
	s14 =	sadd.s32 s31, s3;
	[sflag:s8] =	ssyncadd.s32 $0xFFFF8000  }
0xdf: {  	[hbm:s14], [sflag:s10] =	dma.local [spmem:s5], $0x8000  }
0xe0: {  	[hbm:s19], [sflag:s10] =	dma.local [spmem:s5], $0x8000  }
0xe1: {  	_ =	swait.ge [sflag:s10], $0x8000  }
0xe2: {  	[sflag:s10] =	ssyncset.done $0x0  }
0xe3: {  	[sflag:s10] =	ssyncadd.s32 $0xFFFF8000;
	_ =	sdelay $0x2  }
0xe4: {  	_ =	swait.ge [sflag:s10], $0x8000  }
0xe5: {  	[sflag:s10] =	ssyncset.done $0x0  }
0xe6: {  	s20 =	sadd.s32 $0x168000, s12;
	[sflag:s10] =	ssyncadd.s32 $0xFFFF8000  }
0xe7: {  	s21 =	sadd.s32 s20, s4  }
0xe8: {  	[spmem:s5], [sflag:s8] =	dma.local [hbm:s21], $0x8000  }
0xe9: {  	_ =	swait.ge [sflag:s9], $0x8000  }
0xea: {  	[sflag:s9] =	ssyncset.done $0x0  }
0xeb: {  	s22 =	sadd.s32 $0x360000, s11;
	s13 =	sadd.s32 s17, s3;
	[sflag:s9] =	ssyncadd.s32 $0xFFFF8000  }
0xec: {  	[hbm:s13], [sflag:s6] =	dma.local [spmem:s7], $0x8000  }
0xed: {  	[hbm:s22], [sflag:s6] =	dma.local [spmem:s7], $0x8000  }
0xee: {  	_ =	swait.ge [sflag:s6], $0x8000  }
0xef: {  	[sflag:s6] =	ssyncset.done $0x0  }
0xf0: {  	[sflag:s6] =	ssyncadd.s32 $0xFFFF8000;
	_ =	sdelay $0x2  }
0xf1: {  	_ =	swait.ge [sflag:s6], $0x8000  }
0xf2: {  	[sflag:s6] =	ssyncset.done $0x0  }
0xf3: {  	s23 =	sadd.s32 $0x170000, s12;
	[sflag:s6] =	ssyncadd.s32 $0xFFFF8000  }
0xf4: {  	s24 =	sadd.s32 s23, s4  }
0xf5: {  	[spmem:s7], [sflag:s9] =	dma.local [hbm:s24], $0x8000  }
0xf6: {  	_ =	swait.ge [sflag:s8], $0x8000  }
0xf7: {  	[sflag:s8] =	ssyncset.done $0x0  }
0xf8: {  	s25 =	sadd.s32 $0x368000, s11;
	s14 =	sadd.s32 s20, s3;
	[sflag:s8] =	ssyncadd.s32 $0xFFFF8000  }
0xf9: {  	[hbm:s14], [sflag:s10] =	dma.local [spmem:s5], $0x8000  }
0xfa: {  	[hbm:s25], [sflag:s10] =	dma.local [spmem:s5], $0x8000  }
0xfb: {  	_ =	swait.ge [sflag:s10], $0x8000  }
0xfc: {  	[sflag:s10] =	ssyncset.done $0x0  }
0xfd: {  	[sflag:s10] =	ssyncadd.s32 $0xFFFF8000;
	_ =	sdelay $0x2  }
0xfe: {  	_ =	swait.ge [sflag:s10], $0x8000  }
0xff: {  	[sflag:s10] =	ssyncset.done $0x0  }
0x100: {  	s12 =	sadd.s32 $0x178000, s12;
	[sflag:s10] =	ssyncadd.s32 $0xFFFF8000  }
0x101: {  	s26 =	sadd.s32 s12, s4  }
0x102: {  	[spmem:s5], [sflag:s8] =	dma.local [hbm:s26], $0x8000  }
0x103: {  	_ =	swait.ge [sflag:s9], $0x8000  }
0x104: {  	[sflag:s9] =	ssyncset.done $0x0  }
0x105: {  	s28 =	sadd.s32 $0x370000, s11;
	s13 =	sadd.s32 s23, s3;
	[sflag:s9] =	ssyncadd.s32 $0xFFFF8000  }
0x106: {  	[hbm:s13], [sflag:s6] =	dma.local [spmem:s7], $0x8000  }
0x107: {  	[hbm:s28], [sflag:s6] =	dma.local [spmem:s7], $0x8000  }
0x108: {  	_ =	swait.ge [sflag:s6], $0x8000  }
0x109: {  	[sflag:s6] =	ssyncset.done $0x0  }
0x10a: {  	[sflag:s6] =	ssyncadd.s32 $0xFFFF8000;
	_ =	sdelay $0x2  }
0x10b: {  	s29 =	smul.u32 $0x60000, s0;
	_ =	swait.ge [sflag:s6], $0x8000  }
0x10c: {  	[sflag:s6] =	ssyncset.done $0x0  }
0x10d: {  	s30 =	sor.u32 $0x180000, s29;
	[sflag:s6] =	ssyncadd.s32 $0xFFFF8000  }
0x10e: {  	s31 =	sadd.s32 s30, s4  }
0x10f: {  	[spmem:s7], [sflag:s9] =	dma.local [hbm:s31], $0x8000  }
0x110: {  	_ =	swait.ge [sflag:s8], $0x8000  }
0x111: {  	[sflag:s8] =	ssyncset.done $0x0  }
0x112: {  	s12 =	sadd.s32 s12, s3;
	s11 =	sadd.s32 $0x378000, s11;
	[sflag:s8] =	ssyncadd.s32 $0xFFFF8000  }
0x113: {  	[hbm:s12], [sflag:s10] =	dma.local [spmem:s5], $0x8000  }
0x114: {  	[hbm:s11], [sflag:s10] =	dma.local [spmem:s5], $0x8000  }
0x115: {  	_ =	swait.ge [sflag:s10], $0x8000  }
0x116: {  	[sflag:s10] =	ssyncset.done $0x0  }
0x117: {  	[sflag:s10] =	ssyncadd.s32 $0xFFFF8000;
	_ =	sdelay $0x2  }
0x118: {  	_ =	swait.ge [sflag:s10], $0x8000  }
0x119: {  	[sflag:s10] =	ssyncset.done $0x0  }
0x11a: {  	s16 =	sor.u32 $0x188000, s29;
	[sflag:s10] =	ssyncadd.s32 $0xFFFF8000  }
0x11b: {  	s17 =	sadd.s32 s16, s4  }
0x11c: {  	[spmem:s5], [sflag:s8] =	dma.local [hbm:s17], $0x8000  }
0x11d: {  	_ =	swait.ge [sflag:s9], $0x8000  }
0x11e: {  	s19 =	sadd.s32 s29, s3;
	[sflag:s9] =	ssyncset.done $0x0  }
0x11f: {  	s18 =	sadd.s32 s30, s3;
	s20 =	sadd.s32 $0x380000, s19;
	[sflag:s9] =	ssyncadd.s32 $0xFFFF8000  }
0x120: {  	[hbm:s18], [sflag:s6] =	dma.local [spmem:s7], $0x8000  }
0x121: {  	[hbm:s20], [sflag:s6] =	dma.local [spmem:s7], $0x8000  }
0x122: {  	_ =	swait.ge [sflag:s6], $0x8000  }
0x123: {  	[sflag:s6] =	ssyncset.done $0x0  }
0x124: {  	[sflag:s6] =	ssyncadd.s32 $0xFFFF8000;
	_ =	sdelay $0x2  }
0x125: {  	_ =	swait.ge [sflag:s6], $0x8000  }
0x126: {  	[sflag:s6] =	ssyncset.done $0x0  }
0x127: {  	s21 =	sor.u32 $0x190000, s29;
	[sflag:s6] =	ssyncadd.s32 $0xFFFF8000  }
0x128: {  	s22 =	sadd.s32 s21, s4  }
0x129: {  	[spmem:s7], [sflag:s9] =	dma.local [hbm:s22], $0x8000  }
0x12a: {  	_ =	swait.ge [sflag:s8], $0x8000  }
0x12b: {  	[sflag:s8] =	ssyncset.done $0x0  }
0x12c: {  	s23 =	sadd.s32 $0x388000, s19;
	s11 =	sadd.s32 s16, s3;
	[sflag:s8] =	ssyncadd.s32 $0xFFFF8000  }
0x12d: {  	[hbm:s11], [sflag:s10] =	dma.local [spmem:s5], $0x8000  }
0x12e: {  	[hbm:s23], [sflag:s10] =	dma.local [spmem:s5], $0x8000  }
0x12f: {  	_ =	swait.ge [sflag:s10], $0x8000  }
0x130: {  	[sflag:s10] =	ssyncset.done $0x0  }
0x131: {  	[sflag:s10] =	ssyncadd.s32 $0xFFFF8000;
	_ =	sdelay $0x2  }
0x132: {  	_ =	swait.ge [sflag:s10], $0x8000  }
0x133: {  	[sflag:s10] =	ssyncset.done $0x0  }
0x134: {  	s24 =	sor.u32 $0x198000, s29;
	[sflag:s10] =	ssyncadd.s32 $0xFFFF8000  }
0x135: {  	s4 =	sadd.s32 s24, s4  }
0x136: {  	[spmem:s5], [sflag:s8] =	dma.local [hbm:s4], $0x8000  }
0x137: {  	_ =	swait.ge [sflag:s9], $0x8000  }
0x138: {  	[sflag:s9] =	ssyncset.done $0x0  }
0x139: {  	s25 =	sadd.s32 s21, s3;
	s26 =	sadd.s32 $0x390000, s19;
	[sflag:s9] =	ssyncadd.s32 $0xFFFF8000  }
0x13a: {  	[hbm:s25], [sflag:s6] =	dma.local [spmem:s7], $0x8000  }
0x13b: {  	[hbm:s26], [sflag:s6] =	dma.local [spmem:s7], $0x8000  }
0x13c: {  	_ =	swait.ge [sflag:s8], $0x8000  }
0x13d: {  	[sflag:s8] =	ssyncset.done $0x0  }
0x13e: {  	s28 =	sadd.s32 $0x398000, s19;
	s3 =	sadd.s32 s24, s3;
	[sflag:s8] =	ssyncadd.s32 $0xFFFF8000  }
0x13f: {  	[hbm:s3], [sflag:s10] =	dma.local [spmem:s5], $0x8000  }
0x140: {  	[hbm:s28], [sflag:s10] =	dma.local [spmem:s5], $0x8000  }
0x141: {  	_ =	swait.ge [sflag:s6], $0x8000  }
0x142: {  	[sflag:s6] =	ssyncset.done $0x0  }
0x143: {  	[sflag:s6] =	ssyncadd.s32 $0xFFFF8000;
	_ =	sdelay $0x2  }
0x144: {  	_ =	swait.ge [sflag:s6], $0x8000  }
0x145: {  	[sflag:s6] =	ssyncset.done $0x0  }
0x146: {  	[sflag:s6] =	ssyncadd.s32 $0xFFFF8000;
	_ =	sdelay $0x2  }
0x147: {  	_ =	swait.ge [sflag:s10], $0x8000  }
0x148: {  	[sflag:s10] =	ssyncset.done $0x0  }
0x149: {  	[sflag:s10] =	ssyncadd.s32 $0xFFFF8000;
	_ =	sdelay $0x2  }
0x14a: {  	_ =	swait.ge [sflag:s10], $0x8000  }
0x14b: {  	[sflag:s10] =	ssyncset.done $0x0  }
0x14c: {  	[sflag:s10] =	ssyncadd.s32 $0xFFFF8000  }
0x14d: {  	_ =	strace $0x90000046  }
0x14e: {  	s29 =	simm.s32 $0x9;
	_ =	strace $0x80000048  }
0x14f: {  	_ =	swait.ge [sflag:s29], $0x1  }
0x150: {  	[sflag:s29] =	ssyncadd.s32 $0xFFFFFFFF  }
0x151: {  	_ =	strace $0x90000048  }
0x152: {  	_ =	sfence  }
0x153: {  	s30 =	sld [smem:$0x0];
	_ =	sdelay $0x2  }
0x154: {  	s31 =	sshll.u32 s2, $0xD;
	s2 =	sshrl.u32 s2, $0x2  }
0x155: {  	s4 =	sand.u32 $0x4000, s31;
	s2 =	sadd.s32 s2, s30  }
0x156: {  	s0 =	sor.u32 s4, s0;
	s2 =	sshll.u32 s2, $0x11  }
0x157: {  	s0 =	sor.u32 s2, s0  }
0x158: {  	s0 =	sadd.s32 $0x8F2B, s0  }
0x159: {  	[sflag:s0] =	ssyncadd.remote.s32 $0x1  }
0x15a: {  	_ =	sfence.sel $0xFFFF  }
0x15b: {  	[dreg:$0x0] =	wrdreg $0xFFFFFFFF;
	(pc) =	sbr.abs _section_cstart, $3  }
0x15c: {  	[dreg:$0x1] =	wrdreg $0xFFFFFFFF  }
0x15d: {  	_ =	task.clear_ibuf [dreg:s1], $0x2FFFF;
	_ =	strace $0x9FFFFFFF  }
0x15e: {  	(tm) =	ssettm $0x7FFFFFFF  }
0x15f: {  	_ =	shalt  }
tec
execute0_lowered:
.L_overlay_start_1:
0x0: {  	(tag) =	ssettag $0x1  }
0x1: {  	s4 =	rddreg [dreg:$0x0];
	s0 =	srdreg.scid  }
0x2: {  	s2 =	stileid.u32;
	s1 =	rddreg [dreg:$0x1]  }
0x3: {  	s0 =	sand.u32 $0x1, s0;
	s3 =	sshll.u32 s2, $0x1;
	s2 =	simm.s32 $0x0  }
0x4: {  	p1 =	por $0x0, $0x0;
	s3 =	sor.u32 s0, s3;
	[smem:$0x7FF] =	sst s2  }
0x5: {  	s0 =	ssub.s32 $0x2, s0;
	s5 =	smul.u32 $0xA000, s3;
	_ =	strace $0x80000047  }
0x6: {  	s8 =	smul.u32 $0x50000, s3;
	s11 =	sshrl.u32 s0, $0x1;
	p0 =	sne.s32 s3, $0x0  }
0x7: {  	s3 =	simm.s32 $0x5;
	s0 =	ssub.s32 s0, s11;
	s6 =	sadd.s32 s4, s5  }
0x8: {  	s7 =	sor.u32 $0xF00, s5;
	s9 =	sor.u32 $0x1E00, s5;
	s8 =	sshrl.u32 s8, $0x3  }
0x9: {  	s5 =	sadd.s32 s1, s5;
	s0 =	smax.u32 s0, $0x1;
	[dreg:$0x3] =	wrdreg s6  }
0xa: {  	s18 =	sadd.s32 s4, s7;
	s19 =	sadd.s32 s4, s9;
	s6 =	sadd.s32 s1, s8  }
0xb: {  	[dreg:$0x6] =	wrdreg s5;
	s10 =	sadd.s32 $0x2D00, s8;
	s22 =	sadd.s32 s1, s7  }
0xc: {  	s24 =	sadd.s32 $0x3C00, s8;
	s26 =	sadd.s32 s1, s9;
	s12 =	sadd.s32 $0x4B00, s8  }
0xd: {  	s15 =	sadd.s32 $0x5A00, s8;
	s16 =	sadd.s32 $0x6900, s8;
	[dreg:$0x4] =	wrdreg s18  }
0xe: {  	s17 =	sadd.s32 $0x7800, s8;
	[dreg:$0x5] =	wrdreg s19;
	s20 =	sadd.s32 $0x200000, s6  }
0xf: {  	s21 =	sadd.s32 s4, s10;
	[dreg:$0x9] =	wrdreg s22;
	s23 =	sadd.s32 $0x200F00, s6  }
0x10: {  	s25 =	sadd.s32 s4, s24;
	[dreg:$0xc] =	wrdreg s26;
	s9 =	sadd.s32 $0x201E00, s6  }
0x11: {  	s13 =	sadd.s32 s4, s12;
	s14 =	sadd.s32 s1, s10;
	s31 =	sadd.s32 $0x202D00, s6  }
0x12: {  	s30 =	sadd.s32 s4, s15;
	s28 =	sadd.s32 s1, s24;
	[dreg:$0x7] =	wrdreg s20  }
0x13: {  	s29 =	sadd.s32 $0x203C00, s6;
	s26 =	sadd.s32 s4, s16;
	[dreg:$0x8] =	wrdreg s21  }
0x14: {  	s24 =	sadd.s32 s1, s12;
	s18 =	sadd.s32 $0x8700, s8;
	[dreg:$0xa] =	wrdreg s23  }
0x15: {  	s22 =	sadd.s32 $0x9600, s8;
	s10 =	sadd.s32 s1, s17;
	[dreg:$0xb] =	wrdreg s25  }
0x16: {  	s11 =	sadd.s32 $0x207800, s6;
	s8 =	sadd.s32 $0x208700, s6;
	[dreg:$0xd] =	wrdreg s9  }
0x17: {  	[dreg:$0xe] =	wrdreg s13;
	s20 =	sadd.s32 s1, s15;
	s15 =	sadd.s32 s1, s16  }
0x18: {  	s7 =	sadd.s32 s1, s18;
	s5 =	sadd.s32 s1, s22;
	s1 =	sadd.s32 $0xFFFFFFFF, s0  }
0x19: {  	s12 =	simm.s32 $0x6;
	[dreg:$0xf] =	wrdreg s14;
	p2 =	sne.s32 s1, $0x0  }
.Ltmp0:
0x1a: {  	s25 =	sadd.s32 $0x204B00, s6;
	s23 =	sadd.s32 s4, s17;
	(pc) =	sbr.rel @!p2 .LBB2_3-.Ltmp0, $4  }
0x1b: {  	s21 =	sadd.s32 $0x205A00, s6;
	s19 =	sadd.s32 s4, s18;
	s16 =	sadd.s32 $0x206900, s6  }
0x1c: {  	s13 =	sadd.s32 s4, s22;
	s6 =	sadd.s32 $0x209600, s6;
	s9 =	simm.s32 $0x7800  }
0x1d: {  	s17 =	simm.s32 $0xF000;
	s18 =	simm.s32 $0x1;
	s4 =	simm.s32 $0x4  }
0x1e: {  	s14 =	simm.s32 $0x2;
	s22 =	simm.s32 $0x3;
	s0 =	rddreg [dreg:$0x3]  }
0x1f: {  	[dreg:$0x10] =	wrdreg s1  }
0x20: {  	[tilespmem:s2], [sflag:$0x1] =	stream.linear.gather [hbm4b:s0+s2], $0x7800, $0x38;
	[tilespmem:$0x1E800] =	vst v63  }
0x21: {  	s1 =	rddreg [dreg:$0x4]  }
0x22: {  	[tilespmem:s9], [sflag:$0x2] =	stream.linear.gather [hbm4b:s1+s2], $0x7800, $0x38;
	[tilespmem:$0x1E800] =	vst v63  }
0x23: {  	s0 =	rddreg [dreg:$0x5]  }
0x24: {  	[tilespmem:s17], [sflag:$0x3] =	stream.linear.gather [hbm4b:s0+s2], $0x7800, $0x38;
	[tilespmem:$0x1E800] =	vst v63  }
0x25: {  	_ =	swait.ge [sflag:s18], $0x7800  }
0x26: {  	[sflag:s18] =	ssyncset.done $0x0  }
0x27: {  	[sflag:s18] =	ssyncadd.s32 $0xFFFF8800  }
0x28: {  	v0 =	vld @!p0 [tilespmem:$0x0];
	_ =	sdelay $0x2  }
0x29: {  	v1 =	vlaneseq.u32 @!p0  }
0x2a: {  	vm0 =	veq.s32 @!p0 v1, $0x0  }
0x2b: {  	v0 =	vsel @!p0 vm0, $0x42C80000, v0  }
0x2c: {  	s0 =	rddreg [dreg:$0x6];
	[tilespmem:$0x0] =	vst @!p0 v0  }
0x2d: {  	[hbm4b:s0+s2] =	stream.linear.scatter [tilespmem:s2], [sflag:$0x4], $0x7800, $0x38;
	[tilespmem:$0x1E800] =	vst v63  }
0x2e: {  	s1 =	rddreg [dreg:$0x7]  }
0x2f: {  	[hbm4b:s1+s2] =	stream.linear.scatter [tilespmem:s2], [sflag:$0x4], $0x7800, $0x38;
	[tilespmem:$0x1E800] =	vst v63  }
0x30: {  	_ =	swait.ge [sflag:s4], $0x7800  }
0x31: {  	[sflag:s4] =	ssyncset.done $0x0  }
0x32: {  	[sflag:s4] =	ssyncadd.s32 $0xFFFF8800  }
0x33: {  	_ =	swait.ge [sflag:s4], $0x7800  }
0x34: {  	[sflag:s4] =	ssyncset.done $0x0  }
0x35: {  	s1 =	rddreg [dreg:$0x8];
	[sflag:s4] =	ssyncadd.s32 $0xFFFF8800  }
0x36: {  	[tilespmem:s2], [sflag:$0x1] =	stream.linear.gather [hbm4b:s1+s2], $0x7800, $0x38;
	[tilespmem:$0x1E800] =	vst v63  }
0x37: {  	_ =	swait.ge [sflag:s14], $0x7800  }
0x38: {  	[sflag:s14] =	ssyncset.done $0x0  }
0x39: {  	s0 =	rddreg [dreg:$0x9];
	[sflag:s14] =	ssyncadd.s32 $0xFFFF8800  }
0x3a: {  	[hbm4b:s0+s2] =	stream.linear.scatter [tilespmem:s9], [sflag:$0x5], $0x7800, $0x38;
	[tilespmem:$0x1E800] =	vst v63  }
0x3b: {  	s1 =	rddreg [dreg:$0xa]  }
0x3c: {  	[hbm4b:s1+s2] =	stream.linear.scatter [tilespmem:s9], [sflag:$0x5], $0x7800, $0x38;
	[tilespmem:$0x1E800] =	vst v63  }
0x3d: {  	_ =	swait.ge [sflag:s3], $0x7800  }
0x3e: {  	[sflag:s3] =	ssyncset.done $0x0  }
0x3f: {  	[sflag:s3] =	ssyncadd.s32 $0xFFFF8800  }
0x40: {  	_ =	swait.ge [sflag:s3], $0x7800  }
0x41: {  	[sflag:s3] =	ssyncset.done $0x0  }
0x42: {  	s1 =	rddreg [dreg:$0xb];
	[sflag:s3] =	ssyncadd.s32 $0xFFFF8800  }
0x43: {  	[tilespmem:s9], [sflag:$0x2] =	stream.linear.gather [hbm4b:s1+s2], $0x7800, $0x38;
	[tilespmem:$0x1E800] =	vst v63  }
0x44: {  	_ =	swait.ge [sflag:s22], $0x7800  }
0x45: {  	[sflag:s22] =	ssyncset.done $0x0  }
0x46: {  	s0 =	rddreg [dreg:$0xc];
	[sflag:s22] =	ssyncadd.s32 $0xFFFF8800  }
0x47: {  	[hbm4b:s0+s2] =	stream.linear.scatter [tilespmem:s17], [sflag:$0x6], $0x7800, $0x38;
	[tilespmem:$0x1E800] =	vst v63  }
0x48: {  	s1 =	rddreg [dreg:$0xd]  }
0x49: {  	[hbm4b:s1+s2] =	stream.linear.scatter [tilespmem:s17], [sflag:$0x6], $0x7800, $0x38;
	[tilespmem:$0x1E800] =	vst v63  }
0x4a: {  	_ =	swait.ge [sflag:s12], $0x7800  }
0x4b: {  	[sflag:s12] =	ssyncset.done $0x0  }
0x4c: {  	[sflag:s12] =	ssyncadd.s32 $0xFFFF8800  }
0x4d: {  	_ =	swait.ge [sflag:s12], $0x7800  }
0x4e: {  	[sflag:s12] =	ssyncset.done $0x0  }
0x4f: {  	s1 =	rddreg [dreg:$0xe];
	[sflag:s12] =	ssyncadd.s32 $0xFFFF8800  }
0x50: {  	[tilespmem:s17], [sflag:$0x3] =	stream.linear.gather [hbm4b:s1+s2], $0x7800, $0x38;
	[tilespmem:$0x1E800] =	vst v63  }
0x51: {  	_ =	swait.ge [sflag:s18], $0x7800  }
0x52: {  	[sflag:s18] =	ssyncset.done $0x0  }
0x53: {  	s1 =	rddreg [dreg:$0xf];
	[sflag:s18] =	ssyncadd.s32 $0xFFFF8800  }
0x54: {  	[hbm4b:s1+s2] =	stream.linear.scatter [tilespmem:s2], [sflag:$0x4], $0x7800, $0x38;
	[tilespmem:$0x1E800] =	vst v63  }
0x55: {  	_ = 	snop  }
0x56: {  	[hbm4b:s31+s2] =	stream.linear.scatter [tilespmem:s2], [sflag:$0x4], $0x7800, $0x38;
	[tilespmem:$0x1E800] =	vst v63  }
0x57: {  	_ =	swait.ge [sflag:s4], $0x7800  }
0x58: {  	[sflag:s4] =	ssyncset.done $0x0  }
0x59: {  	[sflag:s4] =	ssyncadd.s32 $0xFFFF8800  }
0x5a: {  	_ =	swait.ge [sflag:s4], $0x7800  }
0x5b: {  	[sflag:s4] =	ssyncset.done $0x0  }
0x5c: {  	[sflag:s4] =	ssyncadd.s32 $0xFFFF8800  }
0x5d: {  	[tilespmem:s2], [sflag:$0x1] =	stream.linear.gather [hbm4b:s30+s2], $0x7800, $0x38;
	[tilespmem:$0x1E800] =	vst v63  }
0x5e: {  	_ =	swait.ge [sflag:s14], $0x7800  }
0x5f: {  	[sflag:s14] =	ssyncset.done $0x0  }
0x60: {  	[sflag:s14] =	ssyncadd.s32 $0xFFFF8800  }
0x61: {  	[hbm4b:s28+s2] =	stream.linear.scatter [tilespmem:s9], [sflag:$0x5], $0x7800, $0x38;
	[tilespmem:$0x1E800] =	vst v63  }
0x62: {  	_ = 	snop  }
0x63: {  	[hbm4b:s29+s2] =	stream.linear.scatter [tilespmem:s9], [sflag:$0x5], $0x7800, $0x38;
	[tilespmem:$0x1E800] =	vst v63  }
0x64: {  	_ =	swait.ge [sflag:s3], $0x7800  }
0x65: {  	[sflag:s3] =	ssyncset.done $0x0  }
0x66: {  	[sflag:s3] =	ssyncadd.s32 $0xFFFF8800  }
0x67: {  	_ =	swait.ge [sflag:s3], $0x7800  }
0x68: {  	[sflag:s3] =	ssyncset.done $0x0  }
0x69: {  	[sflag:s3] =	ssyncadd.s32 $0xFFFF8800  }
0x6a: {  	[tilespmem:s9], [sflag:$0x2] =	stream.linear.gather [hbm4b:s26+s2], $0x7800, $0x38;
	[tilespmem:$0x1E800] =	vst v63  }
0x6b: {  	_ =	swait.ge [sflag:s22], $0x7800  }
0x6c: {  	[sflag:s22] =	ssyncset.done $0x0  }
0x6d: {  	[sflag:s22] =	ssyncadd.s32 $0xFFFF8800  }
0x6e: {  	[hbm4b:s24+s2] =	stream.linear.scatter [tilespmem:s17], [sflag:$0x6], $0x7800, $0x38;
	[tilespmem:$0x1E800] =	vst v63  }
0x6f: {  	_ = 	snop  }
0x70: {  	[hbm4b:s25+s2] =	stream.linear.scatter [tilespmem:s17], [sflag:$0x6], $0x7800, $0x38;
	[tilespmem:$0x1E800] =	vst v63  }
0x71: {  	_ =	swait.ge [sflag:s12], $0x7800  }
0x72: {  	[sflag:s12] =	ssyncset.done $0x0  }
0x73: {  	[sflag:s12] =	ssyncadd.s32 $0xFFFF8800  }
0x74: {  	_ =	swait.ge [sflag:s12], $0x7800  }
0x75: {  	[sflag:s12] =	ssyncset.done $0x0  }
0x76: {  	[sflag:s12] =	ssyncadd.s32 $0xFFFF8800  }
0x77: {  	[tilespmem:s17], [sflag:$0x3] =	stream.linear.gather [hbm4b:s23+s2], $0x7800, $0x38;
	[tilespmem:$0x1E800] =	vst v63  }
0x78: {  	_ =	swait.ge [sflag:s18], $0x7800  }
0x79: {  	[sflag:s18] =	ssyncset.done $0x0  }
0x7a: {  	[sflag:s18] =	ssyncadd.s32 $0xFFFF8800  }
0x7b: {  	[hbm4b:s20+s2] =	stream.linear.scatter [tilespmem:s2], [sflag:$0x4], $0x7800, $0x38;
	[tilespmem:$0x1E800] =	vst v63  }
0x7c: {  	_ = 	snop  }
0x7d: {  	[hbm4b:s21+s2] =	stream.linear.scatter [tilespmem:s2], [sflag:$0x4], $0x7800, $0x38;
	[tilespmem:$0x1E800] =	vst v63  }
0x7e: {  	_ =	swait.ge [sflag:s4], $0x7800  }
0x7f: {  	[sflag:s4] =	ssyncset.done $0x0  }
0x80: {  	[sflag:s4] =	ssyncadd.s32 $0xFFFF8800  }
0x81: {  	_ =	swait.ge [sflag:s4], $0x7800  }
0x82: {  	[sflag:s4] =	ssyncset.done $0x0  }
0x83: {  	[sflag:s4] =	ssyncadd.s32 $0xFFFF8800  }
0x84: {  	[tilespmem:s2], [sflag:$0x1] =	stream.linear.gather [hbm4b:s19+s2], $0x7800, $0x38;
	[tilespmem:$0x1E800] =	vst v63  }
0x85: {  	_ =	swait.ge [sflag:s14], $0x7800  }
0x86: {  	[sflag:s14] =	ssyncset.done $0x0  }
0x87: {  	[sflag:s14] =	ssyncadd.s32 $0xFFFF8800  }
0x88: {  	[hbm4b:s15+s2] =	stream.linear.scatter [tilespmem:s9], [sflag:$0x5], $0x7800, $0x38;
	[tilespmem:$0x1E800] =	vst v63  }
0x89: {  	_ = 	snop  }
0x8a: {  	[hbm4b:s16+s2] =	stream.linear.scatter [tilespmem:s9], [sflag:$0x5], $0x7800, $0x38;
	[tilespmem:$0x1E800] =	vst v63  }
0x8b: {  	_ =	swait.ge [sflag:s3], $0x7800  }
0x8c: {  	[sflag:s3] =	ssyncset.done $0x0  }
0x8d: {  	[sflag:s3] =	ssyncadd.s32 $0xFFFF8800  }
0x8e: {  	_ =	swait.ge [sflag:s3], $0x7800  }
0x8f: {  	[sflag:s3] =	ssyncset.done $0x0  }
0x90: {  	[sflag:s3] =	ssyncadd.s32 $0xFFFF8800  }
0x91: {  	[tilespmem:s9], [sflag:$0x2] =	stream.linear.gather [hbm4b:s13+s2], $0x5000, $0x38;
	[tilespmem:$0x1E800] =	vst v63  }
0x92: {  	_ =	swait.ge [sflag:s22], $0x7800  }
0x93: {  	[sflag:s22] =	ssyncset.done $0x0  }
0x94: {  	[sflag:s22] =	ssyncadd.s32 $0xFFFF8800  }
0x95: {  	[hbm4b:s10+s2] =	stream.linear.scatter [tilespmem:s17], [sflag:$0x6], $0x7800, $0x38;
	[tilespmem:$0x1E800] =	vst v63  }
0x96: {  	_ = 	snop  }
0x97: {  	[hbm4b:s11+s2] =	stream.linear.scatter [tilespmem:s17], [sflag:$0x6], $0x7800, $0x38;
	[tilespmem:$0x1E800] =	vst v63  }
0x98: {  	_ =	swait.ge [sflag:s18], $0x7800  }
0x99: {  	[sflag:s18] =	ssyncset.done $0x0  }
0x9a: {  	[sflag:s18] =	ssyncadd.s32 $0xFFFF8800  }
0x9b: {  	[hbm4b:s7+s2] =	stream.linear.scatter [tilespmem:s2], [sflag:$0x4], $0x7800, $0x38;
	[tilespmem:$0x1E800] =	vst v63  }
0x9c: {  	_ = 	snop  }
0x9d: {  	[hbm4b:s8+s2] =	stream.linear.scatter [tilespmem:s2], [sflag:$0x4], $0x7800, $0x38;
	[tilespmem:$0x1E800] =	vst v63  }
0x9e: {  	_ =	swait.ge [sflag:s14], $0x5000  }
0x9f: {  	[sflag:s14] =	ssyncset.done $0x0  }
0xa0: {  	[sflag:s14] =	ssyncadd.s32 $0xFFFFB000  }
0xa1: {  	[hbm4b:s5+s2] =	stream.linear.scatter [tilespmem:s9], [sflag:$0x5], $0x5000, $0x38;
	[tilespmem:$0x1E800] =	vst v63  }
0xa2: {  	_ = 	snop  }
0xa3: {  	[hbm4b:s6+s2] =	stream.linear.scatter [tilespmem:s9], [sflag:$0x5], $0x5000, $0x38;
	[tilespmem:$0x1E800] =	vst v63  }
0xa4: {  	_ =	swait.ge [sflag:s12], $0x7800  }
0xa5: {  	[sflag:s12] =	ssyncset.done $0x0  }
0xa6: {  	[sflag:s12] =	ssyncadd.s32 $0xFFFF8800  }
0xa7: {  	_ =	swait.ge [sflag:s12], $0x7800  }
0xa8: {  	[sflag:s12] =	ssyncset.done $0x0  }
0xa9: {  	[sflag:s12] =	ssyncadd.s32 $0xFFFF8800  }
0xaa: {  	_ =	swait.ge [sflag:s4], $0x7800  }
0xab: {  	[sflag:s4] =	ssyncset.done $0x0  }
0xac: {  	[sflag:s4] =	ssyncadd.s32 $0xFFFF8800  }
0xad: {  	_ =	swait.ge [sflag:s4], $0x7800  }
0xae: {  	[sflag:s4] =	ssyncset.done $0x0  }
0xaf: {  	[sflag:s4] =	ssyncadd.s32 $0xFFFF8800  }
0xb0: {  	_ =	swait.ge [sflag:s3], $0x5000  }
0xb1: {  	s1 =	rddreg [dreg:$0x10]  }
0xb2: {  	s1 =	sadd.s32 $0xFFFFFFFF, s1  }
0xb3: {  	p2 =	sne.s32 s1, $0x0  }
.Ltmp1:
0xb4: {  	_ = 	snop;
	(pc) =	sbr.rel @!p2 .LBB2_3-.Ltmp1, $4  }
0xb5: {  	[sflag:s3] =	ssyncset.done $0x0  }
0xb6: {  	[sflag:s3] =	ssyncadd.s32 $0xFFFFB000  }
0xb7: {  	_ =	swait.ge [sflag:s3], $0x5000  }
0xb8: {  	p1 =	por $0x1, $0x1;
	s0 =	rddreg [dreg:$0x3];
	[sflag:s3] =	ssyncset.done $0x0  }
.LBB2_2:
0xb9: {  	[sflag:s3] =	ssyncadd.s32 $0xFFFFB000;
	s14 =	simm.s32 $0x7800  }
0xba: {  	s17 =	smov.u32 s31;
	s31 =	smov.u32 s30;
	s30 =	smov.u32 s29  }
0xbb: {  	s29 =	smov.u32 s28;
	s28 =	smov.u32 s26;
	s26 =	smov.u32 s25  }
0xbc: {  	s25 =	smov.u32 s24;
	s24 =	smov.u32 s23;
	s23 =	smov.u32 s21  }
0xbd: {  	s21 =	smov.u32 s20;
	s20 =	smov.u32 s19;
	s19 =	smov.u32 s16  }
0xbe: {  	s16 =	smov.u32 s15;
	s15 =	smov.u32 s13;
	s13 =	smov.u32 s11  }
0xbf: {  	s11 =	smov.u32 s10;
	s10 =	smov.u32 s8;
	s8 =	smov.u32 s7  }
0xc0: {  	[tilespmem:s2], [sflag:$0x1] =	stream.linear.gather [hbm4b:s0+s2], $0x7800, $0x38;
	[tilespmem:$0x1E800] =	vst v63  }
0xc1: {  	s7 =	smov.u32 s6;
	s6 =	smov.u32 s5;
	s5 =	rddreg [dreg:$0x4]  }
0xc2: {  	[tilespmem:s14], [sflag:$0x2] =	stream.linear.gather [hbm4b:s5+s2], $0x7800, $0x38;
	[tilespmem:$0x1E800] =	vst v63  }
0xc3: {  	s12 =	simm.s32 $0x1;
	s22 =	simm.s32 $0xF000;
	s0 =	rddreg [dreg:$0x5]  }
0xc4: {  	[tilespmem:s22], [sflag:$0x3] =	stream.linear.gather [hbm4b:s0+s2], $0x7800, $0x38;
	[tilespmem:$0x1E800] =	vst v63  }
0xc5: {  	_ =	swait.ge [sflag:s12], $0x7800  }
0xc6: {  	[sflag:s12] =	ssyncset.done $0x0  }
0xc7: {  	[sflag:s12] =	ssyncadd.s32 $0xFFFF8800  }
0xc8: {  	v0 =	vld @!p0 [tilespmem:$0x0];
	_ =	sdelay $0x4  }
0xc9: {  	v0 =	vsel @!p0 vm0, $0x42C80000, v0  }
0xca: {  	s0 =	rddreg [dreg:$0x6];
	[tilespmem:$0x0] =	vst @!p0 v0  }
0xcb: {  	[hbm4b:s0+s2] =	stream.linear.scatter [tilespmem:s2], [sflag:$0x4], $0x7800, $0x38;
	[tilespmem:$0x1E800] =	vst v63  }
0xcc: {  	s5 =	rddreg [dreg:$0x7]  }
0xcd: {  	[hbm4b:s5+s2] =	stream.linear.scatter [tilespmem:s2], [sflag:$0x4], $0x7800, $0x38;
	[tilespmem:$0x1E800] =	vst v63  }
0xce: {  	_ =	swait.ge [sflag:s4], $0x7800  }
0xcf: {  	[sflag:s4] =	ssyncset.done $0x0  }
0xd0: {  	[sflag:s4] =	ssyncadd.s32 $0xFFFF8800  }
0xd1: {  	_ =	swait.ge [sflag:s4], $0x7800  }
0xd2: {  	[sflag:s4] =	ssyncset.done $0x0  }
0xd3: {  	s18 =	simm.s32 $0x2;
	s5 =	rddreg [dreg:$0x8];
	[sflag:s4] =	ssyncadd.s32 $0xFFFF8800  }
0xd4: {  	[tilespmem:s2], [sflag:$0x1] =	stream.linear.gather [hbm4b:s5+s2], $0x7800, $0x38;
	[tilespmem:$0x1E800] =	vst v63  }
0xd5: {  	_ =	swait.ge [sflag:s18], $0x7800  }
0xd6: {  	[sflag:s18] =	ssyncset.done $0x0  }
0xd7: {  	s0 =	rddreg [dreg:$0x9];
	[sflag:s18] =	ssyncadd.s32 $0xFFFF8800  }
0xd8: {  	[hbm4b:s0+s2] =	stream.linear.scatter [tilespmem:s14], [sflag:$0x5], $0x7800, $0x38;
	[tilespmem:$0x1E800] =	vst v63  }
0xd9: {  	s5 =	rddreg [dreg:$0xa]  }
0xda: {  	[hbm4b:s5+s2] =	stream.linear.scatter [tilespmem:s14], [sflag:$0x5], $0x7800, $0x38;
	[tilespmem:$0x1E800] =	vst v63  }
0xdb: {  	_ =	swait.ge [sflag:s3], $0x7800  }
0xdc: {  	[sflag:s3] =	ssyncset.done $0x0  }
0xdd: {  	[sflag:s3] =	ssyncadd.s32 $0xFFFF8800  }
0xde: {  	_ =	swait.ge [sflag:s3], $0x7800  }
0xdf: {  	[sflag:s3] =	ssyncset.done $0x0  }
0xe0: {  	s9 =	simm.s32 $0x3;
	s5 =	rddreg [dreg:$0xb];
	[sflag:s3] =	ssyncadd.s32 $0xFFFF8800  }
0xe1: {  	[tilespmem:s14], [sflag:$0x2] =	stream.linear.gather [hbm4b:s5+s2], $0x7800, $0x38;
	[tilespmem:$0x1E800] =	vst v63  }
0xe2: {  	_ =	swait.ge [sflag:s9], $0x7800  }
0xe3: {  	[sflag:s9] =	ssyncset.done $0x0  }
0xe4: {  	s0 =	rddreg [dreg:$0xc];
	[sflag:s9] =	ssyncadd.s32 $0xFFFF8800  }
0xe5: {  	[hbm4b:s0+s2] =	stream.linear.scatter [tilespmem:s22], [sflag:$0x6], $0x7800, $0x38;
	[tilespmem:$0x1E800] =	vst v63  }
0xe6: {  	s5 =	rddreg [dreg:$0xd]  }
0xe7: {  	[hbm4b:s5+s2] =	stream.linear.scatter [tilespmem:s22], [sflag:$0x6], $0x7800, $0x38;
	[tilespmem:$0x1E800] =	vst v63  }
0xe8: {  	s12 =	simm.s32 $0x6;
	s18 =	simm.s32 $0x1;
	s5 =	smov.u32 s6  }
0xe9: {  	s6 =	smov.u32 s7;
	s7 =	smov.u32 s8;
	s8 =	smov.u32 s10  }
0xea: {  	s10 =	smov.u32 s11;
	s11 =	smov.u32 s13;
	s13 =	smov.u32 s15  }
0xeb: {  	s15 =	smov.u32 s16;
	s16 =	smov.u32 s19;
	s19 =	smov.u32 s20  }
0xec: {  	s20 =	smov.u32 s21;
	s21 =	smov.u32 s23;
	_ =	swait.ge [sflag:s12], $0x7800  }
0xed: {  	s23 =	smov.u32 s24;
	s24 =	smov.u32 s25;
	[sflag:s12] =	ssyncset.done $0x0  }
0xee: {  	s25 =	smov.u32 s26;
	s26 =	smov.u32 s28;
	[sflag:s12] =	ssyncadd.s32 $0xFFFF8800  }
0xef: {  	s28 =	smov.u32 s29;
	s29 =	smov.u32 s30;
	_ =	swait.ge [sflag:s12], $0x7800  }
0xf0: {  	s30 =	smov.u32 s31;
	s31 =	smov.u32 s17;
	[sflag:s12] =	ssyncset.done $0x0  }
0xf1: {  	s17 =	simm.s32 $0xF000;
	s0 =	rddreg [dreg:$0xe];
	[sflag:s12] =	ssyncadd.s32 $0xFFFF8800  }
0xf2: {  	[tilespmem:s17], [sflag:$0x3] =	stream.linear.gather [hbm4b:s0+s2], $0x7800, $0x38;
	[tilespmem:$0x1E800] =	vst v63  }
0xf3: {  	_ =	swait.ge [sflag:s18], $0x7800  }
0xf4: {  	[sflag:s18] =	ssyncset.done $0x0  }
0xf5: {  	s0 =	rddreg [dreg:$0xf];
	[sflag:s18] =	ssyncadd.s32 $0xFFFF8800  }
0xf6: {  	[hbm4b:s0+s2] =	stream.linear.scatter [tilespmem:s2], [sflag:$0x4], $0x7800, $0x38;
	[tilespmem:$0x1E800] =	vst v63  }
0xf7: {  	_ = 	snop  }
0xf8: {  	[hbm4b:s31+s2] =	stream.linear.scatter [tilespmem:s2], [sflag:$0x4], $0x7800, $0x38;
	[tilespmem:$0x1E800] =	vst v63  }
0xf9: {  	_ =	swait.ge [sflag:s4], $0x7800  }
0xfa: {  	[sflag:s4] =	ssyncset.done $0x0  }
0xfb: {  	[sflag:s4] =	ssyncadd.s32 $0xFFFF8800  }
0xfc: {  	_ =	swait.ge [sflag:s4], $0x7800  }
0xfd: {  	[sflag:s4] =	ssyncset.done $0x0  }
0xfe: {  	s14 =	simm.s32 $0x2;
	[sflag:s4] =	ssyncadd.s32 $0xFFFF8800  }
0xff: {  	[tilespmem:s2], [sflag:$0x1] =	stream.linear.gather [hbm4b:s30+s2], $0x7800, $0x38;
	[tilespmem:$0x1E800] =	vst v63  }
0x100: {  	_ =	swait.ge [sflag:s14], $0x7800  }
0x101: {  	[sflag:s14] =	ssyncset.done $0x0  }
0x102: {  	s9 =	simm.s32 $0x7800;
	[sflag:s14] =	ssyncadd.s32 $0xFFFF8800  }
0x103: {  	[hbm4b:s28+s2] =	stream.linear.scatter [tilespmem:s9], [sflag:$0x5], $0x7800, $0x38;
	[tilespmem:$0x1E800] =	vst v63  }
0x104: {  	_ = 	snop  }
0x105: {  	[hbm4b:s29+s2] =	stream.linear.scatter [tilespmem:s9], [sflag:$0x5], $0x7800, $0x38;
	[tilespmem:$0x1E800] =	vst v63  }
0x106: {  	_ =	swait.ge [sflag:s3], $0x7800  }
0x107: {  	[sflag:s3] =	ssyncset.done $0x0  }
0x108: {  	[sflag:s3] =	ssyncadd.s32 $0xFFFF8800  }
0x109: {  	_ =	swait.ge [sflag:s3], $0x7800  }
0x10a: {  	[sflag:s3] =	ssyncset.done $0x0  }
0x10b: {  	s22 =	simm.s32 $0x3;
	[sflag:s3] =	ssyncadd.s32 $0xFFFF8800  }
0x10c: {  	[tilespmem:s9], [sflag:$0x2] =	stream.linear.gather [hbm4b:s26+s2], $0x7800, $0x38;
	[tilespmem:$0x1E800] =	vst v63  }
0x10d: {  	_ =	swait.ge [sflag:s22], $0x7800  }
0x10e: {  	[sflag:s22] =	ssyncset.done $0x0  }
0x10f: {  	[sflag:s22] =	ssyncadd.s32 $0xFFFF8800  }
0x110: {  	[hbm4b:s24+s2] =	stream.linear.scatter [tilespmem:s17], [sflag:$0x6], $0x7800, $0x38;
	[tilespmem:$0x1E800] =	vst v63  }
0x111: {  	_ = 	snop  }
0x112: {  	[hbm4b:s25+s2] =	stream.linear.scatter [tilespmem:s17], [sflag:$0x6], $0x7800, $0x38;
	[tilespmem:$0x1E800] =	vst v63  }
0x113: {  	_ =	swait.ge [sflag:s12], $0x7800  }
0x114: {  	[sflag:s12] =	ssyncset.done $0x0  }
0x115: {  	[sflag:s12] =	ssyncadd.s32 $0xFFFF8800  }
0x116: {  	_ =	swait.ge [sflag:s12], $0x7800  }
0x117: {  	[sflag:s12] =	ssyncset.done $0x0  }
0x118: {  	[sflag:s12] =	ssyncadd.s32 $0xFFFF8800  }
0x119: {  	[tilespmem:s17], [sflag:$0x3] =	stream.linear.gather [hbm4b:s23+s2], $0x7800, $0x38;
	[tilespmem:$0x1E800] =	vst v63  }
0x11a: {  	_ =	swait.ge [sflag:s18], $0x7800  }
0x11b: {  	[sflag:s18] =	ssyncset.done $0x0  }
0x11c: {  	[sflag:s18] =	ssyncadd.s32 $0xFFFF8800  }
0x11d: {  	[hbm4b:s20+s2] =	stream.linear.scatter [tilespmem:s2], [sflag:$0x4], $0x7800, $0x38;
	[tilespmem:$0x1E800] =	vst v63  }
0x11e: {  	_ = 	snop  }
0x11f: {  	[hbm4b:s21+s2] =	stream.linear.scatter [tilespmem:s2], [sflag:$0x4], $0x7800, $0x38;
	[tilespmem:$0x1E800] =	vst v63  }
0x120: {  	_ =	swait.ge [sflag:s4], $0x7800  }
0x121: {  	[sflag:s4] =	ssyncset.done $0x0  }
0x122: {  	[sflag:s4] =	ssyncadd.s32 $0xFFFF8800  }
0x123: {  	_ =	swait.ge [sflag:s4], $0x7800  }
0x124: {  	[sflag:s4] =	ssyncset.done $0x0  }
0x125: {  	[sflag:s4] =	ssyncadd.s32 $0xFFFF8800  }
0x126: {  	[tilespmem:s2], [sflag:$0x1] =	stream.linear.gather [hbm4b:s19+s2], $0x7800, $0x38;
	[tilespmem:$0x1E800] =	vst v63  }
0x127: {  	_ =	swait.ge [sflag:s14], $0x7800  }
0x128: {  	[sflag:s14] =	ssyncset.done $0x0  }
0x129: {  	[sflag:s14] =	ssyncadd.s32 $0xFFFF8800  }
0x12a: {  	[hbm4b:s15+s2] =	stream.linear.scatter [tilespmem:s9], [sflag:$0x5], $0x7800, $0x38;
	[tilespmem:$0x1E800] =	vst v63  }
0x12b: {  	_ = 	snop  }
0x12c: {  	[hbm4b:s16+s2] =	stream.linear.scatter [tilespmem:s9], [sflag:$0x5], $0x7800, $0x38;
	[tilespmem:$0x1E800] =	vst v63  }
0x12d: {  	_ =	swait.ge [sflag:s3], $0x7800  }
0x12e: {  	[sflag:s3] =	ssyncset.done $0x0  }
0x12f: {  	[sflag:s3] =	ssyncadd.s32 $0xFFFF8800  }
0x130: {  	_ =	swait.ge [sflag:s3], $0x7800  }
0x131: {  	[sflag:s3] =	ssyncset.done $0x0  }
0x132: {  	[sflag:s3] =	ssyncadd.s32 $0xFFFF8800  }
0x133: {  	[tilespmem:s9], [sflag:$0x2] =	stream.linear.gather [hbm4b:s13+s2], $0x5000, $0x38;
	[tilespmem:$0x1E800] =	vst v63  }
0x134: {  	_ =	swait.ge [sflag:s22], $0x7800  }
0x135: {  	[sflag:s22] =	ssyncset.done $0x0  }
0x136: {  	[sflag:s22] =	ssyncadd.s32 $0xFFFF8800  }
0x137: {  	[hbm4b:s10+s2] =	stream.linear.scatter [tilespmem:s17], [sflag:$0x6], $0x7800, $0x38;
	[tilespmem:$0x1E800] =	vst v63  }
0x138: {  	_ = 	snop  }
0x139: {  	[hbm4b:s11+s2] =	stream.linear.scatter [tilespmem:s17], [sflag:$0x6], $0x7800, $0x38;
	[tilespmem:$0x1E800] =	vst v63  }
0x13a: {  	_ =	swait.ge [sflag:s18], $0x7800  }
0x13b: {  	[sflag:s18] =	ssyncset.done $0x0  }
0x13c: {  	[sflag:s18] =	ssyncadd.s32 $0xFFFF8800  }
0x13d: {  	[hbm4b:s7+s2] =	stream.linear.scatter [tilespmem:s2], [sflag:$0x4], $0x7800, $0x38;
	[tilespmem:$0x1E800] =	vst v63  }
0x13e: {  	_ = 	snop  }
0x13f: {  	[hbm4b:s8+s2] =	stream.linear.scatter [tilespmem:s2], [sflag:$0x4], $0x7800, $0x38;
	[tilespmem:$0x1E800] =	vst v63  }
0x140: {  	_ =	swait.ge [sflag:s14], $0x5000  }
0x141: {  	[sflag:s14] =	ssyncset.done $0x0  }
0x142: {  	[sflag:s14] =	ssyncadd.s32 $0xFFFFB000  }
0x143: {  	[hbm4b:s5+s2] =	stream.linear.scatter [tilespmem:s9], [sflag:$0x5], $0x5000, $0x38;
	[tilespmem:$0x1E800] =	vst v63  }
0x144: {  	_ = 	snop  }
0x145: {  	[hbm4b:s6+s2] =	stream.linear.scatter [tilespmem:s9], [sflag:$0x5], $0x5000, $0x38;
	[tilespmem:$0x1E800] =	vst v63  }
0x146: {  	_ =	swait.ge [sflag:s12], $0x7800  }
0x147: {  	[sflag:s12] =	ssyncset.done $0x0  }
0x148: {  	[sflag:s12] =	ssyncadd.s32 $0xFFFF8800  }
0x149: {  	_ =	swait.ge [sflag:s12], $0x7800  }
0x14a: {  	[sflag:s12] =	ssyncset.done $0x0  }
0x14b: {  	[sflag:s12] =	ssyncadd.s32 $0xFFFF8800  }
0x14c: {  	_ =	swait.ge [sflag:s4], $0x7800  }
0x14d: {  	[sflag:s4] =	ssyncset.done $0x0  }
0x14e: {  	[sflag:s4] =	ssyncadd.s32 $0xFFFF8800  }
0x14f: {  	_ =	swait.ge [sflag:s4], $0x7800  }
0x150: {  	s1 =	sadd.s32 $0xFFFFFFFF, s1;
	[sflag:s4] =	ssyncset.done $0x0  }
0x151: {  	p2 =	sne.s32 s1, $0x0;
	[sflag:s4] =	ssyncadd.s32 $0xFFFF8800  }
.Ltmp2:
0x152: {  	_ =	swait.ge [sflag:s3], $0x5000;
	(pc) =	sbr.rel @p2 .LBB2_2-.Ltmp2, $4  }
0x153: {  	[sflag:s3] =	ssyncset.done $0x0  }
0x154: {  	[sflag:s3] =	ssyncadd.s32 $0xFFFFB000  }
0x155: {  	_ =	swait.ge [sflag:s3], $0x5000  }
0x156: {  	s0 =	rddreg [dreg:$0x3];
	[sflag:s3] =	ssyncset.done $0x0  }
.LBB2_3:
0x157: {  	[sflag:s3] =	ssyncadd.s32 @p1 $0xFFFFB000  }
0x158: {  	[tilespmem:s2], [sflag:$0x1] =	stream.linear.gather [hbm4b:s0+s2], $0x7800, $0x38;
	[tilespmem:$0x1E800] =	vst v63  }
0x159: {  	s1 =	rddreg [dreg:$0x4]  }
0x15a: {  	[tilespmem:s9], [sflag:$0x2] =	stream.linear.gather [hbm4b:s1+s2], $0x7800, $0x38;
	[tilespmem:$0x1E800] =	vst v63  }
0x15b: {  	s0 =	rddreg [dreg:$0x5]  }
0x15c: {  	[tilespmem:s17], [sflag:$0x3] =	stream.linear.gather [hbm4b:s0+s2], $0x7800, $0x38;
	[tilespmem:$0x1E800] =	vst v63  }
0x15d: {  	_ =	swait.ge [sflag:s18], $0x7800  }
0x15e: {  	[sflag:s18] =	ssyncset.done $0x0  }
0x15f: {  	[sflag:s18] =	ssyncadd.s32 $0xFFFF8800  }
0x160: {  	v0 =	vld @!p0 [tilespmem:$0x0];
	_ =	sdelay $0x2  }
0x161: {  	v1 =	vlaneseq.u32 @!p0  }
0x162: {  	vm0 =	veq.s32 @!p0 v1, $0x0  }
0x163: {  	v0 =	vsel @!p0 vm0, $0x42C80000, v0  }
0x164: {  	s0 =	rddreg [dreg:$0x6];
	[tilespmem:$0x0] =	vst @!p0 v0  }
0x165: {  	[hbm4b:s0+s2] =	stream.linear.scatter [tilespmem:s2], [sflag:$0x4], $0x7800, $0x38;
	[tilespmem:$0x1E800] =	vst v63  }
0x166: {  	s1 =	rddreg [dreg:$0x7]  }
0x167: {  	[hbm4b:s1+s2] =	stream.linear.scatter [tilespmem:s2], [sflag:$0x4], $0x7800, $0x38;
	[tilespmem:$0x1E800] =	vst v63  }
0x168: {  	_ =	swait.ge [sflag:s4], $0x7800  }
0x169: {  	[sflag:s4] =	ssyncset.done $0x0  }
0x16a: {  	[sflag:s4] =	ssyncadd.s32 $0xFFFF8800  }
0x16b: {  	_ =	swait.ge [sflag:s4], $0x7800  }
0x16c: {  	[sflag:s4] =	ssyncset.done $0x0  }
0x16d: {  	s1 =	rddreg [dreg:$0x8];
	[sflag:s4] =	ssyncadd.s32 $0xFFFF8800  }
0x16e: {  	[tilespmem:s2], [sflag:$0x1] =	stream.linear.gather [hbm4b:s1+s2], $0x7800, $0x38;
	[tilespmem:$0x1E800] =	vst v63  }
0x16f: {  	_ =	swait.ge [sflag:s14], $0x7800  }
0x170: {  	[sflag:s14] =	ssyncset.done $0x0  }
0x171: {  	s0 =	rddreg [dreg:$0x9];
	[sflag:s14] =	ssyncadd.s32 $0xFFFF8800  }
0x172: {  	[hbm4b:s0+s2] =	stream.linear.scatter [tilespmem:s9], [sflag:$0x5], $0x7800, $0x38;
	[tilespmem:$0x1E800] =	vst v63  }
0x173: {  	s1 =	rddreg [dreg:$0xa]  }
0x174: {  	[hbm4b:s1+s2] =	stream.linear.scatter [tilespmem:s9], [sflag:$0x5], $0x7800, $0x38;
	[tilespmem:$0x1E800] =	vst v63  }
0x175: {  	_ =	swait.ge [sflag:s3], $0x7800  }
0x176: {  	[sflag:s3] =	ssyncset.done $0x0  }
0x177: {  	[sflag:s3] =	ssyncadd.s32 $0xFFFF8800  }
0x178: {  	_ =	swait.ge [sflag:s3], $0x7800  }
0x179: {  	[sflag:s3] =	ssyncset.done $0x0  }
0x17a: {  	s1 =	rddreg [dreg:$0xb];
	[sflag:s3] =	ssyncadd.s32 $0xFFFF8800  }
0x17b: {  	[tilespmem:s9], [sflag:$0x2] =	stream.linear.gather [hbm4b:s1+s2], $0x7800, $0x38;
	[tilespmem:$0x1E800] =	vst v63  }
0x17c: {  	_ =	swait.ge [sflag:s22], $0x7800  }
0x17d: {  	[sflag:s22] =	ssyncset.done $0x0  }
0x17e: {  	s0 =	rddreg [dreg:$0xc];
	[sflag:s22] =	ssyncadd.s32 $0xFFFF8800  }
0x17f: {  	[hbm4b:s0+s2] =	stream.linear.scatter [tilespmem:s17], [sflag:$0x6], $0x7800, $0x38;
	[tilespmem:$0x1E800] =	vst v63  }
0x180: {  	s1 =	rddreg [dreg:$0xd]  }
0x181: {  	[hbm4b:s1+s2] =	stream.linear.scatter [tilespmem:s17], [sflag:$0x6], $0x7800, $0x38;
	[tilespmem:$0x1E800] =	vst v63  }
0x182: {  	_ =	swait.ge [sflag:s12], $0x7800  }
0x183: {  	[sflag:s12] =	ssyncset.done $0x0  }
0x184: {  	[sflag:s12] =	ssyncadd.s32 $0xFFFF8800  }
0x185: {  	_ =	swait.ge [sflag:s12], $0x7800  }
0x186: {  	[sflag:s12] =	ssyncset.done $0x0  }
0x187: {  	s1 =	rddreg [dreg:$0xe];
	[sflag:s12] =	ssyncadd.s32 $0xFFFF8800  }
0x188: {  	[tilespmem:s17], [sflag:$0x3] =	stream.linear.gather [hbm4b:s1+s2], $0x7800, $0x38;
	[tilespmem:$0x1E800] =	vst v63  }
0x189: {  	_ =	swait.ge [sflag:s18], $0x7800  }
0x18a: {  	[sflag:s18] =	ssyncset.done $0x0  }
0x18b: {  	s1 =	rddreg [dreg:$0xf];
	[sflag:s18] =	ssyncadd.s32 $0xFFFF8800  }
0x18c: {  	[hbm4b:s1+s2] =	stream.linear.scatter [tilespmem:s2], [sflag:$0x4], $0x7800, $0x38;
	[tilespmem:$0x1E800] =	vst v63  }
0x18d: {  	_ = 	snop  }
0x18e: {  	[hbm4b:s31+s2] =	stream.linear.scatter [tilespmem:s2], [sflag:$0x4], $0x7800, $0x38;
	[tilespmem:$0x1E800] =	vst v63  }
0x18f: {  	_ =	swait.ge [sflag:s4], $0x7800  }
0x190: {  	[sflag:s4] =	ssyncset.done $0x0  }
0x191: {  	[sflag:s4] =	ssyncadd.s32 $0xFFFF8800  }
0x192: {  	_ =	swait.ge [sflag:s4], $0x7800  }
0x193: {  	[sflag:s4] =	ssyncset.done $0x0  }
0x194: {  	[sflag:s4] =	ssyncadd.s32 $0xFFFF8800  }
0x195: {  	[tilespmem:s2], [sflag:$0x1] =	stream.linear.gather [hbm4b:s30+s2], $0x7800, $0x38;
	[tilespmem:$0x1E800] =	vst v63  }
0x196: {  	_ =	swait.ge [sflag:s14], $0x7800  }
0x197: {  	[sflag:s14] =	ssyncset.done $0x0  }
0x198: {  	[sflag:s14] =	ssyncadd.s32 $0xFFFF8800  }
0x199: {  	[hbm4b:s28+s2] =	stream.linear.scatter [tilespmem:s9], [sflag:$0x5], $0x7800, $0x38;
	[tilespmem:$0x1E800] =	vst v63  }
0x19a: {  	_ = 	snop  }
0x19b: {  	[hbm4b:s29+s2] =	stream.linear.scatter [tilespmem:s9], [sflag:$0x5], $0x7800, $0x38;
	[tilespmem:$0x1E800] =	vst v63  }
0x19c: {  	_ =	swait.ge [sflag:s3], $0x7800  }
0x19d: {  	[sflag:s3] =	ssyncset.done $0x0  }
0x19e: {  	[sflag:s3] =	ssyncadd.s32 $0xFFFF8800  }
0x19f: {  	_ =	swait.ge [sflag:s3], $0x7800  }
0x1a0: {  	[sflag:s3] =	ssyncset.done $0x0  }
0x1a1: {  	[sflag:s3] =	ssyncadd.s32 $0xFFFF8800  }
0x1a2: {  	[tilespmem:s9], [sflag:$0x2] =	stream.linear.gather [hbm4b:s26+s2], $0x7800, $0x38;
	[tilespmem:$0x1E800] =	vst v63  }
0x1a3: {  	_ =	swait.ge [sflag:s22], $0x7800  }
0x1a4: {  	[sflag:s22] =	ssyncset.done $0x0  }
0x1a5: {  	[sflag:s22] =	ssyncadd.s32 $0xFFFF8800  }
0x1a6: {  	[hbm4b:s24+s2] =	stream.linear.scatter [tilespmem:s17], [sflag:$0x6], $0x7800, $0x38;
	[tilespmem:$0x1E800] =	vst v63  }
0x1a7: {  	_ = 	snop  }
0x1a8: {  	[hbm4b:s25+s2] =	stream.linear.scatter [tilespmem:s17], [sflag:$0x6], $0x7800, $0x38;
	[tilespmem:$0x1E800] =	vst v63  }
0x1a9: {  	_ =	swait.ge [sflag:s12], $0x7800  }
0x1aa: {  	[sflag:s12] =	ssyncset.done $0x0  }
0x1ab: {  	[sflag:s12] =	ssyncadd.s32 $0xFFFF8800  }
0x1ac: {  	_ =	swait.ge [sflag:s12], $0x7800  }
0x1ad: {  	[sflag:s12] =	ssyncset.done $0x0  }
0x1ae: {  	[sflag:s12] =	ssyncadd.s32 $0xFFFF8800  }
0x1af: {  	[tilespmem:s17], [sflag:$0x3] =	stream.linear.gather [hbm4b:s23+s2], $0x7800, $0x38;
	[tilespmem:$0x1E800] =	vst v63  }
0x1b0: {  	_ =	swait.ge [sflag:s18], $0x7800  }
0x1b1: {  	[sflag:s18] =	ssyncset.done $0x0  }
0x1b2: {  	[sflag:s18] =	ssyncadd.s32 $0xFFFF8800  }
0x1b3: {  	[hbm4b:s20+s2] =	stream.linear.scatter [tilespmem:s2], [sflag:$0x4], $0x7800, $0x38;
	[tilespmem:$0x1E800] =	vst v63  }
0x1b4: {  	_ = 	snop  }
0x1b5: {  	[hbm4b:s21+s2] =	stream.linear.scatter [tilespmem:s2], [sflag:$0x4], $0x7800, $0x38;
	[tilespmem:$0x1E800] =	vst v63  }
0x1b6: {  	_ =	swait.ge [sflag:s4], $0x7800  }
0x1b7: {  	[sflag:s4] =	ssyncset.done $0x0  }
0x1b8: {  	[sflag:s4] =	ssyncadd.s32 $0xFFFF8800  }
0x1b9: {  	_ =	swait.ge [sflag:s4], $0x7800  }
0x1ba: {  	[sflag:s4] =	ssyncset.done $0x0  }
0x1bb: {  	[sflag:s4] =	ssyncadd.s32 $0xFFFF8800  }
0x1bc: {  	[tilespmem:s2], [sflag:$0x1] =	stream.linear.gather [hbm4b:s19+s2], $0x7800, $0x38;
	[tilespmem:$0x1E800] =	vst v63  }
0x1bd: {  	_ =	swait.ge [sflag:s14], $0x7800  }
0x1be: {  	[sflag:s14] =	ssyncset.done $0x0  }
0x1bf: {  	[sflag:s14] =	ssyncadd.s32 $0xFFFF8800  }
0x1c0: {  	[hbm4b:s15+s2] =	stream.linear.scatter [tilespmem:s9], [sflag:$0x5], $0x7800, $0x38;
	[tilespmem:$0x1E800] =	vst v63  }
0x1c1: {  	_ = 	snop  }
0x1c2: {  	[hbm4b:s16+s2] =	stream.linear.scatter [tilespmem:s9], [sflag:$0x5], $0x7800, $0x38;
	[tilespmem:$0x1E800] =	vst v63  }
0x1c3: {  	_ =	swait.ge [sflag:s3], $0x7800  }
0x1c4: {  	[sflag:s3] =	ssyncset.done $0x0  }
0x1c5: {  	[sflag:s3] =	ssyncadd.s32 $0xFFFF8800  }
0x1c6: {  	_ =	swait.ge [sflag:s3], $0x7800  }
0x1c7: {  	[sflag:s3] =	ssyncset.done $0x0  }
0x1c8: {  	[sflag:s3] =	ssyncadd.s32 $0xFFFF8800  }
0x1c9: {  	[tilespmem:s9], [sflag:$0x2] =	stream.linear.gather [hbm4b:s13+s2], $0x5000, $0x38;
	[tilespmem:$0x1E800] =	vst v63  }
0x1ca: {  	_ =	swait.ge [sflag:s22], $0x7800  }
0x1cb: {  	[sflag:s22] =	ssyncset.done $0x0  }
0x1cc: {  	[sflag:s22] =	ssyncadd.s32 $0xFFFF8800  }
0x1cd: {  	[hbm4b:s10+s2] =	stream.linear.scatter [tilespmem:s17], [sflag:$0x6], $0x7800, $0x38;
	[tilespmem:$0x1E800] =	vst v63  }
0x1ce: {  	_ = 	snop  }
0x1cf: {  	[hbm4b:s11+s2] =	stream.linear.scatter [tilespmem:s17], [sflag:$0x6], $0x7800, $0x38;
	[tilespmem:$0x1E800] =	vst v63  }
0x1d0: {  	_ =	swait.ge [sflag:s18], $0x7800  }
0x1d1: {  	[sflag:s18] =	ssyncset.done $0x0  }
0x1d2: {  	[sflag:s18] =	ssyncadd.s32 $0xFFFF8800  }
0x1d3: {  	[hbm4b:s7+s2] =	stream.linear.scatter [tilespmem:s2], [sflag:$0x4], $0x7800, $0x38;
	[tilespmem:$0x1E800] =	vst v63  }
0x1d4: {  	_ = 	snop  }
0x1d5: {  	[hbm4b:s8+s2] =	stream.linear.scatter [tilespmem:s2], [sflag:$0x4], $0x7800, $0x38;
	[tilespmem:$0x1E800] =	vst v63  }
0x1d6: {  	_ =	swait.ge [sflag:s14], $0x5000  }
0x1d7: {  	[sflag:s14] =	ssyncset.done $0x0  }
0x1d8: {  	[sflag:s14] =	ssyncadd.s32 $0xFFFFB000  }
0x1d9: {  	[hbm4b:s5+s2] =	stream.linear.scatter [tilespmem:s9], [sflag:$0x5], $0x5000, $0x38;
	[tilespmem:$0x1E800] =	vst v63  }
0x1da: {  	_ = 	snop  }
0x1db: {  	[hbm4b:s6+s2] =	stream.linear.scatter [tilespmem:s9], [sflag:$0x5], $0x5000, $0x38;
	[tilespmem:$0x1E800] =	vst v63  }
0x1dc: {  	_ =	swait.ge [sflag:s12], $0x7800  }
0x1dd: {  	[sflag:s12] =	ssyncset.done $0x0  }
0x1de: {  	[sflag:s12] =	ssyncadd.s32 $0xFFFF8800  }
0x1df: {  	_ =	swait.ge [sflag:s12], $0x7800  }
0x1e0: {  	[sflag:s12] =	ssyncset.done $0x0  }
0x1e1: {  	[sflag:s12] =	ssyncadd.s32 $0xFFFF8800  }
0x1e2: {  	_ =	swait.ge [sflag:s4], $0x7800  }
0x1e3: {  	[sflag:s4] =	ssyncset.done $0x0  }
0x1e4: {  	[sflag:s4] =	ssyncadd.s32 $0xFFFF8800  }
0x1e5: {  	_ =	swait.ge [sflag:s4], $0x7800  }
0x1e6: {  	[sflag:s4] =	ssyncset.done $0x0  }
0x1e7: {  	[sflag:s4] =	ssyncadd.s32 $0xFFFF8800  }
0x1e8: {  	_ =	swait.ge [sflag:s3], $0x5000  }
0x1e9: {  	[sflag:s3] =	ssyncset.done $0x0  }
0x1ea: {  	[sflag:s3] =	ssyncadd.s32 $0xFFFFB000  }
0x1eb: {  	_ =	swait.ge [sflag:s3], $0x5000  }
0x1ec: {  	[sflag:s3] =	ssyncset.done $0x0  }
0x1ed: {  	[sflag:s3] =	ssyncadd.s32 $0xFFFFB000  }
0x1ee: {  	_ =	sfence.sel $0x180000  }
0x1ef: {  	[bflag:$0x0] =	sbarrier.arrive $0xFFFF  }
0x1f0: {  	_ =	strace $0x90000047  }
0x1f1: {  	s31 =	stileid.u32;
	[bflag:$0x2] =	sbarrier.arrive $0xFFFF  }
0x1f2: {  	p0 =	sne.s32 s31, $0x0;
	s0 =	rddreg [dreg:$0x2]  }
0x1f3: {  	s0 =	sadd.s32 @!p0 $0x100000, s0  }
0x1f4: {  	[sflag:s0] =	ssyncadd.tile.s32 @!p0 $0x1;
	_ =	shalt  }
.Lfunc_end2:
_tile_overlayer_lowered:
.L_overlay_start_2:
0x1f5: {  	(tag) =	ssettag $0x2  }
0x1f6: {  	s0 =	rddreg [dreg:$0x0];
	s2 =	stileid.u32  }
0x1f7: {  	s1 =	rddreg [dreg:$0x1];
	p0 =	sne.s32 s2, $0x0  }
0x1f8: {  	s3 =	rddreg [dreg:$0x2];
	[bflag:$0x3] =	sbarrier.arrive $0xFFFF;
	s2 =	simm.s32 @!p0 $0x1C01  }
0x1f9: {  	[timem:s3], [sflag:s2] =	dma.local @!p0 [hbm:s0], s1  }
0x1fa: {  	s0 =	simm.s32 @!p0 $0x1  }
0x1fb: {  	_ =	swait.ge @!p0 [sflag:s0], s1  }
0x1fc: {  	s1 =	ssub.s32 @!p0 $0x0, s1;
	[sflag:s0] =	ssyncset.done @!p0 $0x0  }
0x1fd: {  	[sflag:s0] =	ssyncadd.s32 @!p0 s1  }
0x1fe: {  	[bflag:$0x3] =	sbarrier.arrive $0xFFFF  }
0x1ff: {  	_ =	shalt  }

</sc_bundles>
